<compile_context>
chip_gen: v7x
topology: tpu7x:2x2x1
jax: 0.10.2.dev20260603
libtpu: 0.0.44.dev20260713+nightly
codegen_flags: <defaults>
</compile_context>

<pallas_src>
import functools
import math

import jax
import jax.numpy as jnp
from jax import lax
from jax.experimental import pallas as pl
from jax.experimental.pallas import tpu as pltpu
from jax.experimental.pallas import tpu_sc as plsc

NUM_BUCKETS = 32
MAX_DISTANCE = 128
N_HEADS = 16
SEQ = 2048
TBL = 4096
UNROLL = 8


def _table_body(w_ref, t_ref):
    x = lax.broadcasted_iota(jnp.int32, (1, TBL), 1)
    d = x - (SEQ - 1)

    num_buckets = NUM_BUCKETS // 2
    max_exact = num_buckets // 2
    rel_buckets = jnp.where(d > 0, num_buckets, 0)
    rp = jnp.abs(d)
    is_small = rp < max_exact
    rp_safe = jnp.maximum(rp, 1).astype(jnp.float32)
    large = max_exact + (
        jnp.log(rp_safe / max_exact)
        / math.log(MAX_DISTANCE / max_exact)
        * (num_buckets - max_exact)
    ).astype(jnp.int32)
    large = jnp.minimum(large, num_buckets - 1)
    bucket = rel_buckets + jnp.where(is_small, rp, large)

    bidx = lax.broadcasted_iota(jnp.int32, (NUM_BUCKETS, TBL), 0)
    onehot = (bidx == bucket).astype(jnp.float32)
    t_ref[...] = lax.dot_general(
        w_ref[...], onehot, (((0,), (0,)), ((), ())),
        preferred_element_type=jnp.float32,
        precision=lax.Precision.HIGHEST,
    )


_build_table = pl.pallas_call(
    _table_body,
    out_shape=jax.ShapeDtypeStruct((N_HEADS, TBL), jnp.float32),
)


_sc_mesh = plsc.VectorSubcoreMesh(core_axis_name="c", subcore_axis_name="s")


@functools.partial(
    pl.kernel,
    out_type=jax.ShapeDtypeStruct((1, N_HEADS, SEQ, SEQ), jnp.float32),
    mesh=_sc_mesh,
    scratch_types=[
        pltpu.VMEM((TBL,), jnp.float32),
        pltpu.VMEM((2, 8, SEQ), jnp.float32),
        pltpu.SemaphoreType.DMA,
    ],
    compiler_params=pltpu.CompilerParams(needs_layout_passes=False),
)
def _expand(t_hbm, out_hbm, tbl_v, buf_v, sem):
    core = lax.axis_index("c")
    sub = lax.axis_index("s")
    h = sub
    base_row = core * (SEQ // 2)
    ntr = SEQ // 2 // 8

    pltpu.sync_copy(t_hbm.at[pl.ds(pl.multiple_of(h * TBL, 8), TBL)], tbl_v)

    iota = lax.iota(jnp.int32, 16)

    def make_dma(t):
        slot = lax.bitwise_and(t, 1)
        row0 = pl.multiple_of(base_row + t * 8, 8)
        return pltpu.make_async_copy(
            buf_v.at[slot], out_hbm.at[0, h, pl.ds(row0, 8)], sem
        )

    def tile_block(t, _):
        slot = lax.bitwise_and(t, 1)
        row0 = base_row + t * 8

        @pl.when(t >= 2)
        def _():
            make_dma(t - 2).wait()

        for a in range(8):
            idx0 = ((SEQ - 1) - row0 - a) + iota

            @plsc.parallel_loop(0, SEQ // (UNROLL * 16), unroll=4)
            def _(cc, a=a, idx0=idx0, slot=slot):
                base = cc * (UNROLL * 16)
                vals = []
                for u in range(UNROLL):
                    idx = idx0 + (base + u * 16)
                    vals.append(plsc.load_gather(tbl_v, [idx]))
                for u in range(UNROLL):
                    col = pl.multiple_of(base + u * 16, 16)
                    buf_v[slot, a, pl.ds(col, 16)] = vals[u]

        make_dma(t).start()
        return 0

    lax.fori_loop(0, ntr, tile_block, 0)
    make_dma(ntr - 2).wait()
    make_dma(ntr - 1).wait()


def _copy_body(q_ref, k_ref, v_ref, qo_ref, ko_ref, vo_ref):
    qo_ref[...] = q_ref[...]
    ko_ref[...] = k_ref[...]
    vo_ref[...] = v_ref[...]


def _passthrough(q, k, v):
    blk = pl.BlockSpec((1, 1024, 1024), lambda b, i: (b, i, 0))
    return pl.pallas_call(
        _copy_body,
        grid=(2, 2),
        in_specs=[blk, blk, blk],
        out_specs=[blk, blk, blk],
        out_shape=[jax.ShapeDtypeStruct(q.shape, q.dtype)] * 3,
    )(q, k, v)


@jax.jit
def _bias(w):
    table = _build_table(w)
    return _expand(table.reshape(N_HEADS * TBL))


def kernel(q, k, v, W):
    qc, kc, vc = _passthrough(q, k, v)
    return (qc, kc, vc, _bias(W))

# --- scband reference (transcript-rebuilt; emitter-appended) ---
"""Pipeline reference for scband-relative-positional-encoding-17643725652038 (READ-ONLY COPY).

The authoritative reference and input builder live on the scoring server;
editing this copy changes nothing except your own understanding.
"""

import math
import jax, jax.numpy as jnp
import numpy as np

NUM_BUCKETS = 32
MAX_DISTANCE = 128
N_HEADS = 16
BIDIRECTIONAL = True


def setup_inputs(seed: int = 0) -> dict:
    key = jax.random.key(seed)
    k1, k2, k3, k4 = jax.random.split(key, 4)
    q = jax.random.normal(k1, (2, 2048, 1024), dtype=jnp.float32)
    k = jax.random.normal(k2, (2, 2048, 1024), dtype=jnp.float32)
    v = jax.random.normal(k3, (2, 2048, 1024), dtype=jnp.float32)
    W = jax.random.normal(k4, (NUM_BUCKETS, N_HEADS), dtype=jnp.float32) * 0.02
    return {"q": q, "k": k, "v": v, "W": W}


def _relative_position_bucket(relative_position, bidirectional=True, num_buckets=32, max_distance=128):
    relative_buckets = jnp.zeros_like(relative_position)
    if bidirectional:
        num_buckets //= 2
        relative_buckets = relative_buckets + (relative_position > 0).astype(jnp.int32) * num_buckets
        relative_position = jnp.abs(relative_position)
    else:
        relative_position = -jnp.minimum(relative_position, jnp.zeros_like(relative_position))
    max_exact = num_buckets // 2
    is_small = relative_position < max_exact
    rp_safe = jnp.maximum(relative_position, 1).astype(jnp.float32)
    relative_position_if_large = max_exact + (
        jnp.log(rp_safe / max_exact) / math.log(max_distance / max_exact) * (num_buckets - max_exact)
    ).astype(jnp.int32)
    relative_position_if_large = jnp.minimum(
        relative_position_if_large, jnp.full_like(relative_position_if_large, num_buckets - 1)
    )
    relative_buckets = relative_buckets + jnp.where(is_small, relative_position, relative_position_if_large)
    return relative_buckets


def reference(q, k, v, W):
    query_length = q.shape[1]
    key_length = k.shape[1]
    context_position = jnp.arange(query_length, dtype=jnp.int32)[:, None]
    memory_position = jnp.arange(key_length, dtype=jnp.int32)[None, :]
    relative_position = memory_position - context_position
    relative_position_bucket = _relative_position_bucket(
        relative_position, bidirectional=BIDIRECTIONAL, num_buckets=NUM_BUCKETS, max_distance=MAX_DISTANCE
    )
    values = jnp.take(W, relative_position_bucket, axis=0)  # [q_len, k_len, n_heads]
    values = jnp.transpose(values, (2, 0, 1))[None, ...]  # [1, n_heads, q_len, k_len]
    bias = values.astype(q.dtype)
    return (q, k, v, bias)

if __name__ == "__main__":
    import jax
    _d = setup_inputs()
    print(jax.jit(kernel)(*tuple(_d.values())))

</pallas_src>

<mosaic_0001>
#map = affine_map<(d0, d1) -> (0)>
#map1 = affine_map<(d0, d1) -> (0, 0, 0, 0)>
module attributes {stable_mosaic.version = 14 : i64} {
  func.func @_expand(%arg0: i32, %arg1: i32, %arg2: memref<65536xf32, #tpu.memory_space<hbm>>, %arg3: memref<1x16x2048x2048xf32, #tpu.memory_space<hbm>>, %arg4: memref<4096xf32, #tpu.memory_space<vmem>>, %arg5: memref<2x8x2048xf32, #tpu.memory_space<vmem>>, %arg6: memref<!tpu.dma_semaphore, #tpu.memory_space<semaphore_mem>>) attributes {dimension_semantics = [#tpu.dimension_semantics<core_parallel>, #tpu.dimension_semantics<subcore_parallel>], iteration_bounds = array<i64: 2, 16>, scalar_prefetch = 0 : i64, scratch_operands = 3 : i64, tpu.core_type = #tpu.core_type<sc_vector_subcore>, window_params = [{transform_indices = #map}, {transform_indices = #map1}]} {
    %mul3A = arith.constant 1024 : i32
    %mul3A_0 = arith.muli %arg0, %mul3A : i32
    %mul3A_1 = arith.constant 4096 : i32
    %mul3A_2 = arith.muli %arg1, %mul3A_1 : i32
    %multiple_of3A = tpu.assume_multiple %mul3A_2, 8 : i32
    "tpu.region"() ({
      %run_scoped3A = tpu.sem_alloc : memref<!tpu.dma_semaphore, #tpu.memory_space<semaphore_mem>>
      %dma_start3A = tpu.memref_slice %arg2[%multiple_of3A] : memref<65536xf32, #tpu.memory_space<hbm>> -> memref<4096xf32, #tpu.memory_space<hbm>>
      %dma_start3A_48 = tpu.memref_slice %arg2[%multiple_of3A] : memref<65536xf32, #tpu.memory_space<hbm>> -> memref<4096xf32, #tpu.memory_space<hbm>>
      tpu.enqueue_dma source(%dma_start3A_48 : memref<4096xf32, #tpu.memory_space<hbm>>) target(%arg4 : memref<4096xf32, #tpu.memory_space<vmem>>) target_semaphore(%run_scoped3A : memref<!tpu.dma_semaphore, #tpu.memory_space<semaphore_mem>>)
      %dma_wait3A_49 = tpu.memref_slice %arg2[%multiple_of3A] : memref<65536xf32, #tpu.memory_space<hbm>> -> memref<4096xf32, #tpu.memory_space<hbm>>
      %dma_wait3A_50 = tpu.memref_slice %arg2[%multiple_of3A] : memref<65536xf32, #tpu.memory_space<hbm>> -> memref<4096xf32, #tpu.memory_space<hbm>>
      tpu.wait_dma2 semaphore(%run_scoped3A : memref<!tpu.dma_semaphore, #tpu.memory_space<semaphore_mem>>) src(%dma_wait3A_50 : memref<4096xf32, #tpu.memory_space<hbm>>) dst(%arg4 : memref<4096xf32, #tpu.memory_space<vmem>>)
      tpu.yield
    }) : () -> ()
    %iota3A = tpu.iota {dimensions = array<i32: 0>} : vector<16xi32>
    %scan3A = arith.constant 0 : i32
    %scan3A_3 = arith.constant 0 : i32
    %scan3A_4 = arith.constant 128 : i32
    %scan3A_5 = arith.addi %scan3A_3, %scan3A_4 : i32
    %scan3A_6 = arith.constant 1 : i32
    %scan3A_7 = scf.for %scan3A_48 = %scan3A_3 to %scan3A_5 step %scan3A_6 iter_args(%scan3A_49 = %scan3A) -> (i32)  : i32 {
      %and3A_50 = arith.constant 1 : i32
      %and3A_51 = arith.andi %scan3A_48, %and3A_50 : i32
      %mul3A_52 = arith.constant 8 : i32
      %mul3A_53 = arith.muli %scan3A_48, %mul3A_52 : i32
      %add3A_54 = arith.addi %mul3A_0, %mul3A_53 : i32
      %ge3A = arith.constant 2 : i32
      %ge3A_55 = arith.cmpi sge, %scan3A_48, %ge3A : i32
      %convert_element_type3A = arith.extui %ge3A_55 : i1 to i32
      %cond3A = arith.constant 0 : i32
      %cond3A_56 = arith.cmpi ne, %convert_element_type3A, %cond3A : i32
      scf.if %cond3A_56 {
        %sub3A_148 = arith.constant 2 : i32
        %sub3A_149 = arith.subi %scan3A_48, %sub3A_148 : i32
        %and3A_150 = arith.constant 1 : i32
        %and3A_151 = arith.andi %sub3A_149, %and3A_150 : i32
        %mul3A_152 = arith.constant 8 : i32
        %mul3A_153 = arith.muli %sub3A_149, %mul3A_152 : i32
        %add3A_154 = arith.addi %mul3A_0, %mul3A_153 : i32
        %multiple_of3A_155 = tpu.assume_multiple %add3A_154, 8 : i32
        %dma_wait3A_156 = arith.constant 0 : i32
        %dma_wait3A_157 = arith.constant 0 : i32
        %dma_wait3A_158 = arith.constant 0 : i32
        %dma_wait3A_159 = tpu.memref_slice %arg5[%and3A_151, %dma_wait3A_157, %dma_wait3A_158] : memref<2x8x2048xf32, #tpu.memory_space<vmem>> -> memref<1x8x2048xf32, #tpu.memory_space<vmem>>
        %dma_wait3A_160 = tpu.memref_squeeze %dma_wait3A_159 : memref<1x8x2048xf32, #tpu.memory_space<vmem>> -> memref<8x2048xf32, #tpu.memory_space<vmem>>
        %dma_wait3A_161 = arith.constant 0 : i32
        %dma_wait3A_162 = tpu.memref_slice %arg3[%dma_wait3A_156, %arg1, %multiple_of3A_155, %dma_wait3A_161] : memref<1x16x2048x2048xf32, #tpu.memory_space<hbm>> -> memref<1x1x8x2048xf32, #tpu.memory_space<hbm>>
        %dma_wait3A_163 = tpu.memref_squeeze %dma_wait3A_162 : memref<1x1x8x2048xf32, #tpu.memory_space<hbm>> -> memref<8x2048xf32, #tpu.memory_space<hbm>>
        %dma_wait3A_164 = arith.constant 0 : i32
        %dma_wait3A_165 = tpu.memref_slice %arg3[%dma_wait3A_156, %arg1, %multiple_of3A_155, %dma_wait3A_164] : memref<1x16x2048x2048xf32, #tpu.memory_space<hbm>> -> memref<1x1x8x2048xf32, #tpu.memory_space<hbm>>
        %dma_wait3A_166 = tpu.memref_squeeze %dma_wait3A_165 : memref<1x1x8x2048xf32, #tpu.memory_space<hbm>> -> memref<8x2048xf32, #tpu.memory_space<hbm>>
        %dma_wait3A_167 = arith.constant 0 : i32
        %dma_wait3A_168 = arith.constant 0 : i32
        %dma_wait3A_169 = tpu.memref_slice %arg5[%and3A_151, %dma_wait3A_167, %dma_wait3A_168] : memref<2x8x2048xf32, #tpu.memory_space<vmem>> -> memref<1x8x2048xf32, #tpu.memory_space<vmem>>
        %dma_wait3A_170 = tpu.memref_squeeze %dma_wait3A_169 : memref<1x8x2048xf32, #tpu.memory_space<vmem>> -> memref<8x2048xf32, #tpu.memory_space<vmem>>
        tpu.wait_dma2 semaphore(%arg6 : memref<!tpu.dma_semaphore, #tpu.memory_space<semaphore_mem>>) src(%dma_wait3A_170 : memref<8x2048xf32, #tpu.memory_space<vmem>>) dst(%dma_wait3A_166 : memref<8x2048xf32, #tpu.memory_space<hbm>>)
      } else {
      }
      %sub3A = arith.constant 2047 : i32
      %sub3A_57 = arith.subi %sub3A, %add3A_54 : i32
      %sub3A_58 = arith.constant 0 : i32
      %sub3A_59 = arith.subi %sub3A_57, %sub3A_58 : i32
      %add3A_60 = vector.broadcast %sub3A_59 : i32 to vector<16xi32>
      %add3A_61 = arith.addi %add3A_60, %iota3A : vector<16xi32>
      %parallel_loop3A = arith.constant 0 : i32
      %parallel_loop3A_62 = arith.constant 16 : i32
      %parallel_loop3A_63 = arith.constant 1 : i32
      scf.for %parallel_loop3A_148 = %parallel_loop3A to %parallel_loop3A_62 step %parallel_loop3A_63  : i32 {
        %parallel_loop3A_149 = arith.constant 128 : i32
        %parallel_loop3A_150 = arith.muli %parallel_loop3A_148, %parallel_loop3A_149 : i32
        %parallel_loop3A_151 = arith.constant 0 : i32
        %parallel_loop3A_152 = arith.addi %parallel_loop3A_150, %parallel_loop3A_151 : i32
        %parallel_loop3A_153 = vector.broadcast %parallel_loop3A_152 : i32 to vector<16xi32>
        %parallel_loop3A_154 = arith.addi %add3A_61, %parallel_loop3A_153 : vector<16xi32>
        %parallel_loop3A_155 = tpu.vector_load_idx %arg4[%parallel_loop3A_154] : memref<4096xf32, #tpu.memory_space<vmem>>[vector<16xi32>], vector<16xf32>,
        %parallel_loop3A_156 = arith.constant 16 : i32
        %parallel_loop3A_157 = arith.addi %parallel_loop3A_150, %parallel_loop3A_156 : i32
        %parallel_loop3A_158 = vector.broadcast %parallel_loop3A_157 : i32 to vector<16xi32>
        %parallel_loop3A_159 = arith.addi %add3A_61, %parallel_loop3A_158 : vector<16xi32>
        %parallel_loop3A_160 = tpu.vector_load_idx %arg4[%parallel_loop3A_159] : memref<4096xf32, #tpu.memory_space<vmem>>[vector<16xi32>], vector<16xf32>,
        %parallel_loop3A_161 = arith.constant 32 : i32
        %parallel_loop3A_162 = arith.addi %parallel_loop3A_150, %parallel_loop3A_161 : i32
        %parallel_loop3A_163 = vector.broadcast %parallel_loop3A_162 : i32 to vector<16xi32>
        %parallel_loop3A_164 = arith.addi %add3A_61, %parallel_loop3A_163 : vector<16xi32>
        %parallel_loop3A_165 = tpu.vector_load_idx %arg4[%parallel_loop3A_164] : memref<4096xf32, #tpu.memory_space<vmem>>[vector<16xi32>], vector<16xf32>,
        %parallel_loop3A_166 = arith.constant 48 : i32
        %parallel_loop3A_167 = arith.addi %parallel_loop3A_150, %parallel_loop3A_166 : i32
        %parallel_loop3A_168 = vector.broadcast %parallel_loop3A_167 : i32 to vector<16xi32>
        %parallel_loop3A_169 = arith.addi %add3A_61, %parallel_loop3A_168 : vector<16xi32>
        %parallel_loop3A_170 = tpu.vector_load_idx %arg4[%parallel_loop3A_169] : memref<4096xf32, #tpu.memory_space<vmem>>[vector<16xi32>], vector<16xf32>,
        %parallel_loop3A_171 = arith.constant 64 : i32
        %parallel_loop3A_172 = arith.addi %parallel_loop3A_150, %parallel_loop3A_171 : i32
        %parallel_loop3A_173 = vector.broadcast %parallel_loop3A_172 : i32 to vector<16xi32>
        %parallel_loop3A_174 = arith.addi %add3A_61, %parallel_loop3A_173 : vector<16xi32>
        %parallel_loop3A_175 = tpu.vector_load_idx %arg4[%parallel_loop3A_174] : memref<4096xf32, #tpu.memory_space<vmem>>[vector<16xi32>], vector<16xf32>,
        %parallel_loop3A_176 = arith.constant 80 : i32
        %parallel_loop3A_177 = arith.addi %parallel_loop3A_150, %parallel_loop3A_176 : i32
        %parallel_loop3A_178 = vector.broadcast %parallel_loop3A_177 : i32 to vector<16xi32>
        %parallel_loop3A_179 = arith.addi %add3A_61, %parallel_loop3A_178 : vector<16xi32>
        %parallel_loop3A_180 = tpu.vector_load_idx %arg4[%parallel_loop3A_179] : memref<4096xf32, #tpu.memory_space<vmem>>[vector<16xi32>], vector<16xf32>,
        %parallel_loop3A_181 = arith.constant 96 : i32
        %parallel_loop3A_182 = arith.addi %parallel_loop3A_150, %parallel_loop3A_181 : i32
        %parallel_loop3A_183 = vector.broadcast %parallel_loop3A_182 : i32 to vector<16xi32>
        %parallel_loop3A_184 = arith.addi %add3A_61, %parallel_loop3A_183 : vector<16xi32>
        %parallel_loop3A_185 = tpu.vector_load_idx %arg4[%parallel_loop3A_184] : memref<4096xf32, #tpu.memory_space<vmem>>[vector<16xi32>], vector<16xf32>,
        %parallel_loop3A_186 = arith.constant 112 : i32
        %parallel_loop3A_187 = arith.addi %parallel_loop3A_150, %parallel_loop3A_186 : i32
        %parallel_loop3A_188 = vector.broadcast %parallel_loop3A_187 : i32 to vector<16xi32>
        %parallel_loop3A_189 = arith.addi %add3A_61, %parallel_loop3A_188 : vector<16xi32>
        %parallel_loop3A_190 = tpu.vector_load_idx %arg4[%parallel_loop3A_189] : memref<4096xf32, #tpu.memory_space<vmem>>[vector<16xi32>], vector<16xf32>,
        %parallel_loop3A_191 = arith.constant 0 : i32
        %parallel_loop3A_192 = arith.addi %parallel_loop3A_150, %parallel_loop3A_191 : i32
        %parallel_loop3A_193 = tpu.assume_multiple %parallel_loop3A_192, 16 : i32
        %parallel_loop3A_194 = arith.constant 0 : i32
        %parallel_loop3A_195 = arith.index_cast %and3A_51 : i32 to index
        %parallel_loop3A_196 = arith.index_cast %parallel_loop3A_194 : i32 to index
        %parallel_loop3A_197 = arith.index_cast %parallel_loop3A_193 : i32 to index
        %parallel_loop3A_198 = tpu.vector_load %arg5[%parallel_loop3A_195, %parallel_loop3A_196, %parallel_loop3A_197] {strides = array<i32>} : memref<2x8x2048xf32, #tpu.memory_space<vmem>>, vector<16xf32>,
        tpu.vector_store %arg5[%parallel_loop3A_195, %parallel_loop3A_196, %parallel_loop3A_197], %parallel_loop3A_155 {strides = array<i32>} : memref<2x8x2048xf32, #tpu.memory_space<vmem>>, vector<16xf32>,
        %parallel_loop3A_199 = arith.constant 16 : i32
        %parallel_loop3A_200 = arith.addi %parallel_loop3A_150, %parallel_loop3A_199 : i32
        %parallel_loop3A_201 = tpu.assume_multiple %parallel_loop3A_200, 16 : i32
        %parallel_loop3A_202 = arith.constant 0 : i32
        %parallel_loop3A_203 = arith.index_cast %and3A_51 : i32 to index
        %parallel_loop3A_204 = arith.index_cast %parallel_loop3A_202 : i32 to index
        %parallel_loop3A_205 = arith.index_cast %parallel_loop3A_201 : i32 to index
        %parallel_loop3A_206 = tpu.vector_load %arg5[%parallel_loop3A_203, %parallel_loop3A_204, %parallel_loop3A_205] {strides = array<i32>} : memref<2x8x2048xf32, #tpu.memory_space<vmem>>, vector<16xf32>,
        tpu.vector_store %arg5[%parallel_loop3A_203, %parallel_loop3A_204, %parallel_loop3A_205], %parallel_loop3A_160 {strides = array<i32>} : memref<2x8x2048xf32, #tpu.memory_space<vmem>>, vector<16xf32>,
        %parallel_loop3A_207 = arith.constant 32 : i32
        %parallel_loop3A_208 = arith.addi %parallel_loop3A_150, %parallel_loop3A_207 : i32
        %parallel_loop3A_209 = tpu.assume_multiple %parallel_loop3A_208, 16 : i32
        %parallel_loop3A_210 = arith.constant 0 : i32
        %parallel_loop3A_211 = arith.index_cast %and3A_51 : i32 to index
        %parallel_loop3A_212 = arith.index_cast %parallel_loop3A_210 : i32 to index
        %parallel_loop3A_213 = arith.index_cast %parallel_loop3A_209 : i32 to index
        %parallel_loop3A_214 = tpu.vector_load %arg5[%parallel_loop3A_211, %parallel_loop3A_212, %parallel_loop3A_213] {strides = array<i32>} : memref<2x8x2048xf32, #tpu.memory_space<vmem>>, vector<16xf32>,
        tpu.vector_store %arg5[%parallel_loop3A_211, %parallel_loop3A_212, %parallel_loop3A_213], %parallel_loop3A_165 {strides = array<i32>} : memref<2x8x2048xf32, #tpu.memory_space<vmem>>, vector<16xf32>,
        %parallel_loop3A_215 = arith.constant 48 : i32
        %parallel_loop3A_216 = arith.addi %parallel_loop3A_150, %parallel_loop3A_215 : i32
        %parallel_loop3A_217 = tpu.assume_multiple %parallel_loop3A_216, 16 : i32
        %parallel_loop3A_218 = arith.constant 0 : i32
        %parallel_loop3A_219 = arith.index_cast %and3A_51 : i32 to index
        %parallel_loop3A_220 = arith.index_cast %parallel_loop3A_218 : i32 to index
        %parallel_loop3A_221 = arith.index_cast %parallel_loop3A_217 : i32 to index
        %parallel_loop3A_222 = tpu.vector_load %arg5[%parallel_loop3A_219, %parallel_loop3A_220, %parallel_loop3A_221] {strides = array<i32>} : memref<2x8x2048xf32, #tpu.memory_space<vmem>>, vector<16xf32>,
        tpu.vector_store %arg5[%parallel_loop3A_219, %parallel_loop3A_220, %parallel_loop3A_221], %parallel_loop3A_170 {strides = array<i32>} : memref<2x8x2048xf32, #tpu.memory_space<vmem>>, vector<16xf32>,
        %parallel_loop3A_223 = arith.constant 64 : i32
        %parallel_loop3A_224 = arith.addi %parallel_loop3A_150, %parallel_loop3A_223 : i32
        %parallel_loop3A_225 = tpu.assume_multiple %parallel_loop3A_224, 16 : i32
        %parallel_loop3A_226 = arith.constant 0 : i32
        %parallel_loop3A_227 = arith.index_cast %and3A_51 : i32 to index
        %parallel_loop3A_228 = arith.index_cast %parallel_loop3A_226 : i32 to index
        %parallel_loop3A_229 = arith.index_cast %parallel_loop3A_225 : i32 to index
        %parallel_loop3A_230 = tpu.vector_load %arg5[%parallel_loop3A_227, %parallel_loop3A_228, %parallel_loop3A_229] {strides = array<i32>} : memref<2x8x2048xf32, #tpu.memory_space<vmem>>, vector<16xf32>,
        tpu.vector_store %arg5[%parallel_loop3A_227, %parallel_loop3A_228, %parallel_loop3A_229], %parallel_loop3A_175 {strides = array<i32>} : memref<2x8x2048xf32, #tpu.memory_space<vmem>>, vector<16xf32>,
        %parallel_loop3A_231 = arith.constant 80 : i32
        %parallel_loop3A_232 = arith.addi %parallel_loop3A_150, %parallel_loop3A_231 : i32
        %parallel_loop3A_233 = tpu.assume_multiple %parallel_loop3A_232, 16 : i32
        %parallel_loop3A_234 = arith.constant 0 : i32
        %parallel_loop3A_235 = arith.index_cast %and3A_51 : i32 to index
        %parallel_loop3A_236 = arith.index_cast %parallel_loop3A_234 : i32 to index
        %parallel_loop3A_237 = arith.index_cast %parallel_loop3A_233 : i32 to index
        %parallel_loop3A_238 = tpu.vector_load %arg5[%parallel_loop3A_235, %parallel_loop3A_236, %parallel_loop3A_237] {strides = array<i32>} : memref<2x8x2048xf32, #tpu.memory_space<vmem>>, vector<16xf32>,
        tpu.vector_store %arg5[%parallel_loop3A_235, %parallel_loop3A_236, %parallel_loop3A_237], %parallel_loop3A_180 {strides = array<i32>} : memref<2x8x2048xf32, #tpu.memory_space<vmem>>, vector<16xf32>,
        %parallel_loop3A_239 = arith.constant 96 : i32
        %parallel_loop3A_240 = arith.addi %parallel_loop3A_150, %parallel_loop3A_239 : i32
        %parallel_loop3A_241 = tpu.assume_multiple %parallel_loop3A_240, 16 : i32
        %parallel_loop3A_242 = arith.constant 0 : i32
        %parallel_loop3A_243 = arith.index_cast %and3A_51 : i32 to index
        %parallel_loop3A_244 = arith.index_cast %parallel_loop3A_242 : i32 to index
        %parallel_loop3A_245 = arith.index_cast %parallel_loop3A_241 : i32 to index
        %parallel_loop3A_246 = tpu.vector_load %arg5[%parallel_loop3A_243, %parallel_loop3A_244, %parallel_loop3A_245] {strides = array<i32>} : memref<2x8x2048xf32, #tpu.memory_space<vmem>>, vector<16xf32>,
        tpu.vector_store %arg5[%parallel_loop3A_243, %parallel_loop3A_244, %parallel_loop3A_245], %parallel_loop3A_185 {strides = array<i32>} : memref<2x8x2048xf32, #tpu.memory_space<vmem>>, vector<16xf32>,
        %parallel_loop3A_247 = arith.constant 112 : i32
        %parallel_loop3A_248 = arith.addi %parallel_loop3A_150, %parallel_loop3A_247 : i32
        %parallel_loop3A_249 = tpu.assume_multiple %parallel_loop3A_248, 16 : i32
        %parallel_loop3A_250 = arith.constant 0 : i32
        %parallel_loop3A_251 = arith.index_cast %and3A_51 : i32 to index
        %parallel_loop3A_252 = arith.index_cast %parallel_loop3A_250 : i32 to index
        %parallel_loop3A_253 = arith.index_cast %parallel_loop3A_249 : i32 to index
        %parallel_loop3A_254 = tpu.vector_load %arg5[%parallel_loop3A_251, %parallel_loop3A_252, %parallel_loop3A_253] {strides = array<i32>} : memref<2x8x2048xf32, #tpu.memory_space<vmem>>, vector<16xf32>,
        tpu.vector_store %arg5[%parallel_loop3A_251, %parallel_loop3A_252, %parallel_loop3A_253], %parallel_loop3A_190 {strides = array<i32>} : memref<2x8x2048xf32, #tpu.memory_space<vmem>>, vector<16xf32>,
      } {sc.loop_unroll_factor = 4 : i64, sc.parallel_access}
      %sub3A_64 = arith.constant 2047 : i32
      %sub3A_65 = arith.subi %sub3A_64, %add3A_54 : i32
      %sub3A_66 = arith.constant 1 : i32
      %sub3A_67 = arith.subi %sub3A_65, %sub3A_66 : i32
      %add3A_68 = vector.broadcast %sub3A_67 : i32 to vector<16xi32>
      %add3A_69 = arith.addi %add3A_68, %iota3A : vector<16xi32>
      %parallel_loop3A_70 = arith.constant 0 : i32
      %parallel_loop3A_71 = arith.constant 16 : i32
      %parallel_loop3A_72 = arith.constant 1 : i32
      scf.for %parallel_loop3A_148 = %parallel_loop3A_70 to %parallel_loop3A_71 step %parallel_loop3A_72  : i32 {
        %parallel_loop3A_149 = arith.constant 128 : i32
        %parallel_loop3A_150 = arith.muli %parallel_loop3A_148, %parallel_loop3A_149 : i32
        %parallel_loop3A_151 = arith.constant 0 : i32
        %parallel_loop3A_152 = arith.addi %parallel_loop3A_150, %parallel_loop3A_151 : i32
        %parallel_loop3A_153 = vector.broadcast %parallel_loop3A_152 : i32 to vector<16xi32>
        %parallel_loop3A_154 = arith.addi %add3A_69, %parallel_loop3A_153 : vector<16xi32>
        %parallel_loop3A_155 = tpu.vector_load_idx %arg4[%parallel_loop3A_154] : memref<4096xf32, #tpu.memory_space<vmem>>[vector<16xi32>], vector<16xf32>,
        %parallel_loop3A_156 = arith.constant 16 : i32
        %parallel_loop3A_157 = arith.addi %parallel_loop3A_150, %parallel_loop3A_156 : i32
        %parallel_loop3A_158 = vector.broadcast %parallel_loop3A_157 : i32 to vector<16xi32>
        %parallel_loop3A_159 = arith.addi %add3A_69, %parallel_loop3A_158 : vector<16xi32>
        %parallel_loop3A_160 = tpu.vector_load_idx %arg4[%parallel_loop3A_159] : memref<4096xf32, #tpu.memory_space<vmem>>[vector<16xi32>], vector<16xf32>,
        %parallel_loop3A_161 = arith.constant 32 : i32
        %parallel_loop3A_162 = arith.addi %parallel_loop3A_150, %parallel_loop3A_161 : i32
        %parallel_loop3A_163 = vector.broadcast %parallel_loop3A_162 : i32 to vector<16xi32>
        %parallel_loop3A_164 = arith.addi %add3A_69, %parallel_loop3A_163 : vector<16xi32>
        %parallel_loop3A_165 = tpu.vector_load_idx %arg4[%parallel_loop3A_164] : memref<4096xf32, #tpu.memory_space<vmem>>[vector<16xi32>], vector<16xf32>,
        %parallel_loop3A_166 = arith.constant 48 : i32
        %parallel_loop3A_167 = arith.addi %parallel_loop3A_150, %parallel_loop3A_166 : i32
        %parallel_loop3A_168 = vector.broadcast %parallel_loop3A_167 : i32 to vector<16xi32>
        %parallel_loop3A_169 = arith.addi %add3A_69, %parallel_loop3A_168 : vector<16xi32>
        %parallel_loop3A_170 = tpu.vector_load_idx %arg4[%parallel_loop3A_169] : memref<4096xf32, #tpu.memory_space<vmem>>[vector<16xi32>], vector<16xf32>,
        %parallel_loop3A_171 = arith.constant 64 : i32
        %parallel_loop3A_172 = arith.addi %parallel_loop3A_150, %parallel_loop3A_171 : i32
        %parallel_loop3A_173 = vector.broadcast %parallel_loop3A_172 : i32 to vector<16xi32>
        %parallel_loop3A_174 = arith.addi %add3A_69, %parallel_loop3A_173 : vector<16xi32>
        %parallel_loop3A_175 = tpu.vector_load_idx %arg4[%parallel_loop3A_174] : memref<4096xf32, #tpu.memory_space<vmem>>[vector<16xi32>], vector<16xf32>,
        %parallel_loop3A_176 = arith.constant 80 : i32
        %parallel_loop3A_177 = arith.addi %parallel_loop3A_150, %parallel_loop3A_176 : i32
        %parallel_loop3A_178 = vector.broadcast %parallel_loop3A_177 : i32 to vector<16xi32>
        %parallel_loop3A_179 = arith.addi %add3A_69, %parallel_loop3A_178 : vector<16xi32>
        %parallel_loop3A_180 = tpu.vector_load_idx %arg4[%parallel_loop3A_179] : memref<4096xf32, #tpu.memory_space<vmem>>[vector<16xi32>], vector<16xf32>,
        %parallel_loop3A_181 = arith.constant 96 : i32
        %parallel_loop3A_182 = arith.addi %parallel_loop3A_150, %parallel_loop3A_181 : i32
        %parallel_loop3A_183 = vector.broadcast %parallel_loop3A_182 : i32 to vector<16xi32>
        %parallel_loop3A_184 = arith.addi %add3A_69, %parallel_loop3A_183 : vector<16xi32>
        %parallel_loop3A_185 = tpu.vector_load_idx %arg4[%parallel_loop3A_184] : memref<4096xf32, #tpu.memory_space<vmem>>[vector<16xi32>], vector<16xf32>,
        %parallel_loop3A_186 = arith.constant 112 : i32
        %parallel_loop3A_187 = arith.addi %parallel_loop3A_150, %parallel_loop3A_186 : i32
        %parallel_loop3A_188 = vector.broadcast %parallel_loop3A_187 : i32 to vector<16xi32>
        %parallel_loop3A_189 = arith.addi %add3A_69, %parallel_loop3A_188 : vector<16xi32>
        %parallel_loop3A_190 = tpu.vector_load_idx %arg4[%parallel_loop3A_189] : memref<4096xf32, #tpu.memory_space<vmem>>[vector<16xi32>], vector<16xf32>,
        %parallel_loop3A_191 = arith.constant 0 : i32
        %parallel_loop3A_192 = arith.addi %parallel_loop3A_150, %parallel_loop3A_191 : i32
        %parallel_loop3A_193 = tpu.assume_multiple %parallel_loop3A_192, 16 : i32
        %parallel_loop3A_194 = arith.constant 1 : i32
        %parallel_loop3A_195 = arith.index_cast %and3A_51 : i32 to index
        %parallel_loop3A_196 = arith.index_cast %parallel_loop3A_194 : i32 to index
        %parallel_loop3A_197 = arith.index_cast %parallel_loop3A_193 : i32 to index
        %parallel_loop3A_198 = tpu.vector_load %arg5[%parallel_loop3A_195, %parallel_loop3A_196, %parallel_loop3A_197] {strides = array<i32>} : memref<2x8x2048xf32, #tpu.memory_space<vmem>>, vector<16xf32>,
        tpu.vector_store %arg5[%parallel_loop3A_195, %parallel_loop3A_196, %parallel_loop3A_197], %parallel_loop3A_155 {strides = array<i32>} : memref<2x8x2048xf32, #tpu.memory_space<vmem>>, vector<16xf32>,
        %parallel_loop3A_199 = arith.constant 16 : i32
        %parallel_loop3A_200 = arith.addi %parallel_loop3A_150, %parallel_loop3A_199 : i32
        %parallel_loop3A_201 = tpu.assume_multiple %parallel_loop3A_200, 16 : i32
        %parallel_loop3A_202 = arith.constant 1 : i32
        %parallel_loop3A_203 = arith.index_cast %and3A_51 : i32 to index
        %parallel_loop3A_204 = arith.index_cast %parallel_loop3A_202 : i32 to index
        %parallel_loop3A_205 = arith.index_cast %parallel_loop3A_201 : i32 to index
        %parallel_loop3A_206 = tpu.vector_load %arg5[%parallel_loop3A_203, %parallel_loop3A_204, %parallel_loop3A_205] {strides = array<i32>} : memref<2x8x2048xf32, #tpu.memory_space<vmem>>, vector<16xf32>,
        tpu.vector_store %arg5[%parallel_loop3A_203, %parallel_loop3A_204, %parallel_loop3A_205], %parallel_loop3A_160 {strides = array<i32>} : memref<2x8x2048xf32, #tpu.memory_space<vmem>>, vector<16xf32>,
        %parallel_loop3A_207 = arith.constant 32 : i32
        %parallel_loop3A_208 = arith.addi %parallel_loop3A_150, %parallel_loop3A_207 : i32
        %parallel_loop3A_209 = tpu.assume_multiple %parallel_loop3A_208, 16 : i32
        %parallel_loop3A_210 = arith.constant 1 : i32
        %parallel_loop3A_211 = arith.index_cast %and3A_51 : i32 to index
        %parallel_loop3A_212 = arith.index_cast %parallel_loop3A_210 : i32 to index
        %parallel_loop3A_213 = arith.index_cast %parallel_loop3A_209 : i32 to index
        %parallel_loop3A_214 = tpu.vector_load %arg5[%parallel_loop3A_211, %parallel_loop3A_212, %parallel_loop3A_213] {strides = array<i32>} : memref<2x8x2048xf32, #tpu.memory_space<vmem>>, vector<16xf32>,
        tpu.vector_store %arg5[%parallel_loop3A_211, %parallel_loop3A_212, %parallel_loop3A_213], %parallel_loop3A_165 {strides = array<i32>} : memref<2x8x2048xf32, #tpu.memory_space<vmem>>, vector<16xf32>,
        %parallel_loop3A_215 = arith.constant 48 : i32
        %parallel_loop3A_216 = arith.addi %parallel_loop3A_150, %parallel_loop3A_215 : i32
        %parallel_loop3A_217 = tpu.assume_multiple %parallel_loop3A_216, 16 : i32
        %parallel_loop3A_218 = arith.constant 1 : i32
        %parallel_loop3A_219 = arith.index_cast %and3A_51 : i32 to index
        %parallel_loop3A_220 = arith.index_cast %parallel_loop3A_218 : i32 to index
        %parallel_loop3A_221 = arith.index_cast %parallel_loop3A_217 : i32 to index
        %parallel_loop3A_222 = tpu.vector_load %arg5[%parallel_loop3A_219, %parallel_loop3A_220, %parallel_loop3A_221] {strides = array<i32>} : memref<2x8x2048xf32, #tpu.memory_space<vmem>>, vector<16xf32>,
        tpu.vector_store %arg5[%parallel_loop3A_219, %parallel_loop3A_220, %parallel_loop3A_221], %parallel_loop3A_170 {strides = array<i32>} : memref<2x8x2048xf32, #tpu.memory_space<vmem>>, vector<16xf32>,
        %parallel_loop3A_223 = arith.constant 64 : i32
        %parallel_loop3A_224 = arith.addi %parallel_loop3A_150, %parallel_loop3A_223 : i32
        %parallel_loop3A_225 = tpu.assume_multiple %parallel_loop3A_224, 16 : i32
        %parallel_loop3A_226 = arith.constant 1 : i32
        %parallel_loop3A_227 = arith.index_cast %and3A_51 : i32 to index
        %parallel_loop3A_228 = arith.index_cast %parallel_loop3A_226 : i32 to index
        %parallel_loop3A_229 = arith.index_cast %parallel_loop3A_225 : i32 to index
        %parallel_loop3A_230 = tpu.vector_load %arg5[%parallel_loop3A_227, %parallel_loop3A_228, %parallel_loop3A_229] {strides = array<i32>} : memref<2x8x2048xf32, #tpu.memory_space<vmem>>, vector<16xf32>,
        tpu.vector_store %arg5[%parallel_loop3A_227, %parallel_loop3A_228, %parallel_loop3A_229], %parallel_loop3A_175 {strides = array<i32>} : memref<2x8x2048xf32, #tpu.memory_space<vmem>>, vector<16xf32>,
        %parallel_loop3A_231 = arith.constant 80 : i32
        %parallel_loop3A_232 = arith.addi %parallel_loop3A_150, %parallel_loop3A_231 : i32
        %parallel_loop3A_233 = tpu.assume_multiple %parallel_loop3A_232, 16 : i32
        %parallel_loop3A_234 = arith.constant 1 : i32
        %parallel_loop3A_235 = arith.index_cast %and3A_51 : i32 to index
        %parallel_loop3A_236 = arith.index_cast %parallel_loop3A_234 : i32 to index
        %parallel_loop3A_237 = arith.index_cast %parallel_loop3A_233 : i32 to index
        %parallel_loop3A_238 = tpu.vector_load %arg5[%parallel_loop3A_235, %parallel_loop3A_236, %parallel_loop3A_237] {strides = array<i32>} : memref<2x8x2048xf32, #tpu.memory_space<vmem>>, vector<16xf32>,
        tpu.vector_store %arg5[%parallel_loop3A_235, %parallel_loop3A_236, %parallel_loop3A_237], %parallel_loop3A_180 {strides = array<i32>} : memref<2x8x2048xf32, #tpu.memory_space<vmem>>, vector<16xf32>,
        %parallel_loop3A_239 = arith.constant 96 : i32
        %parallel_loop3A_240 = arith.addi %parallel_loop3A_150, %parallel_loop3A_239 : i32
        %parallel_loop3A_241 = tpu.assume_multiple %parallel_loop3A_240, 16 : i32
        %parallel_loop3A_242 = arith.constant 1 : i32
        %parallel_loop3A_243 = arith.index_cast %and3A_51 : i32 to index
        %parallel_loop3A_244 = arith.index_cast %parallel_loop3A_242 : i32 to index
        %parallel_loop3A_245 = arith.index_cast %parallel_loop3A_241 : i32 to index
        %parallel_loop3A_246 = tpu.vector_load %arg5[%parallel_loop3A_243, %parallel_loop3A_244, %parallel_loop3A_245] {strides = array<i32>} : memref<2x8x2048xf32, #tpu.memory_space<vmem>>, vector<16xf32>,
        tpu.vector_store %arg5[%parallel_loop3A_243, %parallel_loop3A_244, %parallel_loop3A_245], %parallel_loop3A_185 {strides = array<i32>} : memref<2x8x2048xf32, #tpu.memory_space<vmem>>, vector<16xf32>,
        %parallel_loop3A_247 = arith.constant 112 : i32
        %parallel_loop3A_248 = arith.addi %parallel_loop3A_150, %parallel_loop3A_247 : i32
        %parallel_loop3A_249 = tpu.assume_multiple %parallel_loop3A_248, 16 : i32
        %parallel_loop3A_250 = arith.constant 1 : i32
        %parallel_loop3A_251 = arith.index_cast %and3A_51 : i32 to index
        %parallel_loop3A_252 = arith.index_cast %parallel_loop3A_250 : i32 to index
        %parallel_loop3A_253 = arith.index_cast %parallel_loop3A_249 : i32 to index
        %parallel_loop3A_254 = tpu.vector_load %arg5[%parallel_loop3A_251, %parallel_loop3A_252, %parallel_loop3A_253] {strides = array<i32>} : memref<2x8x2048xf32, #tpu.memory_space<vmem>>, vector<16xf32>,
        tpu.vector_store %arg5[%parallel_loop3A_251, %parallel_loop3A_252, %parallel_loop3A_253], %parallel_loop3A_190 {strides = array<i32>} : memref<2x8x2048xf32, #tpu.memory_space<vmem>>, vector<16xf32>,
      } {sc.loop_unroll_factor = 4 : i64, sc.parallel_access}
      %sub3A_73 = arith.constant 2047 : i32
      %sub3A_74 = arith.subi %sub3A_73, %add3A_54 : i32
      %sub3A_75 = arith.constant 2 : i32
      %sub3A_76 = arith.subi %sub3A_74, %sub3A_75 : i32
      %add3A_77 = vector.broadcast %sub3A_76 : i32 to vector<16xi32>
      %add3A_78 = arith.addi %add3A_77, %iota3A : vector<16xi32>
      %parallel_loop3A_79 = arith.constant 0 : i32
      %parallel_loop3A_80 = arith.constant 16 : i32
      %parallel_loop3A_81 = arith.constant 1 : i32
      scf.for %parallel_loop3A_148 = %parallel_loop3A_79 to %parallel_loop3A_80 step %parallel_loop3A_81  : i32 {
        %parallel_loop3A_149 = arith.constant 128 : i32
        %parallel_loop3A_150 = arith.muli %parallel_loop3A_148, %parallel_loop3A_149 : i32
        %parallel_loop3A_151 = arith.constant 0 : i32
        %parallel_loop3A_152 = arith.addi %parallel_loop3A_150, %parallel_loop3A_151 : i32
        %parallel_loop3A_153 = vector.broadcast %parallel_loop3A_152 : i32 to vector<16xi32>
        %parallel_loop3A_154 = arith.addi %add3A_78, %parallel_loop3A_153 : vector<16xi32>
        %parallel_loop3A_155 = tpu.vector_load_idx %arg4[%parallel_loop3A_154] : memref<4096xf32, #tpu.memory_space<vmem>>[vector<16xi32>], vector<16xf32>,
        %parallel_loop3A_156 = arith.constant 16 : i32
        %parallel_loop3A_157 = arith.addi %parallel_loop3A_150, %parallel_loop3A_156 : i32
        %parallel_loop3A_158 = vector.broadcast %parallel_loop3A_157 : i32 to vector<16xi32>
        %parallel_loop3A_159 = arith.addi %add3A_78, %parallel_loop3A_158 : vector<16xi32>
        %parallel_loop3A_160 = tpu.vector_load_idx %arg4[%parallel_loop3A_159] : memref<4096xf32, #tpu.memory_space<vmem>>[vector<16xi32>], vector<16xf32>,
        %parallel_loop3A_161 = arith.constant 32 : i32
        %parallel_loop3A_162 = arith.addi %parallel_loop3A_150, %parallel_loop3A_161 : i32
        %parallel_loop3A_163 = vector.broadcast %parallel_loop3A_162 : i32 to vector<16xi32>
        %parallel_loop3A_164 = arith.addi %add3A_78, %parallel_loop3A_163 : vector<16xi32>
        %parallel_loop3A_165 = tpu.vector_load_idx %arg4[%parallel_loop3A_164] : memref<4096xf32, #tpu.memory_space<vmem>>[vector<16xi32>], vector<16xf32>,
        %parallel_loop3A_166 = arith.constant 48 : i32
        %parallel_loop3A_167 = arith.addi %parallel_loop3A_150, %parallel_loop3A_166 : i32
        %parallel_loop3A_168 = vector.broadcast %parallel_loop3A_167 : i32 to vector<16xi32>
        %parallel_loop3A_169 = arith.addi %add3A_78, %parallel_loop3A_168 : vector<16xi32>
        %parallel_loop3A_170 = tpu.vector_load_idx %arg4[%parallel_loop3A_169] : memref<4096xf32, #tpu.memory_space<vmem>>[vector<16xi32>], vector<16xf32>,
        %parallel_loop3A_171 = arith.constant 64 : i32
        %parallel_loop3A_172 = arith.addi %parallel_loop3A_150, %parallel_loop3A_171 : i32
        %parallel_loop3A_173 = vector.broadcast %parallel_loop3A_172 : i32 to vector<16xi32>
        %parallel_loop3A_174 = arith.addi %add3A_78, %parallel_loop3A_173 : vector<16xi32>
        %parallel_loop3A_175 = tpu.vector_load_idx %arg4[%parallel_loop3A_174] : memref<4096xf32, #tpu.memory_space<vmem>>[vector<16xi32>], vector<16xf32>,
        %parallel_loop3A_176 = arith.constant 80 : i32
        %parallel_loop3A_177 = arith.addi %parallel_loop3A_150, %parallel_loop3A_176 : i32
        %parallel_loop3A_178 = vector.broadcast %parallel_loop3A_177 : i32 to vector<16xi32>
        %parallel_loop3A_179 = arith.addi %add3A_78, %parallel_loop3A_178 : vector<16xi32>
        %parallel_loop3A_180 = tpu.vector_load_idx %arg4[%parallel_loop3A_179] : memref<4096xf32, #tpu.memory_space<vmem>>[vector<16xi32>], vector<16xf32>,
        %parallel_loop3A_181 = arith.constant 96 : i32
        %parallel_loop3A_182 = arith.addi %parallel_loop3A_150, %parallel_loop3A_181 : i32
        %parallel_loop3A_183 = vector.broadcast %parallel_loop3A_182 : i32 to vector<16xi32>
        %parallel_loop3A_184 = arith.addi %add3A_78, %parallel_loop3A_183 : vector<16xi32>
        %parallel_loop3A_185 = tpu.vector_load_idx %arg4[%parallel_loop3A_184] : memref<4096xf32, #tpu.memory_space<vmem>>[vector<16xi32>], vector<16xf32>,
        %parallel_loop3A_186 = arith.constant 112 : i32
        %parallel_loop3A_187 = arith.addi %parallel_loop3A_150, %parallel_loop3A_186 : i32
        %parallel_loop3A_188 = vector.broadcast %parallel_loop3A_187 : i32 to vector<16xi32>
        %parallel_loop3A_189 = arith.addi %add3A_78, %parallel_loop3A_188 : vector<16xi32>
        %parallel_loop3A_190 = tpu.vector_load_idx %arg4[%parallel_loop3A_189] : memref<4096xf32, #tpu.memory_space<vmem>>[vector<16xi32>], vector<16xf32>,
        %parallel_loop3A_191 = arith.constant 0 : i32
        %parallel_loop3A_192 = arith.addi %parallel_loop3A_150, %parallel_loop3A_191 : i32
        %parallel_loop3A_193 = tpu.assume_multiple %parallel_loop3A_192, 16 : i32
        %parallel_loop3A_194 = arith.constant 2 : i32
        %parallel_loop3A_195 = arith.index_cast %and3A_51 : i32 to index
        %parallel_loop3A_196 = arith.index_cast %parallel_loop3A_194 : i32 to index
        %parallel_loop3A_197 = arith.index_cast %parallel_loop3A_193 : i32 to index
        %parallel_loop3A_198 = tpu.vector_load %arg5[%parallel_loop3A_195, %parallel_loop3A_196, %parallel_loop3A_197] {strides = array<i32>} : memref<2x8x2048xf32, #tpu.memory_space<vmem>>, vector<16xf32>,
        tpu.vector_store %arg5[%parallel_loop3A_195, %parallel_loop3A_196, %parallel_loop3A_197], %parallel_loop3A_155 {strides = array<i32>} : memref<2x8x2048xf32, #tpu.memory_space<vmem>>, vector<16xf32>,
        %parallel_loop3A_199 = arith.constant 16 : i32
        %parallel_loop3A_200 = arith.addi %parallel_loop3A_150, %parallel_loop3A_199 : i32
        %parallel_loop3A_201 = tpu.assume_multiple %parallel_loop3A_200, 16 : i32
        %parallel_loop3A_202 = arith.constant 2 : i32
        %parallel_loop3A_203 = arith.index_cast %and3A_51 : i32 to index
        %parallel_loop3A_204 = arith.index_cast %parallel_loop3A_202 : i32 to index
        %parallel_loop3A_205 = arith.index_cast %parallel_loop3A_201 : i32 to index
        %parallel_loop3A_206 = tpu.vector_load %arg5[%parallel_loop3A_203, %parallel_loop3A_204, %parallel_loop3A_205] {strides = array<i32>} : memref<2x8x2048xf32, #tpu.memory_space<vmem>>, vector<16xf32>,
        tpu.vector_store %arg5[%parallel_loop3A_203, %parallel_loop3A_204, %parallel_loop3A_205], %parallel_loop3A_160 {strides = array<i32>} : memref<2x8x2048xf32, #tpu.memory_space<vmem>>, vector<16xf32>,
        %parallel_loop3A_207 = arith.constant 32 : i32
        %parallel_loop3A_208 = arith.addi %parallel_loop3A_150, %parallel_loop3A_207 : i32
        %parallel_loop3A_209 = tpu.assume_multiple %parallel_loop3A_208, 16 : i32
        %parallel_loop3A_210 = arith.constant 2 : i32
        %parallel_loop3A_211 = arith.index_cast %and3A_51 : i32 to index
        %parallel_loop3A_212 = arith.index_cast %parallel_loop3A_210 : i32 to index
        %parallel_loop3A_213 = arith.index_cast %parallel_loop3A_209 : i32 to index
        %parallel_loop3A_214 = tpu.vector_load %arg5[%parallel_loop3A_211, %parallel_loop3A_212, %parallel_loop3A_213] {strides = array<i32>} : memref<2x8x2048xf32, #tpu.memory_space<vmem>>, vector<16xf32>,
        tpu.vector_store %arg5[%parallel_loop3A_211, %parallel_loop3A_212, %parallel_loop3A_213], %parallel_loop3A_165 {strides = array<i32>} : memref<2x8x2048xf32, #tpu.memory_space<vmem>>, vector<16xf32>,
        %parallel_loop3A_215 = arith.constant 48 : i32
        %parallel_loop3A_216 = arith.addi %parallel_loop3A_150, %parallel_loop3A_215 : i32
        %parallel_loop3A_217 = tpu.assume_multiple %parallel_loop3A_216, 16 : i32
        %parallel_loop3A_218 = arith.constant 2 : i32
        %parallel_loop3A_219 = arith.index_cast %and3A_51 : i32 to index
        %parallel_loop3A_220 = arith.index_cast %parallel_loop3A_218 : i32 to index
        %parallel_loop3A_221 = arith.index_cast %parallel_loop3A_217 : i32 to index
        %parallel_loop3A_222 = tpu.vector_load %arg5[%parallel_loop3A_219, %parallel_loop3A_220, %parallel_loop3A_221] {strides = array<i32>} : memref<2x8x2048xf32, #tpu.memory_space<vmem>>, vector<16xf32>,
        tpu.vector_store %arg5[%parallel_loop3A_219, %parallel_loop3A_220, %parallel_loop3A_221], %parallel_loop3A_170 {strides = array<i32>} : memref<2x8x2048xf32, #tpu.memory_space<vmem>>, vector<16xf32>,
        %parallel_loop3A_223 = arith.constant 64 : i32
        %parallel_loop3A_224 = arith.addi %parallel_loop3A_150, %parallel_loop3A_223 : i32
        %parallel_loop3A_225 = tpu.assume_multiple %parallel_loop3A_224, 16 : i32
        %parallel_loop3A_226 = arith.constant 2 : i32
        %parallel_loop3A_227 = arith.index_cast %and3A_51 : i32 to index
        %parallel_loop3A_228 = arith.index_cast %parallel_loop3A_226 : i32 to index
        %parallel_loop3A_229 = arith.index_cast %parallel_loop3A_225 : i32 to index
        %parallel_loop3A_230 = tpu.vector_load %arg5[%parallel_loop3A_227, %parallel_loop3A_228, %parallel_loop3A_229] {strides = array<i32>} : memref<2x8x2048xf32, #tpu.memory_space<vmem>>, vector<16xf32>,
        tpu.vector_store %arg5[%parallel_loop3A_227, %parallel_loop3A_228, %parallel_loop3A_229], %parallel_loop3A_175 {strides = array<i32>} : memref<2x8x2048xf32, #tpu.memory_space<vmem>>, vector<16xf32>,
        %parallel_loop3A_231 = arith.constant 80 : i32
        %parallel_loop3A_232 = arith.addi %parallel_loop3A_150, %parallel_loop3A_231 : i32
        %parallel_loop3A_233 = tpu.assume_multiple %parallel_loop3A_232, 16 : i32
        %parallel_loop3A_234 = arith.constant 2 : i32
        %parallel_loop3A_235 = arith.index_cast %and3A_51 : i32 to index
        %parallel_loop3A_236 = arith.index_cast %parallel_loop3A_234 : i32 to index
        %parallel_loop3A_237 = arith.index_cast %parallel_loop3A_233 : i32 to index
        %parallel_loop3A_238 = tpu.vector_load %arg5[%parallel_loop3A_235, %parallel_loop3A_236, %parallel_loop3A_237] {strides = array<i32>} : memref<2x8x2048xf32, #tpu.memory_space<vmem>>, vector<16xf32>,
        tpu.vector_store %arg5[%parallel_loop3A_235, %parallel_loop3A_236, %parallel_loop3A_237], %parallel_loop3A_180 {strides = array<i32>} : memref<2x8x2048xf32, #tpu.memory_space<vmem>>, vector<16xf32>,
        %parallel_loop3A_239 = arith.constant 96 : i32
        %parallel_loop3A_240 = arith.addi %parallel_loop3A_150, %parallel_loop3A_239 : i32
        %parallel_loop3A_241 = tpu.assume_multiple %parallel_loop3A_240, 16 : i32
        %parallel_loop3A_242 = arith.constant 2 : i32
        %parallel_loop3A_243 = arith.index_cast %and3A_51 : i32 to index
        %parallel_loop3A_244 = arith.index_cast %parallel_loop3A_242 : i32 to index
        %parallel_loop3A_245 = arith.index_cast %parallel_loop3A_241 : i32 to index
        %parallel_loop3A_246 = tpu.vector_load %arg5[%parallel_loop3A_243, %parallel_loop3A_244, %parallel_loop3A_245] {strides = array<i32>} : memref<2x8x2048xf32, #tpu.memory_space<vmem>>, vector<16xf32>,
        tpu.vector_store %arg5[%parallel_loop3A_243, %parallel_loop3A_244, %parallel_loop3A_245], %parallel_loop3A_185 {strides = array<i32>} : memref<2x8x2048xf32, #tpu.memory_space<vmem>>, vector<16xf32>,
        %parallel_loop3A_247 = arith.constant 112 : i32
        %parallel_loop3A_248 = arith.addi %parallel_loop3A_150, %parallel_loop3A_247 : i32
        %parallel_loop3A_249 = tpu.assume_multiple %parallel_loop3A_248, 16 : i32
        %parallel_loop3A_250 = arith.constant 2 : i32
        %parallel_loop3A_251 = arith.index_cast %and3A_51 : i32 to index
        %parallel_loop3A_252 = arith.index_cast %parallel_loop3A_250 : i32 to index
        %parallel_loop3A_253 = arith.index_cast %parallel_loop3A_249 : i32 to index
        %parallel_loop3A_254 = tpu.vector_load %arg5[%parallel_loop3A_251, %parallel_loop3A_252, %parallel_loop3A_253] {strides = array<i32>} : memref<2x8x2048xf32, #tpu.memory_space<vmem>>, vector<16xf32>,
        tpu.vector_store %arg5[%parallel_loop3A_251, %parallel_loop3A_252, %parallel_loop3A_253], %parallel_loop3A_190 {strides = array<i32>} : memref<2x8x2048xf32, #tpu.memory_space<vmem>>, vector<16xf32>,
      } {sc.loop_unroll_factor = 4 : i64, sc.parallel_access}
      %sub3A_82 = arith.constant 2047 : i32
      %sub3A_83 = arith.subi %sub3A_82, %add3A_54 : i32
      %sub3A_84 = arith.constant 3 : i32
      %sub3A_85 = arith.subi %sub3A_83, %sub3A_84 : i32
      %add3A_86 = vector.broadcast %sub3A_85 : i32 to vector<16xi32>
      %add3A_87 = arith.addi %add3A_86, %iota3A : vector<16xi32>
      %parallel_loop3A_88 = arith.constant 0 : i32
      %parallel_loop3A_89 = arith.constant 16 : i32
      %parallel_loop3A_90 = arith.constant 1 : i32
      scf.for %parallel_loop3A_148 = %parallel_loop3A_88 to %parallel_loop3A_89 step %parallel_loop3A_90  : i32 {
        %parallel_loop3A_149 = arith.constant 128 : i32
        %parallel_loop3A_150 = arith.muli %parallel_loop3A_148, %parallel_loop3A_149 : i32
        %parallel_loop3A_151 = arith.constant 0 : i32
        %parallel_loop3A_152 = arith.addi %parallel_loop3A_150, %parallel_loop3A_151 : i32
        %parallel_loop3A_153 = vector.broadcast %parallel_loop3A_152 : i32 to vector<16xi32>
        %parallel_loop3A_154 = arith.addi %add3A_87, %parallel_loop3A_153 : vector<16xi32>
        %parallel_loop3A_155 = tpu.vector_load_idx %arg4[%parallel_loop3A_154] : memref<4096xf32, #tpu.memory_space<vmem>>[vector<16xi32>], vector<16xf32>,
        %parallel_loop3A_156 = arith.constant 16 : i32
        %parallel_loop3A_157 = arith.addi %parallel_loop3A_150, %parallel_loop3A_156 : i32
        %parallel_loop3A_158 = vector.broadcast %parallel_loop3A_157 : i32 to vector<16xi32>
        %parallel_loop3A_159 = arith.addi %add3A_87, %parallel_loop3A_158 : vector<16xi32>
        %parallel_loop3A_160 = tpu.vector_load_idx %arg4[%parallel_loop3A_159] : memref<4096xf32, #tpu.memory_space<vmem>>[vector<16xi32>], vector<16xf32>,
        %parallel_loop3A_161 = arith.constant 32 : i32
        %parallel_loop3A_162 = arith.addi %parallel_loop3A_150, %parallel_loop3A_161 : i32
        %parallel_loop3A_163 = vector.broadcast %parallel_loop3A_162 : i32 to vector<16xi32>
        %parallel_loop3A_164 = arith.addi %add3A_87, %parallel_loop3A_163 : vector<16xi32>
        %parallel_loop3A_165 = tpu.vector_load_idx %arg4[%parallel_loop3A_164] : memref<4096xf32, #tpu.memory_space<vmem>>[vector<16xi32>], vector<16xf32>,
        %parallel_loop3A_166 = arith.constant 48 : i32
        %parallel_loop3A_167 = arith.addi %parallel_loop3A_150, %parallel_loop3A_166 : i32
        %parallel_loop3A_168 = vector.broadcast %parallel_loop3A_167 : i32 to vector<16xi32>
        %parallel_loop3A_169 = arith.addi %add3A_87, %parallel_loop3A_168 : vector<16xi32>
        %parallel_loop3A_170 = tpu.vector_load_idx %arg4[%parallel_loop3A_169] : memref<4096xf32, #tpu.memory_space<vmem>>[vector<16xi32>], vector<16xf32>,
        %parallel_loop3A_171 = arith.constant 64 : i32
        %parallel_loop3A_172 = arith.addi %parallel_loop3A_150, %parallel_loop3A_171 : i32
        %parallel_loop3A_173 = vector.broadcast %parallel_loop3A_172 : i32 to vector<16xi32>
        %parallel_loop3A_174 = arith.addi %add3A_87, %parallel_loop3A_173 : vector<16xi32>
        %parallel_loop3A_175 = tpu.vector_load_idx %arg4[%parallel_loop3A_174] : memref<4096xf32, #tpu.memory_space<vmem>>[vector<16xi32>], vector<16xf32>,
        %parallel_loop3A_176 = arith.constant 80 : i32
        %parallel_loop3A_177 = arith.addi %parallel_loop3A_150, %parallel_loop3A_176 : i32
        %parallel_loop3A_178 = vector.broadcast %parallel_loop3A_177 : i32 to vector<16xi32>
        %parallel_loop3A_179 = arith.addi %add3A_87, %parallel_loop3A_178 : vector<16xi32>
        %parallel_loop3A_180 = tpu.vector_load_idx %arg4[%parallel_loop3A_179] : memref<4096xf32, #tpu.memory_space<vmem>>[vector<16xi32>], vector<16xf32>,
        %parallel_loop3A_181 = arith.constant 96 : i32
        %parallel_loop3A_182 = arith.addi %parallel_loop3A_150, %parallel_loop3A_181 : i32
        %parallel_loop3A_183 = vector.broadcast %parallel_loop3A_182 : i32 to vector<16xi32>
        %parallel_loop3A_184 = arith.addi %add3A_87, %parallel_loop3A_183 : vector<16xi32>
        %parallel_loop3A_185 = tpu.vector_load_idx %arg4[%parallel_loop3A_184] : memref<4096xf32, #tpu.memory_space<vmem>>[vector<16xi32>], vector<16xf32>,
        %parallel_loop3A_186 = arith.constant 112 : i32
        %parallel_loop3A_187 = arith.addi %parallel_loop3A_150, %parallel_loop3A_186 : i32
        %parallel_loop3A_188 = vector.broadcast %parallel_loop3A_187 : i32 to vector<16xi32>
        %parallel_loop3A_189 = arith.addi %add3A_87, %parallel_loop3A_188 : vector<16xi32>
        %parallel_loop3A_190 = tpu.vector_load_idx %arg4[%parallel_loop3A_189] : memref<4096xf32, #tpu.memory_space<vmem>>[vector<16xi32>], vector<16xf32>,
        %parallel_loop3A_191 = arith.constant 0 : i32
        %parallel_loop3A_192 = arith.addi %parallel_loop3A_150, %parallel_loop3A_191 : i32
        %parallel_loop3A_193 = tpu.assume_multiple %parallel_loop3A_192, 16 : i32
        %parallel_loop3A_194 = arith.constant 3 : i32
        %parallel_loop3A_195 = arith.index_cast %and3A_51 : i32 to index
        %parallel_loop3A_196 = arith.index_cast %parallel_loop3A_194 : i32 to index
        %parallel_loop3A_197 = arith.index_cast %parallel_loop3A_193 : i32 to index
        %parallel_loop3A_198 = tpu.vector_load %arg5[%parallel_loop3A_195, %parallel_loop3A_196, %parallel_loop3A_197] {strides = array<i32>} : memref<2x8x2048xf32, #tpu.memory_space<vmem>>, vector<16xf32>,
        tpu.vector_store %arg5[%parallel_loop3A_195, %parallel_loop3A_196, %parallel_loop3A_197], %parallel_loop3A_155 {strides = array<i32>} : memref<2x8x2048xf32, #tpu.memory_space<vmem>>, vector<16xf32>,
        %parallel_loop3A_199 = arith.constant 16 : i32
        %parallel_loop3A_200 = arith.addi %parallel_loop3A_150, %parallel_loop3A_199 : i32
        %parallel_loop3A_201 = tpu.assume_multiple %parallel_loop3A_200, 16 : i32
        %parallel_loop3A_202 = arith.constant 3 : i32
        %parallel_loop3A_203 = arith.index_cast %and3A_51 : i32 to index
        %parallel_loop3A_204 = arith.index_cast %parallel_loop3A_202 : i32 to index
        %parallel_loop3A_205 = arith.index_cast %parallel_loop3A_201 : i32 to index
        %parallel_loop3A_206 = tpu.vector_load %arg5[%parallel_loop3A_203, %parallel_loop3A_204, %parallel_loop3A_205] {strides = array<i32>} : memref<2x8x2048xf32, #tpu.memory_space<vmem>>, vector<16xf32>,
        tpu.vector_store %arg5[%parallel_loop3A_203, %parallel_loop3A_204, %parallel_loop3A_205], %parallel_loop3A_160 {strides = array<i32>} : memref<2x8x2048xf32, #tpu.memory_space<vmem>>, vector<16xf32>,
        %parallel_loop3A_207 = arith.constant 32 : i32
        %parallel_loop3A_208 = arith.addi %parallel_loop3A_150, %parallel_loop3A_207 : i32
        %parallel_loop3A_209 = tpu.assume_multiple %parallel_loop3A_208, 16 : i32
        %parallel_loop3A_210 = arith.constant 3 : i32
        %parallel_loop3A_211 = arith.index_cast %and3A_51 : i32 to index
        %parallel_loop3A_212 = arith.index_cast %parallel_loop3A_210 : i32 to index
        %parallel_loop3A_213 = arith.index_cast %parallel_loop3A_209 : i32 to index
        %parallel_loop3A_214 = tpu.vector_load %arg5[%parallel_loop3A_211, %parallel_loop3A_212, %parallel_loop3A_213] {strides = array<i32>} : memref<2x8x2048xf32, #tpu.memory_space<vmem>>, vector<16xf32>,
        tpu.vector_store %arg5[%parallel_loop3A_211, %parallel_loop3A_212, %parallel_loop3A_213], %parallel_loop3A_165 {strides = array<i32>} : memref<2x8x2048xf32, #tpu.memory_space<vmem>>, vector<16xf32>,
        %parallel_loop3A_215 = arith.constant 48 : i32
        %parallel_loop3A_216 = arith.addi %parallel_loop3A_150, %parallel_loop3A_215 : i32
        %parallel_loop3A_217 = tpu.assume_multiple %parallel_loop3A_216, 16 : i32
        %parallel_loop3A_218 = arith.constant 3 : i32
        %parallel_loop3A_219 = arith.index_cast %and3A_51 : i32 to index
        %parallel_loop3A_220 = arith.index_cast %parallel_loop3A_218 : i32 to index
        %parallel_loop3A_221 = arith.index_cast %parallel_loop3A_217 : i32 to index
        %parallel_loop3A_222 = tpu.vector_load %arg5[%parallel_loop3A_219, %parallel_loop3A_220, %parallel_loop3A_221] {strides = array<i32>} : memref<2x8x2048xf32, #tpu.memory_space<vmem>>, vector<16xf32>,
        tpu.vector_store %arg5[%parallel_loop3A_219, %parallel_loop3A_220, %parallel_loop3A_221], %parallel_loop3A_170 {strides = array<i32>} : memref<2x8x2048xf32, #tpu.memory_space<vmem>>, vector<16xf32>,
        %parallel_loop3A_223 = arith.constant 64 : i32
        %parallel_loop3A_224 = arith.addi %parallel_loop3A_150, %parallel_loop3A_223 : i32
        %parallel_loop3A_225 = tpu.assume_multiple %parallel_loop3A_224, 16 : i32
        %parallel_loop3A_226 = arith.constant 3 : i32
        %parallel_loop3A_227 = arith.index_cast %and3A_51 : i32 to index
        %parallel_loop3A_228 = arith.index_cast %parallel_loop3A_226 : i32 to index
        %parallel_loop3A_229 = arith.index_cast %parallel_loop3A_225 : i32 to index
        %parallel_loop3A_230 = tpu.vector_load %arg5[%parallel_loop3A_227, %parallel_loop3A_228, %parallel_loop3A_229] {strides = array<i32>} : memref<2x8x2048xf32, #tpu.memory_space<vmem>>, vector<16xf32>,
        tpu.vector_store %arg5[%parallel_loop3A_227, %parallel_loop3A_228, %parallel_loop3A_229], %parallel_loop3A_175 {strides = array<i32>} : memref<2x8x2048xf32, #tpu.memory_space<vmem>>, vector<16xf32>,
        %parallel_loop3A_231 = arith.constant 80 : i32
        %parallel_loop3A_232 = arith.addi %parallel_loop3A_150, %parallel_loop3A_231 : i32
        %parallel_loop3A_233 = tpu.assume_multiple %parallel_loop3A_232, 16 : i32
        %parallel_loop3A_234 = arith.constant 3 : i32
        %parallel_loop3A_235 = arith.index_cast %and3A_51 : i32 to index
        %parallel_loop3A_236 = arith.index_cast %parallel_loop3A_234 : i32 to index
        %parallel_loop3A_237 = arith.index_cast %parallel_loop3A_233 : i32 to index
        %parallel_loop3A_238 = tpu.vector_load %arg5[%parallel_loop3A_235, %parallel_loop3A_236, %parallel_loop3A_237] {strides = array<i32>} : memref<2x8x2048xf32, #tpu.memory_space<vmem>>, vector<16xf32>,
        tpu.vector_store %arg5[%parallel_loop3A_235, %parallel_loop3A_236, %parallel_loop3A_237], %parallel_loop3A_180 {strides = array<i32>} : memref<2x8x2048xf32, #tpu.memory_space<vmem>>, vector<16xf32>,
        %parallel_loop3A_239 = arith.constant 96 : i32
        %parallel_loop3A_240 = arith.addi %parallel_loop3A_150, %parallel_loop3A_239 : i32
        %parallel_loop3A_241 = tpu.assume_multiple %parallel_loop3A_240, 16 : i32
        %parallel_loop3A_242 = arith.constant 3 : i32
        %parallel_loop3A_243 = arith.index_cast %and3A_51 : i32 to index
        %parallel_loop3A_244 = arith.index_cast %parallel_loop3A_242 : i32 to index
        %parallel_loop3A_245 = arith.index_cast %parallel_loop3A_241 : i32 to index
        %parallel_loop3A_246 = tpu.vector_load %arg5[%parallel_loop3A_243, %parallel_loop3A_244, %parallel_loop3A_245] {strides = array<i32>} : memref<2x8x2048xf32, #tpu.memory_space<vmem>>, vector<16xf32>,
        tpu.vector_store %arg5[%parallel_loop3A_243, %parallel_loop3A_244, %parallel_loop3A_245], %parallel_loop3A_185 {strides = array<i32>} : memref<2x8x2048xf32, #tpu.memory_space<vmem>>, vector<16xf32>,
        %parallel_loop3A_247 = arith.constant 112 : i32
        %parallel_loop3A_248 = arith.addi %parallel_loop3A_150, %parallel_loop3A_247 : i32
        %parallel_loop3A_249 = tpu.assume_multiple %parallel_loop3A_248, 16 : i32
        %parallel_loop3A_250 = arith.constant 3 : i32
        %parallel_loop3A_251 = arith.index_cast %and3A_51 : i32 to index
        %parallel_loop3A_252 = arith.index_cast %parallel_loop3A_250 : i32 to index
        %parallel_loop3A_253 = arith.index_cast %parallel_loop3A_249 : i32 to index
        %parallel_loop3A_254 = tpu.vector_load %arg5[%parallel_loop3A_251, %parallel_loop3A_252, %parallel_loop3A_253] {strides = array<i32>} : memref<2x8x2048xf32, #tpu.memory_space<vmem>>, vector<16xf32>,
        tpu.vector_store %arg5[%parallel_loop3A_251, %parallel_loop3A_252, %parallel_loop3A_253], %parallel_loop3A_190 {strides = array<i32>} : memref<2x8x2048xf32, #tpu.memory_space<vmem>>, vector<16xf32>,
      } {sc.loop_unroll_factor = 4 : i64, sc.parallel_access}
      %sub3A_91 = arith.constant 2047 : i32
      %sub3A_92 = arith.subi %sub3A_91, %add3A_54 : i32
      %sub3A_93 = arith.constant 4 : i32
      %sub3A_94 = arith.subi %sub3A_92, %sub3A_93 : i32
      %add3A_95 = vector.broadcast %sub3A_94 : i32 to vector<16xi32>
      %add3A_96 = arith.addi %add3A_95, %iota3A : vector<16xi32>
      %parallel_loop3A_97 = arith.constant 0 : i32
      %parallel_loop3A_98 = arith.constant 16 : i32
      %parallel_loop3A_99 = arith.constant 1 : i32
      scf.for %parallel_loop3A_148 = %parallel_loop3A_97 to %parallel_loop3A_98 step %parallel_loop3A_99  : i32 {
        %parallel_loop3A_149 = arith.constant 128 : i32
        %parallel_loop3A_150 = arith.muli %parallel_loop3A_148, %parallel_loop3A_149 : i32
        %parallel_loop3A_151 = arith.constant 0 : i32
        %parallel_loop3A_152 = arith.addi %parallel_loop3A_150, %parallel_loop3A_151 : i32
        %parallel_loop3A_153 = vector.broadcast %parallel_loop3A_152 : i32 to vector<16xi32>
        %parallel_loop3A_154 = arith.addi %add3A_96, %parallel_loop3A_153 : vector<16xi32>
        %parallel_loop3A_155 = tpu.vector_load_idx %arg4[%parallel_loop3A_154] : memref<4096xf32, #tpu.memory_space<vmem>>[vector<16xi32>], vector<16xf32>,
        %parallel_loop3A_156 = arith.constant 16 : i32
        %parallel_loop3A_157 = arith.addi %parallel_loop3A_150, %parallel_loop3A_156 : i32
        %parallel_loop3A_158 = vector.broadcast %parallel_loop3A_157 : i32 to vector<16xi32>
        %parallel_loop3A_159 = arith.addi %add3A_96, %parallel_loop3A_158 : vector<16xi32>
        %parallel_loop3A_160 = tpu.vector_load_idx %arg4[%parallel_loop3A_159] : memref<4096xf32, #tpu.memory_space<vmem>>[vector<16xi32>], vector<16xf32>,
        %parallel_loop3A_161 = arith.constant 32 : i32
        %parallel_loop3A_162 = arith.addi %parallel_loop3A_150, %parallel_loop3A_161 : i32
        %parallel_loop3A_163 = vector.broadcast %parallel_loop3A_162 : i32 to vector<16xi32>
        %parallel_loop3A_164 = arith.addi %add3A_96, %parallel_loop3A_163 : vector<16xi32>
        %parallel_loop3A_165 = tpu.vector_load_idx %arg4[%parallel_loop3A_164] : memref<4096xf32, #tpu.memory_space<vmem>>[vector<16xi32>], vector<16xf32>,
        %parallel_loop3A_166 = arith.constant 48 : i32
        %parallel_loop3A_167 = arith.addi %parallel_loop3A_150, %parallel_loop3A_166 : i32
        %parallel_loop3A_168 = vector.broadcast %parallel_loop3A_167 : i32 to vector<16xi32>
        %parallel_loop3A_169 = arith.addi %add3A_96, %parallel_loop3A_168 : vector<16xi32>
        %parallel_loop3A_170 = tpu.vector_load_idx %arg4[%parallel_loop3A_169] : memref<4096xf32, #tpu.memory_space<vmem>>[vector<16xi32>], vector<16xf32>,
        %parallel_loop3A_171 = arith.constant 64 : i32
        %parallel_loop3A_172 = arith.addi %parallel_loop3A_150, %parallel_loop3A_171 : i32
        %parallel_loop3A_173 = vector.broadcast %parallel_loop3A_172 : i32 to vector<16xi32>
        %parallel_loop3A_174 = arith.addi %add3A_96, %parallel_loop3A_173 : vector<16xi32>
        %parallel_loop3A_175 = tpu.vector_load_idx %arg4[%parallel_loop3A_174] : memref<4096xf32, #tpu.memory_space<vmem>>[vector<16xi32>], vector<16xf32>,
        %parallel_loop3A_176 = arith.constant 80 : i32
        %parallel_loop3A_177 = arith.addi %parallel_loop3A_150, %parallel_loop3A_176 : i32
        %parallel_loop3A_178 = vector.broadcast %parallel_loop3A_177 : i32 to vector<16xi32>
        %parallel_loop3A_179 = arith.addi %add3A_96, %parallel_loop3A_178 : vector<16xi32>
        %parallel_loop3A_180 = tpu.vector_load_idx %arg4[%parallel_loop3A_179] : memref<4096xf32, #tpu.memory_space<vmem>>[vector<16xi32>], vector<16xf32>,
        %parallel_loop3A_181 = arith.constant 96 : i32
        %parallel_loop3A_182 = arith.addi %parallel_loop3A_150, %parallel_loop3A_181 : i32
        %parallel_loop3A_183 = vector.broadcast %parallel_loop3A_182 : i32 to vector<16xi32>
        %parallel_loop3A_184 = arith.addi %add3A_96, %parallel_loop3A_183 : vector<16xi32>
        %parallel_loop3A_185 = tpu.vector_load_idx %arg4[%parallel_loop3A_184] : memref<4096xf32, #tpu.memory_space<vmem>>[vector<16xi32>], vector<16xf32>,
        %parallel_loop3A_186 = arith.constant 112 : i32
        %parallel_loop3A_187 = arith.addi %parallel_loop3A_150, %parallel_loop3A_186 : i32
        %parallel_loop3A_188 = vector.broadcast %parallel_loop3A_187 : i32 to vector<16xi32>
        %parallel_loop3A_189 = arith.addi %add3A_96, %parallel_loop3A_188 : vector<16xi32>
        %parallel_loop3A_190 = tpu.vector_load_idx %arg4[%parallel_loop3A_189] : memref<4096xf32, #tpu.memory_space<vmem>>[vector<16xi32>], vector<16xf32>,
        %parallel_loop3A_191 = arith.constant 0 : i32
        %parallel_loop3A_192 = arith.addi %parallel_loop3A_150, %parallel_loop3A_191 : i32
        %parallel_loop3A_193 = tpu.assume_multiple %parallel_loop3A_192, 16 : i32
        %parallel_loop3A_194 = arith.constant 4 : i32
        %parallel_loop3A_195 = arith.index_cast %and3A_51 : i32 to index
        %parallel_loop3A_196 = arith.index_cast %parallel_loop3A_194 : i32 to index
        %parallel_loop3A_197 = arith.index_cast %parallel_loop3A_193 : i32 to index
        %parallel_loop3A_198 = tpu.vector_load %arg5[%parallel_loop3A_195, %parallel_loop3A_196, %parallel_loop3A_197] {strides = array<i32>} : memref<2x8x2048xf32, #tpu.memory_space<vmem>>, vector<16xf32>,
        tpu.vector_store %arg5[%parallel_loop3A_195, %parallel_loop3A_196, %parallel_loop3A_197], %parallel_loop3A_155 {strides = array<i32>} : memref<2x8x2048xf32, #tpu.memory_space<vmem>>, vector<16xf32>,
        %parallel_loop3A_199 = arith.constant 16 : i32
        %parallel_loop3A_200 = arith.addi %parallel_loop3A_150, %parallel_loop3A_199 : i32
        %parallel_loop3A_201 = tpu.assume_multiple %parallel_loop3A_200, 16 : i32
        %parallel_loop3A_202 = arith.constant 4 : i32
        %parallel_loop3A_203 = arith.index_cast %and3A_51 : i32 to index
        %parallel_loop3A_204 = arith.index_cast %parallel_loop3A_202 : i32 to index
        %parallel_loop3A_205 = arith.index_cast %parallel_loop3A_201 : i32 to index
        %parallel_loop3A_206 = tpu.vector_load %arg5[%parallel_loop3A_203, %parallel_loop3A_204, %parallel_loop3A_205] {strides = array<i32>} : memref<2x8x2048xf32, #tpu.memory_space<vmem>>, vector<16xf32>,
        tpu.vector_store %arg5[%parallel_loop3A_203, %parallel_loop3A_204, %parallel_loop3A_205], %parallel_loop3A_160 {strides = array<i32>} : memref<2x8x2048xf32, #tpu.memory_space<vmem>>, vector<16xf32>,
        %parallel_loop3A_207 = arith.constant 32 : i32
        %parallel_loop3A_208 = arith.addi %parallel_loop3A_150, %parallel_loop3A_207 : i32
        %parallel_loop3A_209 = tpu.assume_multiple %parallel_loop3A_208, 16 : i32
        %parallel_loop3A_210 = arith.constant 4 : i32
        %parallel_loop3A_211 = arith.index_cast %and3A_51 : i32 to index
        %parallel_loop3A_212 = arith.index_cast %parallel_loop3A_210 : i32 to index
        %parallel_loop3A_213 = arith.index_cast %parallel_loop3A_209 : i32 to index
        %parallel_loop3A_214 = tpu.vector_load %arg5[%parallel_loop3A_211, %parallel_loop3A_212, %parallel_loop3A_213] {strides = array<i32>} : memref<2x8x2048xf32, #tpu.memory_space<vmem>>, vector<16xf32>,
        tpu.vector_store %arg5[%parallel_loop3A_211, %parallel_loop3A_212, %parallel_loop3A_213], %parallel_loop3A_165 {strides = array<i32>} : memref<2x8x2048xf32, #tpu.memory_space<vmem>>, vector<16xf32>,
        %parallel_loop3A_215 = arith.constant 48 : i32
        %parallel_loop3A_216 = arith.addi %parallel_loop3A_150, %parallel_loop3A_215 : i32
        %parallel_loop3A_217 = tpu.assume_multiple %parallel_loop3A_216, 16 : i32
        %parallel_loop3A_218 = arith.constant 4 : i32
        %parallel_loop3A_219 = arith.index_cast %and3A_51 : i32 to index
        %parallel_loop3A_220 = arith.index_cast %parallel_loop3A_218 : i32 to index
        %parallel_loop3A_221 = arith.index_cast %parallel_loop3A_217 : i32 to index
        %parallel_loop3A_222 = tpu.vector_load %arg5[%parallel_loop3A_219, %parallel_loop3A_220, %parallel_loop3A_221] {strides = array<i32>} : memref<2x8x2048xf32, #tpu.memory_space<vmem>>, vector<16xf32>,
        tpu.vector_store %arg5[%parallel_loop3A_219, %parallel_loop3A_220, %parallel_loop3A_221], %parallel_loop3A_170 {strides = array<i32>} : memref<2x8x2048xf32, #tpu.memory_space<vmem>>, vector<16xf32>,
        %parallel_loop3A_223 = arith.constant 64 : i32
        %parallel_loop3A_224 = arith.addi %parallel_loop3A_150, %parallel_loop3A_223 : i32
        %parallel_loop3A_225 = tpu.assume_multiple %parallel_loop3A_224, 16 : i32
        %parallel_loop3A_226 = arith.constant 4 : i32
        %parallel_loop3A_227 = arith.index_cast %and3A_51 : i32 to index
        %parallel_loop3A_228 = arith.index_cast %parallel_loop3A_226 : i32 to index
        %parallel_loop3A_229 = arith.index_cast %parallel_loop3A_225 : i32 to index
        %parallel_loop3A_230 = tpu.vector_load %arg5[%parallel_loop3A_227, %parallel_loop3A_228, %parallel_loop3A_229] {strides = array<i32>} : memref<2x8x2048xf32, #tpu.memory_space<vmem>>, vector<16xf32>,
        tpu.vector_store %arg5[%parallel_loop3A_227, %parallel_loop3A_228, %parallel_loop3A_229], %parallel_loop3A_175 {strides = array<i32>} : memref<2x8x2048xf32, #tpu.memory_space<vmem>>, vector<16xf32>,
        %parallel_loop3A_231 = arith.constant 80 : i32
        %parallel_loop3A_232 = arith.addi %parallel_loop3A_150, %parallel_loop3A_231 : i32
        %parallel_loop3A_233 = tpu.assume_multiple %parallel_loop3A_232, 16 : i32
        %parallel_loop3A_234 = arith.constant 4 : i32
        %parallel_loop3A_235 = arith.index_cast %and3A_51 : i32 to index
        %parallel_loop3A_236 = arith.index_cast %parallel_loop3A_234 : i32 to index
        %parallel_loop3A_237 = arith.index_cast %parallel_loop3A_233 : i32 to index
        %parallel_loop3A_238 = tpu.vector_load %arg5[%parallel_loop3A_235, %parallel_loop3A_236, %parallel_loop3A_237] {strides = array<i32>} : memref<2x8x2048xf32, #tpu.memory_space<vmem>>, vector<16xf32>,
        tpu.vector_store %arg5[%parallel_loop3A_235, %parallel_loop3A_236, %parallel_loop3A_237], %parallel_loop3A_180 {strides = array<i32>} : memref<2x8x2048xf32, #tpu.memory_space<vmem>>, vector<16xf32>,
        %parallel_loop3A_239 = arith.constant 96 : i32
        %parallel_loop3A_240 = arith.addi %parallel_loop3A_150, %parallel_loop3A_239 : i32
        %parallel_loop3A_241 = tpu.assume_multiple %parallel_loop3A_240, 16 : i32
        %parallel_loop3A_242 = arith.constant 4 : i32
        %parallel_loop3A_243 = arith.index_cast %and3A_51 : i32 to index
        %parallel_loop3A_244 = arith.index_cast %parallel_loop3A_242 : i32 to index
        %parallel_loop3A_245 = arith.index_cast %parallel_loop3A_241 : i32 to index
        %parallel_loop3A_246 = tpu.vector_load %arg5[%parallel_loop3A_243, %parallel_loop3A_244, %parallel_loop3A_245] {strides = array<i32>} : memref<2x8x2048xf32, #tpu.memory_space<vmem>>, vector<16xf32>,
        tpu.vector_store %arg5[%parallel_loop3A_243, %parallel_loop3A_244, %parallel_loop3A_245], %parallel_loop3A_185 {strides = array<i32>} : memref<2x8x2048xf32, #tpu.memory_space<vmem>>, vector<16xf32>,
        %parallel_loop3A_247 = arith.constant 112 : i32
        %parallel_loop3A_248 = arith.addi %parallel_loop3A_150, %parallel_loop3A_247 : i32
        %parallel_loop3A_249 = tpu.assume_multiple %parallel_loop3A_248, 16 : i32
        %parallel_loop3A_250 = arith.constant 4 : i32
        %parallel_loop3A_251 = arith.index_cast %and3A_51 : i32 to index
        %parallel_loop3A_252 = arith.index_cast %parallel_loop3A_250 : i32 to index
        %parallel_loop3A_253 = arith.index_cast %parallel_loop3A_249 : i32 to index
        %parallel_loop3A_254 = tpu.vector_load %arg5[%parallel_loop3A_251, %parallel_loop3A_252, %parallel_loop3A_253] {strides = array<i32>} : memref<2x8x2048xf32, #tpu.memory_space<vmem>>, vector<16xf32>,
        tpu.vector_store %arg5[%parallel_loop3A_251, %parallel_loop3A_252, %parallel_loop3A_253], %parallel_loop3A_190 {strides = array<i32>} : memref<2x8x2048xf32, #tpu.memory_space<vmem>>, vector<16xf32>,
      } {sc.loop_unroll_factor = 4 : i64, sc.parallel_access}
      %sub3A_100 = arith.constant 2047 : i32
      %sub3A_101 = arith.subi %sub3A_100, %add3A_54 : i32
      %sub3A_102 = arith.constant 5 : i32
      %sub3A_103 = arith.subi %sub3A_101, %sub3A_102 : i32
      %add3A_104 = vector.broadcast %sub3A_103 : i32 to vector<16xi32>
      %add3A_105 = arith.addi %add3A_104, %iota3A : vector<16xi32>
      %parallel_loop3A_106 = arith.constant 0 : i32
      %parallel_loop3A_107 = arith.constant 16 : i32
      %parallel_loop3A_108 = arith.constant 1 : i32
      scf.for %parallel_loop3A_148 = %parallel_loop3A_106 to %parallel_loop3A_107 step %parallel_loop3A_108  : i32 {
        %parallel_loop3A_149 = arith.constant 128 : i32
        %parallel_loop3A_150 = arith.muli %parallel_loop3A_148, %parallel_loop3A_149 : i32
        %parallel_loop3A_151 = arith.constant 0 : i32
        %parallel_loop3A_152 = arith.addi %parallel_loop3A_150, %parallel_loop3A_151 : i32
        %parallel_loop3A_153 = vector.broadcast %parallel_loop3A_152 : i32 to vector<16xi32>
        %parallel_loop3A_154 = arith.addi %add3A_105, %parallel_loop3A_153 : vector<16xi32>
        %parallel_loop3A_155 = tpu.vector_load_idx %arg4[%parallel_loop3A_154] : memref<4096xf32, #tpu.memory_space<vmem>>[vector<16xi32>], vector<16xf32>,
        %parallel_loop3A_156 = arith.constant 16 : i32
        %parallel_loop3A_157 = arith.addi %parallel_loop3A_150, %parallel_loop3A_156 : i32
        %parallel_loop3A_158 = vector.broadcast %parallel_loop3A_157 : i32 to vector<16xi32>
        %parallel_loop3A_159 = arith.addi %add3A_105, %parallel_loop3A_158 : vector<16xi32>
        %parallel_loop3A_160 = tpu.vector_load_idx %arg4[%parallel_loop3A_159] : memref<4096xf32, #tpu.memory_space<vmem>>[vector<16xi32>], vector<16xf32>,
        %parallel_loop3A_161 = arith.constant 32 : i32
        %parallel_loop3A_162 = arith.addi %parallel_loop3A_150, %parallel_loop3A_161 : i32
        %parallel_loop3A_163 = vector.broadcast %parallel_loop3A_162 : i32 to vector<16xi32>
        %parallel_loop3A_164 = arith.addi %add3A_105, %parallel_loop3A_163 : vector<16xi32>
        %parallel_loop3A_165 = tpu.vector_load_idx %arg4[%parallel_loop3A_164] : memref<4096xf32, #tpu.memory_space<vmem>>[vector<16xi32>], vector<16xf32>,
        %parallel_loop3A_166 = arith.constant 48 : i32
        %parallel_loop3A_167 = arith.addi %parallel_loop3A_150, %parallel_loop3A_166 : i32
        %parallel_loop3A_168 = vector.broadcast %parallel_loop3A_167 : i32 to vector<16xi32>
        %parallel_loop3A_169 = arith.addi %add3A_105, %parallel_loop3A_168 : vector<16xi32>
        %parallel_loop3A_170 = tpu.vector_load_idx %arg4[%parallel_loop3A_169] : memref<4096xf32, #tpu.memory_space<vmem>>[vector<16xi32>], vector<16xf32>,
        %parallel_loop3A_171 = arith.constant 64 : i32
        %parallel_loop3A_172 = arith.addi %parallel_loop3A_150, %parallel_loop3A_171 : i32
        %parallel_loop3A_173 = vector.broadcast %parallel_loop3A_172 : i32 to vector<16xi32>
        %parallel_loop3A_174 = arith.addi %add3A_105, %parallel_loop3A_173 : vector<16xi32>
        %parallel_loop3A_175 = tpu.vector_load_idx %arg4[%parallel_loop3A_174] : memref<4096xf32, #tpu.memory_space<vmem>>[vector<16xi32>], vector<16xf32>,
        %parallel_loop3A_176 = arith.constant 80 : i32
        %parallel_loop3A_177 = arith.addi %parallel_loop3A_150, %parallel_loop3A_176 : i32
        %parallel_loop3A_178 = vector.broadcast %parallel_loop3A_177 : i32 to vector<16xi32>
        %parallel_loop3A_179 = arith.addi %add3A_105, %parallel_loop3A_178 : vector<16xi32>
        %parallel_loop3A_180 = tpu.vector_load_idx %arg4[%parallel_loop3A_179] : memref<4096xf32, #tpu.memory_space<vmem>>[vector<16xi32>], vector<16xf32>,
        %parallel_loop3A_181 = arith.constant 96 : i32
        %parallel_loop3A_182 = arith.addi %parallel_loop3A_150, %parallel_loop3A_181 : i32
        %parallel_loop3A_183 = vector.broadcast %parallel_loop3A_182 : i32 to vector<16xi32>
        %parallel_loop3A_184 = arith.addi %add3A_105, %parallel_loop3A_183 : vector<16xi32>
        %parallel_loop3A_185 = tpu.vector_load_idx %arg4[%parallel_loop3A_184] : memref<4096xf32, #tpu.memory_space<vmem>>[vector<16xi32>], vector<16xf32>,
        %parallel_loop3A_186 = arith.constant 112 : i32
        %parallel_loop3A_187 = arith.addi %parallel_loop3A_150, %parallel_loop3A_186 : i32
        %parallel_loop3A_188 = vector.broadcast %parallel_loop3A_187 : i32 to vector<16xi32>
        %parallel_loop3A_189 = arith.addi %add3A_105, %parallel_loop3A_188 : vector<16xi32>
        %parallel_loop3A_190 = tpu.vector_load_idx %arg4[%parallel_loop3A_189] : memref<4096xf32, #tpu.memory_space<vmem>>[vector<16xi32>], vector<16xf32>,
        %parallel_loop3A_191 = arith.constant 0 : i32
        %parallel_loop3A_192 = arith.addi %parallel_loop3A_150, %parallel_loop3A_191 : i32
        %parallel_loop3A_193 = tpu.assume_multiple %parallel_loop3A_192, 16 : i32
        %parallel_loop3A_194 = arith.constant 5 : i32
        %parallel_loop3A_195 = arith.index_cast %and3A_51 : i32 to index
        %parallel_loop3A_196 = arith.index_cast %parallel_loop3A_194 : i32 to index
        %parallel_loop3A_197 = arith.index_cast %parallel_loop3A_193 : i32 to index
        %parallel_loop3A_198 = tpu.vector_load %arg5[%parallel_loop3A_195, %parallel_loop3A_196, %parallel_loop3A_197] {strides = array<i32>} : memref<2x8x2048xf32, #tpu.memory_space<vmem>>, vector<16xf32>,
        tpu.vector_store %arg5[%parallel_loop3A_195, %parallel_loop3A_196, %parallel_loop3A_197], %parallel_loop3A_155 {strides = array<i32>} : memref<2x8x2048xf32, #tpu.memory_space<vmem>>, vector<16xf32>,
        %parallel_loop3A_199 = arith.constant 16 : i32
        %parallel_loop3A_200 = arith.addi %parallel_loop3A_150, %parallel_loop3A_199 : i32
        %parallel_loop3A_201 = tpu.assume_multiple %parallel_loop3A_200, 16 : i32
        %parallel_loop3A_202 = arith.constant 5 : i32
        %parallel_loop3A_203 = arith.index_cast %and3A_51 : i32 to index
        %parallel_loop3A_204 = arith.index_cast %parallel_loop3A_202 : i32 to index
        %parallel_loop3A_205 = arith.index_cast %parallel_loop3A_201 : i32 to index
        %parallel_loop3A_206 = tpu.vector_load %arg5[%parallel_loop3A_203, %parallel_loop3A_204, %parallel_loop3A_205] {strides = array<i32>} : memref<2x8x2048xf32, #tpu.memory_space<vmem>>, vector<16xf32>,
        tpu.vector_store %arg5[%parallel_loop3A_203, %parallel_loop3A_204, %parallel_loop3A_205], %parallel_loop3A_160 {strides = array<i32>} : memref<2x8x2048xf32, #tpu.memory_space<vmem>>, vector<16xf32>,
        %parallel_loop3A_207 = arith.constant 32 : i32
        %parallel_loop3A_208 = arith.addi %parallel_loop3A_150, %parallel_loop3A_207 : i32
        %parallel_loop3A_209 = tpu.assume_multiple %parallel_loop3A_208, 16 : i32
        %parallel_loop3A_210 = arith.constant 5 : i32
        %parallel_loop3A_211 = arith.index_cast %and3A_51 : i32 to index
        %parallel_loop3A_212 = arith.index_cast %parallel_loop3A_210 : i32 to index
        %parallel_loop3A_213 = arith.index_cast %parallel_loop3A_209 : i32 to index
        %parallel_loop3A_214 = tpu.vector_load %arg5[%parallel_loop3A_211, %parallel_loop3A_212, %parallel_loop3A_213] {strides = array<i32>} : memref<2x8x2048xf32, #tpu.memory_space<vmem>>, vector<16xf32>,
        tpu.vector_store %arg5[%parallel_loop3A_211, %parallel_loop3A_212, %parallel_loop3A_213], %parallel_loop3A_165 {strides = array<i32>} : memref<2x8x2048xf32, #tpu.memory_space<vmem>>, vector<16xf32>,
        %parallel_loop3A_215 = arith.constant 48 : i32
        %parallel_loop3A_216 = arith.addi %parallel_loop3A_150, %parallel_loop3A_215 : i32
        %parallel_loop3A_217 = tpu.assume_multiple %parallel_loop3A_216, 16 : i32
        %parallel_loop3A_218 = arith.constant 5 : i32
        %parallel_loop3A_219 = arith.index_cast %and3A_51 : i32 to index
        %parallel_loop3A_220 = arith.index_cast %parallel_loop3A_218 : i32 to index
        %parallel_loop3A_221 = arith.index_cast %parallel_loop3A_217 : i32 to index
        %parallel_loop3A_222 = tpu.vector_load %arg5[%parallel_loop3A_219, %parallel_loop3A_220, %parallel_loop3A_221] {strides = array<i32>} : memref<2x8x2048xf32, #tpu.memory_space<vmem>>, vector<16xf32>,
        tpu.vector_store %arg5[%parallel_loop3A_219, %parallel_loop3A_220, %parallel_loop3A_221], %parallel_loop3A_170 {strides = array<i32>} : memref<2x8x2048xf32, #tpu.memory_space<vmem>>, vector<16xf32>,
        %parallel_loop3A_223 = arith.constant 64 : i32
        %parallel_loop3A_224 = arith.addi %parallel_loop3A_150, %parallel_loop3A_223 : i32
        %parallel_loop3A_225 = tpu.assume_multiple %parallel_loop3A_224, 16 : i32
        %parallel_loop3A_226 = arith.constant 5 : i32
        %parallel_loop3A_227 = arith.index_cast %and3A_51 : i32 to index
        %parallel_loop3A_228 = arith.index_cast %parallel_loop3A_226 : i32 to index
        %parallel_loop3A_229 = arith.index_cast %parallel_loop3A_225 : i32 to index
        %parallel_loop3A_230 = tpu.vector_load %arg5[%parallel_loop3A_227, %parallel_loop3A_228, %parallel_loop3A_229] {strides = array<i32>} : memref<2x8x2048xf32, #tpu.memory_space<vmem>>, vector<16xf32>,
        tpu.vector_store %arg5[%parallel_loop3A_227, %parallel_loop3A_228, %parallel_loop3A_229], %parallel_loop3A_175 {strides = array<i32>} : memref<2x8x2048xf32, #tpu.memory_space<vmem>>, vector<16xf32>,
        %parallel_loop3A_231 = arith.constant 80 : i32
        %parallel_loop3A_232 = arith.addi %parallel_loop3A_150, %parallel_loop3A_231 : i32
        %parallel_loop3A_233 = tpu.assume_multiple %parallel_loop3A_232, 16 : i32
        %parallel_loop3A_234 = arith.constant 5 : i32
        %parallel_loop3A_235 = arith.index_cast %and3A_51 : i32 to index
        %parallel_loop3A_236 = arith.index_cast %parallel_loop3A_234 : i32 to index
        %parallel_loop3A_237 = arith.index_cast %parallel_loop3A_233 : i32 to index
        %parallel_loop3A_238 = tpu.vector_load %arg5[%parallel_loop3A_235, %parallel_loop3A_236, %parallel_loop3A_237] {strides = array<i32>} : memref<2x8x2048xf32, #tpu.memory_space<vmem>>, vector<16xf32>,
        tpu.vector_store %arg5[%parallel_loop3A_235, %parallel_loop3A_236, %parallel_loop3A_237], %parallel_loop3A_180 {strides = array<i32>} : memref<2x8x2048xf32, #tpu.memory_space<vmem>>, vector<16xf32>,
        %parallel_loop3A_239 = arith.constant 96 : i32
        %parallel_loop3A_240 = arith.addi %parallel_loop3A_150, %parallel_loop3A_239 : i32
        %parallel_loop3A_241 = tpu.assume_multiple %parallel_loop3A_240, 16 : i32
        %parallel_loop3A_242 = arith.constant 5 : i32
        %parallel_loop3A_243 = arith.index_cast %and3A_51 : i32 to index
        %parallel_loop3A_244 = arith.index_cast %parallel_loop3A_242 : i32 to index
        %parallel_loop3A_245 = arith.index_cast %parallel_loop3A_241 : i32 to index
        %parallel_loop3A_246 = tpu.vector_load %arg5[%parallel_loop3A_243, %parallel_loop3A_244, %parallel_loop3A_245] {strides = array<i32>} : memref<2x8x2048xf32, #tpu.memory_space<vmem>>, vector<16xf32>,
        tpu.vector_store %arg5[%parallel_loop3A_243, %parallel_loop3A_244, %parallel_loop3A_245], %parallel_loop3A_185 {strides = array<i32>} : memref<2x8x2048xf32, #tpu.memory_space<vmem>>, vector<16xf32>,
        %parallel_loop3A_247 = arith.constant 112 : i32
        %parallel_loop3A_248 = arith.addi %parallel_loop3A_150, %parallel_loop3A_247 : i32
        %parallel_loop3A_249 = tpu.assume_multiple %parallel_loop3A_248, 16 : i32
        %parallel_loop3A_250 = arith.constant 5 : i32
        %parallel_loop3A_251 = arith.index_cast %and3A_51 : i32 to index
        %parallel_loop3A_252 = arith.index_cast %parallel_loop3A_250 : i32 to index
        %parallel_loop3A_253 = arith.index_cast %parallel_loop3A_249 : i32 to index
        %parallel_loop3A_254 = tpu.vector_load %arg5[%parallel_loop3A_251, %parallel_loop3A_252, %parallel_loop3A_253] {strides = array<i32>} : memref<2x8x2048xf32, #tpu.memory_space<vmem>>, vector<16xf32>,
        tpu.vector_store %arg5[%parallel_loop3A_251, %parallel_loop3A_252, %parallel_loop3A_253], %parallel_loop3A_190 {strides = array<i32>} : memref<2x8x2048xf32, #tpu.memory_space<vmem>>, vector<16xf32>,
      } {sc.loop_unroll_factor = 4 : i64, sc.parallel_access}
      %sub3A_109 = arith.constant 2047 : i32
      %sub3A_110 = arith.subi %sub3A_109, %add3A_54 : i32
      %sub3A_111 = arith.constant 6 : i32
      %sub3A_112 = arith.subi %sub3A_110, %sub3A_111 : i32
      %add3A_113 = vector.broadcast %sub3A_112 : i32 to vector<16xi32>
      %add3A_114 = arith.addi %add3A_113, %iota3A : vector<16xi32>
      %parallel_loop3A_115 = arith.constant 0 : i32
      %parallel_loop3A_116 = arith.constant 16 : i32
      %parallel_loop3A_117 = arith.constant 1 : i32
      scf.for %parallel_loop3A_148 = %parallel_loop3A_115 to %parallel_loop3A_116 step %parallel_loop3A_117  : i32 {
        %parallel_loop3A_149 = arith.constant 128 : i32
        %parallel_loop3A_150 = arith.muli %parallel_loop3A_148, %parallel_loop3A_149 : i32
        %parallel_loop3A_151 = arith.constant 0 : i32
        %parallel_loop3A_152 = arith.addi %parallel_loop3A_150, %parallel_loop3A_151 : i32
        %parallel_loop3A_153 = vector.broadcast %parallel_loop3A_152 : i32 to vector<16xi32>
        %parallel_loop3A_154 = arith.addi %add3A_114, %parallel_loop3A_153 : vector<16xi32>
        %parallel_loop3A_155 = tpu.vector_load_idx %arg4[%parallel_loop3A_154] : memref<4096xf32, #tpu.memory_space<vmem>>[vector<16xi32>], vector<16xf32>,
        %parallel_loop3A_156 = arith.constant 16 : i32
        %parallel_loop3A_157 = arith.addi %parallel_loop3A_150, %parallel_loop3A_156 : i32
        %parallel_loop3A_158 = vector.broadcast %parallel_loop3A_157 : i32 to vector<16xi32>
        %parallel_loop3A_159 = arith.addi %add3A_114, %parallel_loop3A_158 : vector<16xi32>
        %parallel_loop3A_160 = tpu.vector_load_idx %arg4[%parallel_loop3A_159] : memref<4096xf32, #tpu.memory_space<vmem>>[vector<16xi32>], vector<16xf32>,
        %parallel_loop3A_161 = arith.constant 32 : i32
        %parallel_loop3A_162 = arith.addi %parallel_loop3A_150, %parallel_loop3A_161 : i32
        %parallel_loop3A_163 = vector.broadcast %parallel_loop3A_162 : i32 to vector<16xi32>
        %parallel_loop3A_164 = arith.addi %add3A_114, %parallel_loop3A_163 : vector<16xi32>
        %parallel_loop3A_165 = tpu.vector_load_idx %arg4[%parallel_loop3A_164] : memref<4096xf32, #tpu.memory_space<vmem>>[vector<16xi32>], vector<16xf32>,
        %parallel_loop3A_166 = arith.constant 48 : i32
        %parallel_loop3A_167 = arith.addi %parallel_loop3A_150, %parallel_loop3A_166 : i32
        %parallel_loop3A_168 = vector.broadcast %parallel_loop3A_167 : i32 to vector<16xi32>
        %parallel_loop3A_169 = arith.addi %add3A_114, %parallel_loop3A_168 : vector<16xi32>
        %parallel_loop3A_170 = tpu.vector_load_idx %arg4[%parallel_loop3A_169] : memref<4096xf32, #tpu.memory_space<vmem>>[vector<16xi32>], vector<16xf32>,
        %parallel_loop3A_171 = arith.constant 64 : i32
        %parallel_loop3A_172 = arith.addi %parallel_loop3A_150, %parallel_loop3A_171 : i32
        %parallel_loop3A_173 = vector.broadcast %parallel_loop3A_172 : i32 to vector<16xi32>
        %parallel_loop3A_174 = arith.addi %add3A_114, %parallel_loop3A_173 : vector<16xi32>
        %parallel_loop3A_175 = tpu.vector_load_idx %arg4[%parallel_loop3A_174] : memref<4096xf32, #tpu.memory_space<vmem>>[vector<16xi32>], vector<16xf32>,
        %parallel_loop3A_176 = arith.constant 80 : i32
        %parallel_loop3A_177 = arith.addi %parallel_loop3A_150, %parallel_loop3A_176 : i32
        %parallel_loop3A_178 = vector.broadcast %parallel_loop3A_177 : i32 to vector<16xi32>
        %parallel_loop3A_179 = arith.addi %add3A_114, %parallel_loop3A_178 : vector<16xi32>
        %parallel_loop3A_180 = tpu.vector_load_idx %arg4[%parallel_loop3A_179] : memref<4096xf32, #tpu.memory_space<vmem>>[vector<16xi32>], vector<16xf32>,
        %parallel_loop3A_181 = arith.constant 96 : i32
        %parallel_loop3A_182 = arith.addi %parallel_loop3A_150, %parallel_loop3A_181 : i32
        %parallel_loop3A_183 = vector.broadcast %parallel_loop3A_182 : i32 to vector<16xi32>
        %parallel_loop3A_184 = arith.addi %add3A_114, %parallel_loop3A_183 : vector<16xi32>
        %parallel_loop3A_185 = tpu.vector_load_idx %arg4[%parallel_loop3A_184] : memref<4096xf32, #tpu.memory_space<vmem>>[vector<16xi32>], vector<16xf32>,
        %parallel_loop3A_186 = arith.constant 112 : i32
        %parallel_loop3A_187 = arith.addi %parallel_loop3A_150, %parallel_loop3A_186 : i32
        %parallel_loop3A_188 = vector.broadcast %parallel_loop3A_187 : i32 to vector<16xi32>
        %parallel_loop3A_189 = arith.addi %add3A_114, %parallel_loop3A_188 : vector<16xi32>
        %parallel_loop3A_190 = tpu.vector_load_idx %arg4[%parallel_loop3A_189] : memref<4096xf32, #tpu.memory_space<vmem>>[vector<16xi32>], vector<16xf32>,
        %parallel_loop3A_191 = arith.constant 0 : i32
        %parallel_loop3A_192 = arith.addi %parallel_loop3A_150, %parallel_loop3A_191 : i32
        %parallel_loop3A_193 = tpu.assume_multiple %parallel_loop3A_192, 16 : i32
        %parallel_loop3A_194 = arith.constant 6 : i32
        %parallel_loop3A_195 = arith.index_cast %and3A_51 : i32 to index
        %parallel_loop3A_196 = arith.index_cast %parallel_loop3A_194 : i32 to index
        %parallel_loop3A_197 = arith.index_cast %parallel_loop3A_193 : i32 to index
        %parallel_loop3A_198 = tpu.vector_load %arg5[%parallel_loop3A_195, %parallel_loop3A_196, %parallel_loop3A_197] {strides = array<i32>} : memref<2x8x2048xf32, #tpu.memory_space<vmem>>, vector<16xf32>,
        tpu.vector_store %arg5[%parallel_loop3A_195, %parallel_loop3A_196, %parallel_loop3A_197], %parallel_loop3A_155 {strides = array<i32>} : memref<2x8x2048xf32, #tpu.memory_space<vmem>>, vector<16xf32>,
        %parallel_loop3A_199 = arith.constant 16 : i32
        %parallel_loop3A_200 = arith.addi %parallel_loop3A_150, %parallel_loop3A_199 : i32
        %parallel_loop3A_201 = tpu.assume_multiple %parallel_loop3A_200, 16 : i32
        %parallel_loop3A_202 = arith.constant 6 : i32
        %parallel_loop3A_203 = arith.index_cast %and3A_51 : i32 to index
        %parallel_loop3A_204 = arith.index_cast %parallel_loop3A_202 : i32 to index
        %parallel_loop3A_205 = arith.index_cast %parallel_loop3A_201 : i32 to index
        %parallel_loop3A_206 = tpu.vector_load %arg5[%parallel_loop3A_203, %parallel_loop3A_204, %parallel_loop3A_205] {strides = array<i32>} : memref<2x8x2048xf32, #tpu.memory_space<vmem>>, vector<16xf32>,
        tpu.vector_store %arg5[%parallel_loop3A_203, %parallel_loop3A_204, %parallel_loop3A_205], %parallel_loop3A_160 {strides = array<i32>} : memref<2x8x2048xf32, #tpu.memory_space<vmem>>, vector<16xf32>,
        %parallel_loop3A_207 = arith.constant 32 : i32
        %parallel_loop3A_208 = arith.addi %parallel_loop3A_150, %parallel_loop3A_207 : i32
        %parallel_loop3A_209 = tpu.assume_multiple %parallel_loop3A_208, 16 : i32
        %parallel_loop3A_210 = arith.constant 6 : i32
        %parallel_loop3A_211 = arith.index_cast %and3A_51 : i32 to index
        %parallel_loop3A_212 = arith.index_cast %parallel_loop3A_210 : i32 to index
        %parallel_loop3A_213 = arith.index_cast %parallel_loop3A_209 : i32 to index
        %parallel_loop3A_214 = tpu.vector_load %arg5[%parallel_loop3A_211, %parallel_loop3A_212, %parallel_loop3A_213] {strides = array<i32>} : memref<2x8x2048xf32, #tpu.memory_space<vmem>>, vector<16xf32>,
        tpu.vector_store %arg5[%parallel_loop3A_211, %parallel_loop3A_212, %parallel_loop3A_213], %parallel_loop3A_165 {strides = array<i32>} : memref<2x8x2048xf32, #tpu.memory_space<vmem>>, vector<16xf32>,
        %parallel_loop3A_215 = arith.constant 48 : i32
        %parallel_loop3A_216 = arith.addi %parallel_loop3A_150, %parallel_loop3A_215 : i32
        %parallel_loop3A_217 = tpu.assume_multiple %parallel_loop3A_216, 16 : i32
        %parallel_loop3A_218 = arith.constant 6 : i32
        %parallel_loop3A_219 = arith.index_cast %and3A_51 : i32 to index
        %parallel_loop3A_220 = arith.index_cast %parallel_loop3A_218 : i32 to index
        %parallel_loop3A_221 = arith.index_cast %parallel_loop3A_217 : i32 to index
        %parallel_loop3A_222 = tpu.vector_load %arg5[%parallel_loop3A_219, %parallel_loop3A_220, %parallel_loop3A_221] {strides = array<i32>} : memref<2x8x2048xf32, #tpu.memory_space<vmem>>, vector<16xf32>,
        tpu.vector_store %arg5[%parallel_loop3A_219, %parallel_loop3A_220, %parallel_loop3A_221], %parallel_loop3A_170 {strides = array<i32>} : memref<2x8x2048xf32, #tpu.memory_space<vmem>>, vector<16xf32>,
        %parallel_loop3A_223 = arith.constant 64 : i32
        %parallel_loop3A_224 = arith.addi %parallel_loop3A_150, %parallel_loop3A_223 : i32
        %parallel_loop3A_225 = tpu.assume_multiple %parallel_loop3A_224, 16 : i32
        %parallel_loop3A_226 = arith.constant 6 : i32
        %parallel_loop3A_227 = arith.index_cast %and3A_51 : i32 to index
        %parallel_loop3A_228 = arith.index_cast %parallel_loop3A_226 : i32 to index
        %parallel_loop3A_229 = arith.index_cast %parallel_loop3A_225 : i32 to index
        %parallel_loop3A_230 = tpu.vector_load %arg5[%parallel_loop3A_227, %parallel_loop3A_228, %parallel_loop3A_229] {strides = array<i32>} : memref<2x8x2048xf32, #tpu.memory_space<vmem>>, vector<16xf32>,
        tpu.vector_store %arg5[%parallel_loop3A_227, %parallel_loop3A_228, %parallel_loop3A_229], %parallel_loop3A_175 {strides = array<i32>} : memref<2x8x2048xf32, #tpu.memory_space<vmem>>, vector<16xf32>,
        %parallel_loop3A_231 = arith.constant 80 : i32
        %parallel_loop3A_232 = arith.addi %parallel_loop3A_150, %parallel_loop3A_231 : i32
        %parallel_loop3A_233 = tpu.assume_multiple %parallel_loop3A_232, 16 : i32
        %parallel_loop3A_234 = arith.constant 6 : i32
        %parallel_loop3A_235 = arith.index_cast %and3A_51 : i32 to index
        %parallel_loop3A_236 = arith.index_cast %parallel_loop3A_234 : i32 to index
        %parallel_loop3A_237 = arith.index_cast %parallel_loop3A_233 : i32 to index
        %parallel_loop3A_238 = tpu.vector_load %arg5[%parallel_loop3A_235, %parallel_loop3A_236, %parallel_loop3A_237] {strides = array<i32>} : memref<2x8x2048xf32, #tpu.memory_space<vmem>>, vector<16xf32>,
        tpu.vector_store %arg5[%parallel_loop3A_235, %parallel_loop3A_236, %parallel_loop3A_237], %parallel_loop3A_180 {strides = array<i32>} : memref<2x8x2048xf32, #tpu.memory_space<vmem>>, vector<16xf32>,
        %parallel_loop3A_239 = arith.constant 96 : i32
        %parallel_loop3A_240 = arith.addi %parallel_loop3A_150, %parallel_loop3A_239 : i32
        %parallel_loop3A_241 = tpu.assume_multiple %parallel_loop3A_240, 16 : i32
        %parallel_loop3A_242 = arith.constant 6 : i32
        %parallel_loop3A_243 = arith.index_cast %and3A_51 : i32 to index
        %parallel_loop3A_244 = arith.index_cast %parallel_loop3A_242 : i32 to index
        %parallel_loop3A_245 = arith.index_cast %parallel_loop3A_241 : i32 to index
        %parallel_loop3A_246 = tpu.vector_load %arg5[%parallel_loop3A_243, %parallel_loop3A_244, %parallel_loop3A_245] {strides = array<i32>} : memref<2x8x2048xf32, #tpu.memory_space<vmem>>, vector<16xf32>,
        tpu.vector_store %arg5[%parallel_loop3A_243, %parallel_loop3A_244, %parallel_loop3A_245], %parallel_loop3A_185 {strides = array<i32>} : memref<2x8x2048xf32, #tpu.memory_space<vmem>>, vector<16xf32>,
        %parallel_loop3A_247 = arith.constant 112 : i32
        %parallel_loop3A_248 = arith.addi %parallel_loop3A_150, %parallel_loop3A_247 : i32
        %parallel_loop3A_249 = tpu.assume_multiple %parallel_loop3A_248, 16 : i32
        %parallel_loop3A_250 = arith.constant 6 : i32
        %parallel_loop3A_251 = arith.index_cast %and3A_51 : i32 to index
        %parallel_loop3A_252 = arith.index_cast %parallel_loop3A_250 : i32 to index
        %parallel_loop3A_253 = arith.index_cast %parallel_loop3A_249 : i32 to index
        %parallel_loop3A_254 = tpu.vector_load %arg5[%parallel_loop3A_251, %parallel_loop3A_252, %parallel_loop3A_253] {strides = array<i32>} : memref<2x8x2048xf32, #tpu.memory_space<vmem>>, vector<16xf32>,
        tpu.vector_store %arg5[%parallel_loop3A_251, %parallel_loop3A_252, %parallel_loop3A_253], %parallel_loop3A_190 {strides = array<i32>} : memref<2x8x2048xf32, #tpu.memory_space<vmem>>, vector<16xf32>,
      } {sc.loop_unroll_factor = 4 : i64, sc.parallel_access}
      %sub3A_118 = arith.constant 2047 : i32
      %sub3A_119 = arith.subi %sub3A_118, %add3A_54 : i32
      %sub3A_120 = arith.constant 7 : i32
      %sub3A_121 = arith.subi %sub3A_119, %sub3A_120 : i32
      %add3A_122 = vector.broadcast %sub3A_121 : i32 to vector<16xi32>
      %add3A_123 = arith.addi %add3A_122, %iota3A : vector<16xi32>
      %parallel_loop3A_124 = arith.constant 0 : i32
      %parallel_loop3A_125 = arith.constant 16 : i32
      %parallel_loop3A_126 = arith.constant 1 : i32
      scf.for %parallel_loop3A_148 = %parallel_loop3A_124 to %parallel_loop3A_125 step %parallel_loop3A_126  : i32 {
        %parallel_loop3A_149 = arith.constant 128 : i32
        %parallel_loop3A_150 = arith.muli %parallel_loop3A_148, %parallel_loop3A_149 : i32
        %parallel_loop3A_151 = arith.constant 0 : i32
        %parallel_loop3A_152 = arith.addi %parallel_loop3A_150, %parallel_loop3A_151 : i32
        %parallel_loop3A_153 = vector.broadcast %parallel_loop3A_152 : i32 to vector<16xi32>
        %parallel_loop3A_154 = arith.addi %add3A_123, %parallel_loop3A_153 : vector<16xi32>
        %parallel_loop3A_155 = tpu.vector_load_idx %arg4[%parallel_loop3A_154] : memref<4096xf32, #tpu.memory_space<vmem>>[vector<16xi32>], vector<16xf32>,
        %parallel_loop3A_156 = arith.constant 16 : i32
        %parallel_loop3A_157 = arith.addi %parallel_loop3A_150, %parallel_loop3A_156 : i32
        %parallel_loop3A_158 = vector.broadcast %parallel_loop3A_157 : i32 to vector<16xi32>
        %parallel_loop3A_159 = arith.addi %add3A_123, %parallel_loop3A_158 : vector<16xi32>
        %parallel_loop3A_160 = tpu.vector_load_idx %arg4[%parallel_loop3A_159] : memref<4096xf32, #tpu.memory_space<vmem>>[vector<16xi32>], vector<16xf32>,
        %parallel_loop3A_161 = arith.constant 32 : i32
        %parallel_loop3A_162 = arith.addi %parallel_loop3A_150, %parallel_loop3A_161 : i32
        %parallel_loop3A_163 = vector.broadcast %parallel_loop3A_162 : i32 to vector<16xi32>
        %parallel_loop3A_164 = arith.addi %add3A_123, %parallel_loop3A_163 : vector<16xi32>
        %parallel_loop3A_165 = tpu.vector_load_idx %arg4[%parallel_loop3A_164] : memref<4096xf32, #tpu.memory_space<vmem>>[vector<16xi32>], vector<16xf32>,
        %parallel_loop3A_166 = arith.constant 48 : i32
        %parallel_loop3A_167 = arith.addi %parallel_loop3A_150, %parallel_loop3A_166 : i32
        %parallel_loop3A_168 = vector.broadcast %parallel_loop3A_167 : i32 to vector<16xi32>
        %parallel_loop3A_169 = arith.addi %add3A_123, %parallel_loop3A_168 : vector<16xi32>
        %parallel_loop3A_170 = tpu.vector_load_idx %arg4[%parallel_loop3A_169] : memref<4096xf32, #tpu.memory_space<vmem>>[vector<16xi32>], vector<16xf32>,
        %parallel_loop3A_171 = arith.constant 64 : i32
        %parallel_loop3A_172 = arith.addi %parallel_loop3A_150, %parallel_loop3A_171 : i32
        %parallel_loop3A_173 = vector.broadcast %parallel_loop3A_172 : i32 to vector<16xi32>
        %parallel_loop3A_174 = arith.addi %add3A_123, %parallel_loop3A_173 : vector<16xi32>
        %parallel_loop3A_175 = tpu.vector_load_idx %arg4[%parallel_loop3A_174] : memref<4096xf32, #tpu.memory_space<vmem>>[vector<16xi32>], vector<16xf32>,
        %parallel_loop3A_176 = arith.constant 80 : i32
        %parallel_loop3A_177 = arith.addi %parallel_loop3A_150, %parallel_loop3A_176 : i32
        %parallel_loop3A_178 = vector.broadcast %parallel_loop3A_177 : i32 to vector<16xi32>
        %parallel_loop3A_179 = arith.addi %add3A_123, %parallel_loop3A_178 : vector<16xi32>
        %parallel_loop3A_180 = tpu.vector_load_idx %arg4[%parallel_loop3A_179] : memref<4096xf32, #tpu.memory_space<vmem>>[vector<16xi32>], vector<16xf32>,
        %parallel_loop3A_181 = arith.constant 96 : i32
        %parallel_loop3A_182 = arith.addi %parallel_loop3A_150, %parallel_loop3A_181 : i32
        %parallel_loop3A_183 = vector.broadcast %parallel_loop3A_182 : i32 to vector<16xi32>
        %parallel_loop3A_184 = arith.addi %add3A_123, %parallel_loop3A_183 : vector<16xi32>
        %parallel_loop3A_185 = tpu.vector_load_idx %arg4[%parallel_loop3A_184] : memref<4096xf32, #tpu.memory_space<vmem>>[vector<16xi32>], vector<16xf32>,
        %parallel_loop3A_186 = arith.constant 112 : i32
        %parallel_loop3A_187 = arith.addi %parallel_loop3A_150, %parallel_loop3A_186 : i32
        %parallel_loop3A_188 = vector.broadcast %parallel_loop3A_187 : i32 to vector<16xi32>
        %parallel_loop3A_189 = arith.addi %add3A_123, %parallel_loop3A_188 : vector<16xi32>
        %parallel_loop3A_190 = tpu.vector_load_idx %arg4[%parallel_loop3A_189] : memref<4096xf32, #tpu.memory_space<vmem>>[vector<16xi32>], vector<16xf32>,
        %parallel_loop3A_191 = arith.constant 0 : i32
        %parallel_loop3A_192 = arith.addi %parallel_loop3A_150, %parallel_loop3A_191 : i32
        %parallel_loop3A_193 = tpu.assume_multiple %parallel_loop3A_192, 16 : i32
        %parallel_loop3A_194 = arith.constant 7 : i32
        %parallel_loop3A_195 = arith.index_cast %and3A_51 : i32 to index
        %parallel_loop3A_196 = arith.index_cast %parallel_loop3A_194 : i32 to index
        %parallel_loop3A_197 = arith.index_cast %parallel_loop3A_193 : i32 to index
        %parallel_loop3A_198 = tpu.vector_load %arg5[%parallel_loop3A_195, %parallel_loop3A_196, %parallel_loop3A_197] {strides = array<i32>} : memref<2x8x2048xf32, #tpu.memory_space<vmem>>, vector<16xf32>,
        tpu.vector_store %arg5[%parallel_loop3A_195, %parallel_loop3A_196, %parallel_loop3A_197], %parallel_loop3A_155 {strides = array<i32>} : memref<2x8x2048xf32, #tpu.memory_space<vmem>>, vector<16xf32>,
        %parallel_loop3A_199 = arith.constant 16 : i32
        %parallel_loop3A_200 = arith.addi %parallel_loop3A_150, %parallel_loop3A_199 : i32
        %parallel_loop3A_201 = tpu.assume_multiple %parallel_loop3A_200, 16 : i32
        %parallel_loop3A_202 = arith.constant 7 : i32
        %parallel_loop3A_203 = arith.index_cast %and3A_51 : i32 to index
        %parallel_loop3A_204 = arith.index_cast %parallel_loop3A_202 : i32 to index
        %parallel_loop3A_205 = arith.index_cast %parallel_loop3A_201 : i32 to index
        %parallel_loop3A_206 = tpu.vector_load %arg5[%parallel_loop3A_203, %parallel_loop3A_204, %parallel_loop3A_205] {strides = array<i32>} : memref<2x8x2048xf32, #tpu.memory_space<vmem>>, vector<16xf32>,
        tpu.vector_store %arg5[%parallel_loop3A_203, %parallel_loop3A_204, %parallel_loop3A_205], %parallel_loop3A_160 {strides = array<i32>} : memref<2x8x2048xf32, #tpu.memory_space<vmem>>, vector<16xf32>,
        %parallel_loop3A_207 = arith.constant 32 : i32
        %parallel_loop3A_208 = arith.addi %parallel_loop3A_150, %parallel_loop3A_207 : i32
        %parallel_loop3A_209 = tpu.assume_multiple %parallel_loop3A_208, 16 : i32
        %parallel_loop3A_210 = arith.constant 7 : i32
        %parallel_loop3A_211 = arith.index_cast %and3A_51 : i32 to index
        %parallel_loop3A_212 = arith.index_cast %parallel_loop3A_210 : i32 to index
        %parallel_loop3A_213 = arith.index_cast %parallel_loop3A_209 : i32 to index
        %parallel_loop3A_214 = tpu.vector_load %arg5[%parallel_loop3A_211, %parallel_loop3A_212, %parallel_loop3A_213] {strides = array<i32>} : memref<2x8x2048xf32, #tpu.memory_space<vmem>>, vector<16xf32>,
        tpu.vector_store %arg5[%parallel_loop3A_211, %parallel_loop3A_212, %parallel_loop3A_213], %parallel_loop3A_165 {strides = array<i32>} : memref<2x8x2048xf32, #tpu.memory_space<vmem>>, vector<16xf32>,
        %parallel_loop3A_215 = arith.constant 48 : i32
        %parallel_loop3A_216 = arith.addi %parallel_loop3A_150, %parallel_loop3A_215 : i32
        %parallel_loop3A_217 = tpu.assume_multiple %parallel_loop3A_216, 16 : i32
        %parallel_loop3A_218 = arith.constant 7 : i32
        %parallel_loop3A_219 = arith.index_cast %and3A_51 : i32 to index
        %parallel_loop3A_220 = arith.index_cast %parallel_loop3A_218 : i32 to index
        %parallel_loop3A_221 = arith.index_cast %parallel_loop3A_217 : i32 to index
        %parallel_loop3A_222 = tpu.vector_load %arg5[%parallel_loop3A_219, %parallel_loop3A_220, %parallel_loop3A_221] {strides = array<i32>} : memref<2x8x2048xf32, #tpu.memory_space<vmem>>, vector<16xf32>,
        tpu.vector_store %arg5[%parallel_loop3A_219, %parallel_loop3A_220, %parallel_loop3A_221], %parallel_loop3A_170 {strides = array<i32>} : memref<2x8x2048xf32, #tpu.memory_space<vmem>>, vector<16xf32>,
        %parallel_loop3A_223 = arith.constant 64 : i32
        %parallel_loop3A_224 = arith.addi %parallel_loop3A_150, %parallel_loop3A_223 : i32
        %parallel_loop3A_225 = tpu.assume_multiple %parallel_loop3A_224, 16 : i32
        %parallel_loop3A_226 = arith.constant 7 : i32
        %parallel_loop3A_227 = arith.index_cast %and3A_51 : i32 to index
        %parallel_loop3A_228 = arith.index_cast %parallel_loop3A_226 : i32 to index
        %parallel_loop3A_229 = arith.index_cast %parallel_loop3A_225 : i32 to index
        %parallel_loop3A_230 = tpu.vector_load %arg5[%parallel_loop3A_227, %parallel_loop3A_228, %parallel_loop3A_229] {strides = array<i32>} : memref<2x8x2048xf32, #tpu.memory_space<vmem>>, vector<16xf32>,
        tpu.vector_store %arg5[%parallel_loop3A_227, %parallel_loop3A_228, %parallel_loop3A_229], %parallel_loop3A_175 {strides = array<i32>} : memref<2x8x2048xf32, #tpu.memory_space<vmem>>, vector<16xf32>,
        %parallel_loop3A_231 = arith.constant 80 : i32
        %parallel_loop3A_232 = arith.addi %parallel_loop3A_150, %parallel_loop3A_231 : i32
        %parallel_loop3A_233 = tpu.assume_multiple %parallel_loop3A_232, 16 : i32
        %parallel_loop3A_234 = arith.constant 7 : i32
        %parallel_loop3A_235 = arith.index_cast %and3A_51 : i32 to index
        %parallel_loop3A_236 = arith.index_cast %parallel_loop3A_234 : i32 to index
        %parallel_loop3A_237 = arith.index_cast %parallel_loop3A_233 : i32 to index
        %parallel_loop3A_238 = tpu.vector_load %arg5[%parallel_loop3A_235, %parallel_loop3A_236, %parallel_loop3A_237] {strides = array<i32>} : memref<2x8x2048xf32, #tpu.memory_space<vmem>>, vector<16xf32>,
        tpu.vector_store %arg5[%parallel_loop3A_235, %parallel_loop3A_236, %parallel_loop3A_237], %parallel_loop3A_180 {strides = array<i32>} : memref<2x8x2048xf32, #tpu.memory_space<vmem>>, vector<16xf32>,
        %parallel_loop3A_239 = arith.constant 96 : i32
        %parallel_loop3A_240 = arith.addi %parallel_loop3A_150, %parallel_loop3A_239 : i32
        %parallel_loop3A_241 = tpu.assume_multiple %parallel_loop3A_240, 16 : i32
        %parallel_loop3A_242 = arith.constant 7 : i32
        %parallel_loop3A_243 = arith.index_cast %and3A_51 : i32 to index
        %parallel_loop3A_244 = arith.index_cast %parallel_loop3A_242 : i32 to index
        %parallel_loop3A_245 = arith.index_cast %parallel_loop3A_241 : i32 to index
        %parallel_loop3A_246 = tpu.vector_load %arg5[%parallel_loop3A_243, %parallel_loop3A_244, %parallel_loop3A_245] {strides = array<i32>} : memref<2x8x2048xf32, #tpu.memory_space<vmem>>, vector<16xf32>,
        tpu.vector_store %arg5[%parallel_loop3A_243, %parallel_loop3A_244, %parallel_loop3A_245], %parallel_loop3A_185 {strides = array<i32>} : memref<2x8x2048xf32, #tpu.memory_space<vmem>>, vector<16xf32>,
        %parallel_loop3A_247 = arith.constant 112 : i32
        %parallel_loop3A_248 = arith.addi %parallel_loop3A_150, %parallel_loop3A_247 : i32
        %parallel_loop3A_249 = tpu.assume_multiple %parallel_loop3A_248, 16 : i32
        %parallel_loop3A_250 = arith.constant 7 : i32
        %parallel_loop3A_251 = arith.index_cast %and3A_51 : i32 to index
        %parallel_loop3A_252 = arith.index_cast %parallel_loop3A_250 : i32 to index
        %parallel_loop3A_253 = arith.index_cast %parallel_loop3A_249 : i32 to index
        %parallel_loop3A_254 = tpu.vector_load %arg5[%parallel_loop3A_251, %parallel_loop3A_252, %parallel_loop3A_253] {strides = array<i32>} : memref<2x8x2048xf32, #tpu.memory_space<vmem>>, vector<16xf32>,
        tpu.vector_store %arg5[%parallel_loop3A_251, %parallel_loop3A_252, %parallel_loop3A_253], %parallel_loop3A_190 {strides = array<i32>} : memref<2x8x2048xf32, #tpu.memory_space<vmem>>, vector<16xf32>,
      } {sc.loop_unroll_factor = 4 : i64, sc.parallel_access}
      %and3A_127 = arith.constant 1 : i32
      %and3A_128 = arith.andi %scan3A_48, %and3A_127 : i32
      %mul3A_129 = arith.constant 8 : i32
      %mul3A_130 = arith.muli %scan3A_48, %mul3A_129 : i32
      %add3A_131 = arith.addi %mul3A_0, %mul3A_130 : i32
      %multiple_of3A_132 = tpu.assume_multiple %add3A_131, 8 : i32
      %dma_start3A = arith.constant 0 : i32
      %dma_start3A_133 = arith.constant 0 : i32
      %dma_start3A_134 = arith.constant 0 : i32
      %dma_start3A_135 = tpu.memref_slice %arg5[%and3A_128, %dma_start3A_133, %dma_start3A_134] : memref<2x8x2048xf32, #tpu.memory_space<vmem>> -> memref<1x8x2048xf32, #tpu.memory_space<vmem>>
      %dma_start3A_136 = tpu.memref_squeeze %dma_start3A_135 : memref<1x8x2048xf32, #tpu.memory_space<vmem>> -> memref<8x2048xf32, #tpu.memory_space<vmem>>
      %dma_start3A_137 = arith.constant 0 : i32
      %dma_start3A_138 = tpu.memref_slice %arg3[%dma_start3A, %arg1, %multiple_of3A_132, %dma_start3A_137] : memref<1x16x2048x2048xf32, #tpu.memory_space<hbm>> -> memref<1x1x8x2048xf32, #tpu.memory_space<hbm>>
      %dma_start3A_139 = tpu.memref_squeeze %dma_start3A_138 : memref<1x1x8x2048xf32, #tpu.memory_space<hbm>> -> memref<8x2048xf32, #tpu.memory_space<hbm>>
      %dma_start3A_140 = arith.constant 0 : i32
      %dma_start3A_141 = tpu.memref_slice %arg3[%dma_start3A, %arg1, %multiple_of3A_132, %dma_start3A_140] : memref<1x16x2048x2048xf32, #tpu.memory_space<hbm>> -> memref<1x1x8x2048xf32, #tpu.memory_space<hbm>>
      %dma_start3A_142 = tpu.memref_squeeze %dma_start3A_141 : memref<1x1x8x2048xf32, #tpu.memory_space<hbm>> -> memref<8x2048xf32, #tpu.memory_space<hbm>>
      %dma_start3A_143 = arith.constant 0 : i32
      %dma_start3A_144 = arith.constant 0 : i32
      %dma_start3A_145 = tpu.memref_slice %arg5[%and3A_128, %dma_start3A_143, %dma_start3A_144] : memref<2x8x2048xf32, #tpu.memory_space<vmem>> -> memref<1x8x2048xf32, #tpu.memory_space<vmem>>
      %dma_start3A_146 = tpu.memref_squeeze %dma_start3A_145 : memref<1x8x2048xf32, #tpu.memory_space<vmem>> -> memref<8x2048xf32, #tpu.memory_space<vmem>>
      tpu.enqueue_dma source(%dma_start3A_146 : memref<8x2048xf32, #tpu.memory_space<vmem>>) target(%dma_start3A_142 : memref<8x2048xf32, #tpu.memory_space<hbm>>) target_semaphore(%arg6 : memref<!tpu.dma_semaphore, #tpu.memory_space<semaphore_mem>>)
      %scan3A_147 = arith.constant 0 : i32
      scf.yield %scan3A_147 : i32
    }
    %scan3A_8 = arith.constant 128 : i32
    %and3A = arith.constant 126 : i32
    %and3A_9 = arith.constant 1 : i32
    %and3A_10 = arith.andi %and3A, %and3A_9 : i32
    %add3A = arith.constant 1008 : i32
    %add3A_11 = arith.addi %mul3A_0, %add3A : i32
    %multiple_of3A_12 = tpu.assume_multiple %add3A_11, 8 : i32
    %dma_wait3A = arith.constant 0 : i32
    %dma_wait3A_13 = arith.constant 0 : i32
    %dma_wait3A_14 = arith.constant 0 : i32
    %dma_wait3A_15 = tpu.memref_slice %arg5[%and3A_10, %dma_wait3A_13, %dma_wait3A_14] : memref<2x8x2048xf32, #tpu.memory_space<vmem>> -> memref<1x8x2048xf32, #tpu.memory_space<vmem>>
    %dma_wait3A_16 = tpu.memref_squeeze %dma_wait3A_15 : memref<1x8x2048xf32, #tpu.memory_space<vmem>> -> memref<8x2048xf32, #tpu.memory_space<vmem>>
    %dma_wait3A_17 = arith.constant 0 : i32
    %dma_wait3A_18 = tpu.memref_slice %arg3[%dma_wait3A, %arg1, %multiple_of3A_12, %dma_wait3A_17] : memref<1x16x2048x2048xf32, #tpu.memory_space<hbm>> -> memref<1x1x8x2048xf32, #tpu.memory_space<hbm>>
    %dma_wait3A_19 = tpu.memref_squeeze %dma_wait3A_18 : memref<1x1x8x2048xf32, #tpu.memory_space<hbm>> -> memref<8x2048xf32, #tpu.memory_space<hbm>>
    %dma_wait3A_20 = arith.constant 0 : i32
    %dma_wait3A_21 = tpu.memref_slice %arg3[%dma_wait3A, %arg1, %multiple_of3A_12, %dma_wait3A_20] : memref<1x16x2048x2048xf32, #tpu.memory_space<hbm>> -> memref<1x1x8x2048xf32, #tpu.memory_space<hbm>>
    %dma_wait3A_22 = tpu.memref_squeeze %dma_wait3A_21 : memref<1x1x8x2048xf32, #tpu.memory_space<hbm>> -> memref<8x2048xf32, #tpu.memory_space<hbm>>
    %dma_wait3A_23 = arith.constant 0 : i32
    %dma_wait3A_24 = arith.constant 0 : i32
    %dma_wait3A_25 = tpu.memref_slice %arg5[%and3A_10, %dma_wait3A_23, %dma_wait3A_24] : memref<2x8x2048xf32, #tpu.memory_space<vmem>> -> memref<1x8x2048xf32, #tpu.memory_space<vmem>>
    %dma_wait3A_26 = tpu.memref_squeeze %dma_wait3A_25 : memref<1x8x2048xf32, #tpu.memory_space<vmem>> -> memref<8x2048xf32, #tpu.memory_space<vmem>>
    tpu.wait_dma2 semaphore(%arg6 : memref<!tpu.dma_semaphore, #tpu.memory_space<semaphore_mem>>) src(%dma_wait3A_26 : memref<8x2048xf32, #tpu.memory_space<vmem>>) dst(%dma_wait3A_22 : memref<8x2048xf32, #tpu.memory_space<hbm>>)
    %and3A_27 = arith.constant 127 : i32
    %and3A_28 = arith.constant 1 : i32
    %and3A_29 = arith.andi %and3A_27, %and3A_28 : i32
    %add3A_30 = arith.constant 1016 : i32
    %add3A_31 = arith.addi %mul3A_0, %add3A_30 : i32
    %multiple_of3A_32 = tpu.assume_multiple %add3A_31, 8 : i32
    %dma_wait3A_33 = arith.constant 0 : i32
    %dma_wait3A_34 = arith.constant 0 : i32
    %dma_wait3A_35 = arith.constant 0 : i32
    %dma_wait3A_36 = tpu.memref_slice %arg5[%and3A_29, %dma_wait3A_34, %dma_wait3A_35] : memref<2x8x2048xf32, #tpu.memory_space<vmem>> -> memref<1x8x2048xf32, #tpu.memory_space<vmem>>
    %dma_wait3A_37 = tpu.memref_squeeze %dma_wait3A_36 : memref<1x8x2048xf32, #tpu.memory_space<vmem>> -> memref<8x2048xf32, #tpu.memory_space<vmem>>
    %dma_wait3A_38 = arith.constant 0 : i32
    %dma_wait3A_39 = tpu.memref_slice %arg3[%dma_wait3A_33, %arg1, %multiple_of3A_32, %dma_wait3A_38] : memref<1x16x2048x2048xf32, #tpu.memory_space<hbm>> -> memref<1x1x8x2048xf32, #tpu.memory_space<hbm>>
    %dma_wait3A_40 = tpu.memref_squeeze %dma_wait3A_39 : memref<1x1x8x2048xf32, #tpu.memory_space<hbm>> -> memref<8x2048xf32, #tpu.memory_space<hbm>>
    %dma_wait3A_41 = arith.constant 0 : i32
    %dma_wait3A_42 = tpu.memref_slice %arg3[%dma_wait3A_33, %arg1, %multiple_of3A_32, %dma_wait3A_41] : memref<1x16x2048x2048xf32, #tpu.memory_space<hbm>> -> memref<1x1x8x2048xf32, #tpu.memory_space<hbm>>
    %dma_wait3A_43 = tpu.memref_squeeze %dma_wait3A_42 : memref<1x1x8x2048xf32, #tpu.memory_space<hbm>> -> memref<8x2048xf32, #tpu.memory_space<hbm>>
    %dma_wait3A_44 = arith.constant 0 : i32
    %dma_wait3A_45 = arith.constant 0 : i32
    %dma_wait3A_46 = tpu.memref_slice %arg5[%and3A_29, %dma_wait3A_44, %dma_wait3A_45] : memref<2x8x2048xf32, #tpu.memory_space<vmem>> -> memref<1x8x2048xf32, #tpu.memory_space<vmem>>
    %dma_wait3A_47 = tpu.memref_squeeze %dma_wait3A_46 : memref<1x8x2048xf32, #tpu.memory_space<vmem>> -> memref<8x2048xf32, #tpu.memory_space<vmem>>
    tpu.wait_dma2 semaphore(%arg6 : memref<!tpu.dma_semaphore, #tpu.memory_space<semaphore_mem>>) src(%dma_wait3A_47 : memref<8x2048xf32, #tpu.memory_space<vmem>>) dst(%dma_wait3A_43 : memref<8x2048xf32, #tpu.memory_space<hbm>>)
    return
  }
}

module attributes {stable_mosaic.version = 14 : i64} {
  func.func @_table_body(%arg0: memref<32x16xf32, #tpu.memory_space<vmem>>, %arg1: memref<16x4096xf32, #tpu.memory_space<vmem>>) attributes {dimension_semantics = [], scalar_prefetch = 0 : i64, scratch_operands = 0 : i64, tpu.core_type = #tpu.core_type<tc>} {
    %iota3A = tpu.iota {dimensions = array<i32: 1>} : vector<1x4096xi32>
    %sub3A = arith.constant 2047 : i32
    %sub3A_0 = vector.broadcast %sub3A : i32 to vector<1x4096xi32>
    %sub3A_1 = arith.subi %iota3A, %sub3A_0 : vector<1x4096xi32>
    %gt3A = arith.constant 0 : i32
    %gt3A_2 = vector.broadcast %gt3A : i32 to vector<1x4096xi32>
    %gt3A_3 = arith.cmpi sgt, %sub3A_1, %gt3A_2 : vector<1x4096xi32>
    %jit3A = arith.constant 16 : i32
    %jit3A_4 = arith.constant 0 : i32
    %broadcast_in_dim3A = vector.broadcast %jit3A : i32 to vector<1x4096xi32>
    %broadcast_in_dim3A_5 = vector.broadcast %jit3A_4 : i32 to vector<1x4096xi32>
    %select_n3A = arith.select %gt3A_3, %broadcast_in_dim3A, %broadcast_in_dim3A_5 : vector<1x4096xi1>, vector<1x4096xi32>
    %abs3A = math.absi %sub3A_1 : vector<1x4096xi32>
    %lt3A = arith.constant 8 : i32
    %lt3A_6 = vector.broadcast %lt3A : i32 to vector<1x4096xi32>
    %lt3A_7 = arith.cmpi slt, %abs3A, %lt3A_6 : vector<1x4096xi32>
    %max3A = arith.constant 1 : i32
    %max3A_8 = vector.broadcast %max3A : i32 to vector<1x4096xi32>
    %max3A_9 = arith.maxsi %abs3A, %max3A_8 : vector<1x4096xi32>
    %convert_element_type3A = arith.sitofp %max3A_9 : vector<1x4096xi32> to vector<1x4096xf32>
    %div3A = arith.constant 8.000000e+00 : f32
    %div3A_10 = vector.broadcast %div3A : f32 to vector<1x4096xf32>
    %div3A_11 = arith.divf %convert_element_type3A, %div3A_10 : vector<1x4096xf32>
    %log3A = math.log %div3A_11 : vector<1x4096xf32>
    %div3A_12 = arith.constant 2.77258873 : f32
    %div3A_13 = vector.broadcast %div3A_12 : f32 to vector<1x4096xf32>
    %div3A_14 = arith.divf %log3A, %div3A_13 : vector<1x4096xf32>
    %mul3A = arith.constant 8.000000e+00 : f32
    %mul3A_15 = vector.broadcast %mul3A : f32 to vector<1x4096xf32>
    %mul3A_16 = arith.mulf %div3A_14, %mul3A_15 : vector<1x4096xf32>
    %convert_element_type3A_17 = arith.fptosi %mul3A_16 : vector<1x4096xf32> to vector<1x4096xi32>
    %add3A = arith.constant 8 : i32
    %add3A_18 = vector.broadcast %add3A : i32 to vector<1x4096xi32>
    %add3A_19 = arith.addi %add3A_18, %convert_element_type3A_17 : vector<1x4096xi32>
    %min3A = arith.constant 15 : i32
    %min3A_20 = vector.broadcast %min3A : i32 to vector<1x4096xi32>
    %min3A_21 = arith.minsi %add3A_19, %min3A_20 : vector<1x4096xi32>
    %select_n3A_22 = arith.select %lt3A_7, %abs3A, %min3A_21 : vector<1x4096xi1>, vector<1x4096xi32>
    %add3A_23 = arith.addi %select_n3A, %select_n3A_22 : vector<1x4096xi32>
    %iota3A_24 = tpu.iota {dimensions = array<i32: 0>} : vector<32x4096xi32>
    %eq3A = vector.broadcast %add3A_23 : vector<1x4096xi32> to vector<32x4096xi32>
    %eq3A_25 = arith.cmpi eq, %iota3A_24, %eq3A : vector<32x4096xi32>
    %convert_element_type3A_26 = arith.extui %eq3A_25 : vector<32x4096xi1> to vector<32x4096xi32>
    %convert_element_type3A_27 = arith.sitofp %convert_element_type3A_26 : vector<32x4096xi32> to vector<32x4096xf32>
    %get3A = arith.constant 0 : index
    %get3A_28 = arith.constant 0 : index
    %get3A_29 = vector.load %arg0[%get3A, %get3A_28] : memref<32x16xf32, #tpu.memory_space<vmem>>, vector<32x16xf32>
    %dot_general3A = arith.constant dense<0.000000e+00> : vector<16x4096xf32>
    %dot_general3A_30 = tpu.matmul %get3A_29, %convert_element_type3A_27, %dot_general3A {dimension_numbers = #tpu.dot_dimension_numbers<[0], [0], [1], [1], [0, 1, 1, 1], [], []>, precision = #tpu.contract_precision<fp32>, transpose_lhs_hint = false} : vector<32x16xf32>, vector<32x4096xf32>, vector<16x4096xf32> -> vector<16x4096xf32>
    %swap3A = arith.constant 0 : index
    %swap3A_31 = arith.constant 0 : index
    %swap3A_32 = vector.load %arg1[%swap3A, %swap3A_31] : memref<16x4096xf32, #tpu.memory_space<vmem>>, vector<16x4096xf32>
    tpu.vector_store %arg1[%swap3A, %swap3A_31], %dot_general3A_30 {strides = array<i32>} : memref<16x4096xf32, #tpu.memory_space<vmem>>, vector<16x4096xf32>,
    return
  }
}

</mosaic_0001>

<sc_bundles>
// kernel: _bias.4.cloned.1.call-start
scs
__scs_entry_jumppad:
0x0: {  	(pc) =	sbr.rel $0x88, $3  }
0x1: {  	(tag) =	ssettag $0x0;
	lr =	simm.s32 $0x1  }
0x2: {  	[smem:$0x3FA0] =	sst lr;
	_ =	strace $0xD0000000  }
0x3: {  	_ = 	snop  }
0x4: {  	_ = 	snop  }
0x5: {  	_ = 	snop  }
0x6: {  	_ = 	snop  }
0x7: {  	_ = 	snop  }
__scs_overlays_trampoline_lowered:
0x8: {  	[smem:$0x3FAF] =	sst s0  }
0x9: {  	[smem:$0x3FB0] =	sst s1  }
0xa: {  	[smem:$0x3FB1] =	sst s2  }
0xb: {  	[smem:$0x3FB2] =	sst s3  }
0xc: {  	[smem:$0x3FB3] =	sst s4  }
0xd: {  	[smem:$0x3FB4] =	sst s5  }
0xe: {  	[smem:$0x3FB5] =	sst s6  }
0xf: {  	[smem:$0x3FB6] =	sst s7  }
0x10: {  	[smem:$0x3FB7] =	sst s8  }
0x11: {  	[smem:$0x3FB8] =	sst s9;
	s0 =	simm.s32 @!p0 $0x0  }
0x12: {  	s1 =	sld [smem:$0x3F9E];
	s0 =	simm.s32 @p0 $0x1  }
0x13: {  	[smem:$0x3FB9] =	sst s0;
	s0 =	simm.s32 @!p1 $0x0  }
0x14: {  	s2 =	sld [smem:$0x3F9D];
	s0 =	simm.s32 @p1 $0x1  }
0x15: {  	[smem:$0x3FBA] =	sst s0;
	s0 =	simm.s32 @!p2 $0x0  }
0x16: {  	s3 =	sld [smem:$0x3FDB];
	s0 =	simm.s32 @p2 $0x1  }
0x17: {  	s4 =	simm.s32 $0x1BF5;
	[smem:$0x3FBC] =	sst s0  }
0x18: {  	s0 =	sld [smem:$0x3F9F];
	_ =	swait.ge [sflag:s4], $0x0  }
0x19: {  	s7 =	sld [smem:$0x3FA0]  }
0x1a: {  	s8 =	sadd.s32 $0xFFFFE003, lr  }
0x1b: {  	s9 =	sadd.s32 $0xFFFFFEF7, lr;
	s5 =	simm.s32 $0xFFFFFFFF;
	p2 =	slt.u32 s8, $0xFFFFF086  }
0x1c: {  	p1 =	slt.u32 s9, $0xF7A;
	s5 =	simm.s32 @!p2 $0x0  }
0x1d: {  	s5 =	simm.s32 @p1 $0x1;
	p0 =	seq.s32 s7, s2  }
0x1e: {  	s7 =	smul.u32 @!p0 $0xF7A, s2;
	p2 =	seq.s32 @!p0 s5, $0x0  }
0x1f: {  	s9 =	smul.u32 $0xF7A, s1;
	s8 =	simm.s32 @!p0 $0x1BF5;
	p2 =	por !p2, p0  }
0x20: {  	[sflag:s8] =	ssyncset.s32 @!p0 $0xFFFFF086;
	s6 =	sadd.s32 @!p0 s3, s7;
	s7 =	simm.s32 @!p0 $0x108  }
0x21: {  	s3 =	sadd.s32 s3, s9;
	s6 =	sadd.s32 @!p0 $0x88, s6;
	s7 =	simm.s32 @p2 $0x1082  }
0x22: {  	[simem:s7], [sflag:s8] =	dma.local @!p0 [hbm:s6], $0xF7A  }
0x23: {  	s9 =	sor.u32 $0xD0000000, s2;
	s6 =	simm.s32 $0x108;
	_ =	swait.ge @!p0 [sflag:s8], $0x0  }
0x24: {  	s3 =	sadd.s32 $0x88, s3;
	s6 =	simm.s32 @!p1 $0x1082;
	[sflag:s4] =	ssyncset.s32 $0xFFFFF086  }
0x25: {  	[simem:s6], [sflag:s4] =	dma.local [hbm:s3], $0xF7A  }
0x26: {  	[smem:$0x3FA0] =	sst s1;
	(tag) =	ssettag s2;
	_ =	strace s9  }
0x27: {  	s1 =	sld [smem:$0x3FB0]  }
0x28: {  	s2 =	sld [smem:$0x3FB1]  }
0x29: {  	s4 =	sld [smem:$0x3FB3]  }
0x2a: {  	p0 =	seq.s32 s5, $0x0;
	s5 =	sld [smem:$0x3FB4]  }
0x2b: {  	s6 =	sld [smem:$0x3FB5]  }
0x2c: {  	s7 =	sld [smem:$0x3FB6]  }
0x2d: {  	s3 =	simm.s32 $0x108;
	s8 =	sld [smem:$0x3FB7]  }
0x2e: {  	s3 =	simm.s32 @!p0 $0x1082;
	s9 =	sld [smem:$0x3FB8]  }
0x2f: {  	lr =	sadd.s32 s0, s3;
	s0 =	sld [smem:$0x3FAF]  }
0x30: {  	s3 =	sld [smem:$0x3FB2]  }
0x31: {  	[smem:$0x3FBB] =	sst s10  }
0x32: {  	s10 =	sld [smem:$0x3FB9];
	_ =	sdelay $0x3  }
0x33: {  	p0 =	seq.s32 s10, $0x1;
	s10 =	sld [smem:$0x3FBB];
	_ =	sdelay $0x3  }
0x34: {  	[smem:$0x3FBB] =	sst s10  }
0x35: {  	s10 =	sld [smem:$0x3FBA];
	_ =	sdelay $0x3  }
0x36: {  	p1 =	seq.s32 s10, $0x1;
	s10 =	sld [smem:$0x3FBB];
	_ =	sdelay $0x3  }
0x37: {  	[smem:$0x3FBB] =	sst s10  }
0x38: {  	s10 =	sld [smem:$0x3FBC]  }
0x39: {  	_ = 	snop;
	(pc) =	sbr.ind lr, $3  }
0x3a: {  	_ = 	snop  }
0x3b: {  	_ = 	snop  }
0x3c: {  	p2 =	seq.s32 s10, $0x1;
	s10 =	sld [smem:$0x3FBB]  }
0x3d: {  	_ =	shalt  }
0x3e: {  	_ =	shalt  }
0x3f: {  	_ =	shalt  }
0x40: {  	_ =	shalt  }
0x41: {  	_ =	shalt  }
0x42: {  	_ =	shalt  }
0x43: {  	_ =	shalt  }
0x44: {  	_ =	shalt  }
0x45: {  	_ =	shalt  }
0x46: {  	_ =	shalt  }
0x47: {  	_ =	shalt  }
0x48: {  	_ =	shalt  }
0x49: {  	_ =	shalt  }
0x4a: {  	_ =	shalt  }
0x4b: {  	_ =	shalt  }
0x4c: {  	_ =	shalt  }
0x4d: {  	_ =	shalt  }
0x4e: {  	_ =	shalt  }
0x4f: {  	_ =	shalt  }
0x50: {  	_ =	shalt  }
0x51: {  	_ =	shalt  }
0x52: {  	_ =	shalt  }
0x53: {  	_ =	shalt  }
0x54: {  	_ =	shalt  }
0x55: {  	_ =	shalt  }
0x56: {  	_ =	shalt  }
0x57: {  	_ =	shalt  }
0x58: {  	_ =	shalt  }
0x59: {  	_ =	shalt  }
0x5a: {  	_ =	shalt  }
0x5b: {  	_ =	shalt  }
0x5c: {  	_ =	shalt  }
0x5d: {  	_ =	shalt  }
0x5e: {  	_ =	shalt  }
0x5f: {  	_ =	shalt  }
0x60: {  	_ =	shalt  }
0x61: {  	_ =	shalt  }
0x62: {  	_ =	shalt  }
0x63: {  	_ =	shalt  }
0x64: {  	_ =	shalt  }
0x65: {  	_ =	shalt  }
0x66: {  	_ =	shalt  }
0x67: {  	_ =	shalt  }
0x68: {  	_ =	shalt  }
0x69: {  	_ =	shalt  }
0x6a: {  	_ =	shalt  }
0x6b: {  	_ =	shalt  }
0x6c: {  	_ =	shalt  }
0x6d: {  	_ =	shalt  }
0x6e: {  	_ =	shalt  }
0x6f: {  	_ =	shalt  }
0x70: {  	_ =	shalt  }
0x71: {  	_ =	shalt  }
0x72: {  	_ =	shalt  }
0x73: {  	_ =	shalt  }
0x74: {  	_ =	shalt  }
0x75: {  	_ =	shalt  }
0x76: {  	_ =	shalt  }
0x77: {  	_ =	shalt  }
0x78: {  	_ =	shalt  }
0x79: {  	_ =	shalt  }
0x7a: {  	_ =	shalt  }
0x7b: {  	_ =	shalt  }
0x7c: {  	_ =	shalt  }
0x7d: {  	_ =	shalt  }
0x7e: {  	_ =	shalt  }
0x7f: {  	_ =	shalt  }
0x80: {  	_ =	shalt  }
0x81: {  	_ =	shalt  }
0x82: {  	_ =	shalt  }
0x83: {  	_ =	shalt  }
0x84: {  	_ =	shalt  }
0x85: {  	_ =	shalt  }
0x86: {  	_ =	shalt  }
0x87: {  	_ =	shalt  }
.Lfunc_end0:
.L_simem_size_0:
called_computation_lowered:
.L_overlay_start_0:
0x88: {  	s2 =	sld [smem:$0x3FD9]  }
0x89: {  	s3 =	sld [smem:$0x3FFE];
	_ =	sdelay $0x1  }
0x8a: {  	s1 =	srdreg.scid  }
0x8b: {  	s0 =	sand.u32 $0x1, s1  }
0x8c: {  	s17 =	sshll.u32 s0, $0xA;
	s2 =	sadd.s32 s3, s2  }
0x8d: {  	s2 =	sadd.s32 s2, s17  }
0x8e: {  	[smem:$0x3FC7] =	sst s2  }
0x8f: {  	_ = 	snop  }
0x90: {  	s2 =	sld [smem:$0x3FD0];
	(tm) =	ssettm $0x1  }
0x91: {  	s18 =	sld [smem:$0x3FFB];
	_ =	sdelay $0x3  }
0x92: {  	_ =	strace s18  }
0x93: {  	s3 =	sld [smem:$0x3FFC];
	_ =	sdelay $0x3  }
0x94: {  	_ =	strace s3  }
0x95: {  	s3 =	sld [smem:$0x3FFD];
	_ =	sdelay $0x3  }
0x96: {  	_ =	strace s3  }
0x97: {  	_ =	strace $0x8FFFFFFF  }
0x98: {  	s19 =	sld [smem:$0x3FDB];
	_ =	sdelay $0x1  }
0x99: {  	s4 =	simm.s32 $_scs_section_size  }
0x9a: {  	s5 =	simm.s32 $_size__tile_overlayer_lowered;
	s6 =	simm.s32 $_tile_overlayer_lowered  }
0x9b: {  	s22 =	simm.s32 $0x1BFF;
	s21 =	sshll.u32 s6, $0x1;
	s3 =	sadd.s32 s4, s19  }
0x9c: {  	s7 =	simm.s32 $0x0;
	s20 =	sshll.u32 s5, $0x1;
	s5 =	sadd.s32 s21, s3  }
0x9d: {  	[timem:s7], [sflag:s22] =	dma.local [hbm:s5], s20  }
0x9e: {  	_ =	swait.ge [sflag:s22], s20  }
0x9f: {  	s4 =	ssub.s32 $0x0, s20;
	[sflag:s22] =	ssyncset.done $0x0  }
0xa0: {  	[sflag:s22] =	ssyncadd.s32 s4;
	_ =	sdelay $0x1  }
0xa1: {  	s23 =	simm.s32 $0x1B8B  }
0xa2: {  	_ =	swait.ge [sflag:s23], $0x1  }
0xa3: {  	[sflag:s23] =	ssyncset.done $0x0  }
0xa4: {  	s25 =	simm.s32 $0x1B8E;
	s24 =	sld [smem:$0x3FFE];
	[sflag:s23] =	ssyncadd.s32 $0xFFFFFFFF  }
0xa5: {  	s26 =	simm.s32 $execute0_lowered;
	[smem:$0x3FD2] =	sst s25  }
0xa6: {  	s5 =	sshll.u32 s26, $0x1;
	_ =	strace $0x80000046;
	[dreg:$0x1] =	wrdreg $0xFFFFFFFF  }
0xa7: {  	s28 =	simm.s32 $_size_execute0_lowered;
	s3 =	sadd.s32 s3, s5;
	[dreg:$0x0] =	wrdreg $0x0  }
0xa8: {  	s5 =	sshll.u32 s28, $0x1;
	[dreg:$0x2] =	wrdreg s3  }
0xa9: {  	[dreg:$0x3] =	wrdreg s5  }
0xaa: {  	[dreg:$0x4] =	wrdreg $0xC0  }
0xab: {  	_ =	task [dreg:s7], $0x5FFFF  }
0xac: {  	[dreg:$0x1] =	wrdreg $0xFFFFFFFF  }
0xad: {  	[dreg:$0x0] =	wrdreg $0x60  }
0xae: {  	[dreg:$0x2] =	wrdreg s24  }
0xaf: {  	[dreg:$0x3] =	wrdreg s2  }
0xb0: {  	[dreg:$0x4] =	wrdreg $0x9  }
0xb1: {  	_ =	task.clear_ibuf [dreg:s7], $0x5FFFF;
	_ =	strace $0x90000046  }
0xb2: {  	s29 =	simm.s32 $0x9;
	_ =	strace $0x80000048  }
0xb3: {  	_ =	swait.ge [sflag:s29], $0x1  }
0xb4: {  	[sflag:s29] =	ssyncadd.s32 $0xFFFFFFFF  }
0xb5: {  	_ =	strace $0x90000048  }
0xb6: {  	_ =	sfence  }
0xb7: {  	s30 =	sld [smem:$0x0];
	_ =	sdelay $0x2  }
0xb8: {  	s31 =	sshll.u32 s1, $0xD;
	s1 =	sshrl.u32 s1, $0x2  }
0xb9: {  	s3 =	sand.u32 $0x4000, s31;
	s1 =	sadd.s32 s1, s30  }
0xba: {  	s0 =	sor.u32 s3, s0;
	s1 =	sshll.u32 s1, $0x11  }
0xbb: {  	s0 =	sor.u32 s1, s0  }
0xbc: {  	s0 =	sadd.s32 $0x8F2B, s0  }
0xbd: {  	[sflag:s0] =	ssyncadd.remote.s32 $0x1  }
0xbe: {  	_ =	sfence.sel $0xFFFF  }
0xbf: {  	[dreg:$0x0] =	wrdreg $0xFFFFFFFF;
	(pc) =	sbr.abs _section_cstart, $3  }
0xc0: {  	[dreg:$0x1] =	wrdreg $0xFFFFFFFF  }
0xc1: {  	_ =	task.clear_ibuf [dreg:s7], $0x2FFFF;
	_ =	strace $0x9FFFFFFF  }
0xc2: {  	(tm) =	ssettm $0x7FFFFFFF  }
0xc3: {  	_ =	shalt  }
tec
execute0_lowered:
.L_overlay_start_1:
0x0: {  	(tag) =	ssettag $0x1  }
0x1: {  	s3 =	rddreg [dreg:$0x0]  }
0x2: {  	s5 =	rddreg [dreg:$0x1]  }
0x3: {  	s0 =	rddreg [dreg:$0x2];
	s4 =	srdreg.scid  }
0x4: {  	s2 =	simm.s32 $0x0;
	s1 =	stileid.u32;
	s9 =	simm.s32 $0x0  }
0x5: {  	s4 =	sand.u32 $0x1, s4;
	[smem:$0x7FF] =	sst s2;
	s6 =	sshll.u32 s1, $0x9  }
0x6: {  	s8 =	sshll.u32 s1, $0x13;
	s7 =	ssub.s32 $0x2, s4;
	_ =	strace $0x80000047  }
0x7: {  	s6 =	sadd.s32 s6, s3;
	s3 =	sshll.u32 s4, $0xA;
	s31 =	sshrl.u32 s7, $0x1  }
0x8: {  	s5 =	sadd.s32 s5, s8;
	s8 =	simm.s32 $0x1;
	s7 =	ssub.s32 s7, s31  }
0x9: {  	v0 =	vlaneseq.u32;
	s4 =	sadd.s32 $0x400, s6;
	s6 =	smax.u32 s7, $0x1;
	s7 =	simm.s32 $0x2  }
.LBB2_1:
0xa: {  	[tilespmem:s2], [sflag:$0x2] =	stream.linear.gather [hbm4b:s4+s2], $0x1000, $0x38;
	[tilespmem:$0x9000] =	vst v63  }
0xb: {  	_ =	swait.ge [sflag:s7], $0x1000  }
0xc: {  	[sflag:s7] =	ssyncset.done $0x0  }
0xd: {  	p0 =	por $0x0, $0x0;
	s10 =	simm.s32 $0x0;
	[sflag:s7] =	ssyncadd.s32 $0xFFFFF000  }
.LBB2_2:
0xe: {  	s11 =	sshll.u32 s10, $0x3  }
0xf: {  	s11 =	sadd.s32 s3, s11  }
0x10: {  	s12 =	sxor.u32 $0x7FF, s11  }
0x11: {  	s16 =	simm.s32 $0x1F0;
	v1 =	vadd.s32 s12, v0  }
0x12: {  	p1 =	slt.u32 s10, $0x2;
	s13 =	simm.s32 $0x1E0;
	v2 =	vadd.s32 s16, v1  }
0x13: {  	s14 =	simm.s32 $0x180;
	s12 =	simm.s32 @!p1 $0x1;
	v3 =	vadd.s32 s13, v1  }
0x14: {  	s17 =	simm.s32 $0x190;
	_ =	swait.ge @!p1 [sflag:s12], $0x4000;
	v4 =	vadd.s32 s14, v1  }
0x15: {  	s18 =	simm.s32 $0x1A0;
	v5 =	vadd.s32 s17, v1;
	[sflag:s12] =	ssyncset.done @!p1 $0x0  }
0x16: {  	s19 =	simm.s32 $0x1B0;
	v6 =	vadd.s32 s18, v1;
	[sflag:s12] =	ssyncadd.s32 @!p1 $0xFFFFC000  }
0x17: {  	s20 =	simm.s32 $0x1C0;
	v7 =	vadd.s32 s19, v1;
	v2 =	vld.idx.msk [tilespmem:v2+s2+$0x0], $0xffff  }
0x18: {  	s21 =	simm.s32 $0x1D0;
	v8 =	vadd.s32 s20, v1;
	v3 =	vld.idx.msk [tilespmem:v3+s2+$0x0], $0xffff  }
0x19: {  	s29 =	simm.s32 $0x60;
	v9 =	vadd.s32 s21, v1;
	v4 =	vld.idx.msk [tilespmem:v4+s2+$0x0], $0xffff  }
0x1a: {  	s22 =	simm.s32 $0x10;
	s13 =	simm.s32 $0x1;
	v46 =	vadd.s32 s29, v1;
	v5 =	vld.idx.msk [tilespmem:v5+s2+$0x0], $0xffff  }
0x1b: {  	s23 =	simm.s32 $0x20;
	v10 =	vadd.s32 s22, v1;
	s13 =	simm.s32 @!p0 $0x0;
	v6 =	vld.idx.msk [tilespmem:v6+s2+$0x0], $0xffff  }
0x1c: {  	s24 =	simm.s32 $0x30;
	v11 =	vadd.s32 s23, v1;
	s13 =	sshll.u32 s13, $0xE;
	v7 =	vld.idx.msk [tilespmem:v7+s2+$0x0], $0xffff  }
0x1d: {  	s25 =	simm.s32 $0x0;
	v12 =	vadd.s32 s24, v1;
	s20 =	sor.u32 $0x1800, s13;
	v8 =	vld.idx.msk [tilespmem:v8+s2+$0x0], $0xffff  }
0x1e: {  	s26 =	simm.s32 $0x40;
	v13 =	vadd.s32 s25, v1;
	v9 =	vld.idx.msk [tilespmem:v9+s2+$0x0], $0xffff;
	[tilespmem:s20+$0x460] =	vst v3  }
0x1f: {  	s28 =	simm.s32 $0x50;
	v14 =	vadd.s32 s26, v1;
	v52 =	vld.idx.msk [tilespmem:v46+s2+$0x0], $0xffff;
	[tilespmem:s20+$0x400] =	vst v4  }
0x20: {  	s30 =	simm.s32 $0x70;
	v15 =	vadd.s32 s28, v1;
	v3 =	vld.idx.msk [tilespmem:v10+s2+$0x0], $0xffff;
	[tilespmem:s20+$0x410] =	vst v5  }
0x21: {  	v47 =	vadd.s32 s30, v1;
	s19 =	simm.s32 $0xE0;
	v4 =	vld.idx.msk [tilespmem:v11+s2+$0x0], $0xffff;
	[tilespmem:s20+$0x420] =	vst v6  }
0x22: {  	s31 =	simm.s32 $0x80;
	v55 =	vadd.s32 s19, v1;
	v5 =	vld.idx.msk [tilespmem:v12+s2+$0x0], $0xffff;
	[tilespmem:s20+$0x430] =	vst v7  }
0x23: {  	v48 =	vadd.s32 s31, v1;
	s14 =	simm.s32 $0x90;
	v6 =	vld.idx.msk [tilespmem:v13+s2+$0x0], $0xffff;
	[tilespmem:s20+$0x440] =	vst v8  }
0x24: {  	s15 =	simm.s32 $0xA0;
	v49 =	vadd.s32 s14, v1;
	v7 =	vld.idx.msk [tilespmem:v14+s2+$0x0], $0xffff;
	[tilespmem:s20+$0x450] =	vst v9  }
0x25: {  	v50 =	vadd.s32 s15, v1;
	s16 =	simm.s32 $0xB0;
	v8 =	vld.idx.msk [tilespmem:v15+s2+$0x0], $0xffff;
	[tilespmem:s20+$0x470] =	vst v2  }
0x26: {  	s17 =	simm.s32 $0xC0;
	v51 =	vadd.s32 s16, v1;
	v2 =	vld.idx.msk [tilespmem:v47+s2+$0x0], $0xffff;
	[tilespmem:s20+$0xFFFFF860] =	vst v52  }
0x27: {  	s18 =	simm.s32 $0xD0;
	v53 =	vadd.s32 s17, v1;
	v61 =	vld.idx.msk [tilespmem:v55+s2+$0x0], $0xffff;
	[tilespmem:s20+$0xFFFFF810] =	vst v3  }
0x28: {  	s21 =	simm.s32 $0xF0;
	v54 =	vadd.s32 s18, v1;
	v3 =	vld.idx.msk [tilespmem:v48+s2+$0x0], $0xffff;
	[tilespmem:s20+$0xFFFFF820] =	vst v4  }
0x29: {  	s22 =	simm.s32 $0x100;
	v56 =	vadd.s32 s21, v1;
	v4 =	vld.idx.msk [tilespmem:v49+s2+$0x0], $0xffff;
	[tilespmem:s20+$0xFFFFF800] =	vst v6  }
0x2a: {  	s23 =	simm.s32 $0x110;
	v57 =	vadd.s32 s22, v1;
	v6 =	vld.idx.msk [tilespmem:v50+s2+$0x0], $0xffff;
	[tilespmem:s20+$0xFFFFF830] =	vst v5  }
0x2b: {  	s24 =	simm.s32 $0x120;
	v58 =	vadd.s32 s23, v1;
	v5 =	vld.idx.msk [tilespmem:v51+s2+$0x0], $0xffff;
	[tilespmem:s20+$0xFFFFF840] =	vst v7  }
0x2c: {  	s25 =	simm.s32 $0x130;
	v59 =	vadd.s32 s24, v1;
	v7 =	vld.idx.msk [tilespmem:v53+s2+$0x0], $0xffff;
	[tilespmem:s20+$0xFFFFF850] =	vst v8  }
0x2d: {  	s26 =	simm.s32 $0x140;
	v60 =	vadd.s32 s25, v1;
	v8 =	vld.idx.msk [tilespmem:v54+s2+$0x0], $0xffff;
	[tilespmem:s20+$0xFFFFF870] =	vst v2  }
0x2e: {  	s28 =	simm.s32 $0x150;
	v62 =	vadd.s32 s26, v1;
	v2 =	vld.idx.msk [tilespmem:v56+s2+$0x0], $0xffff;
	[tilespmem:s20+$0xFFFFFC60] =	vst v61  }
0x2f: {  	s30 =	simm.s32 $0x170;
	v63 =	vadd.s32 s28, v1;
	v14 =	vld.idx.msk [tilespmem:v57+s2+$0x0], $0xffff;
	[tilespmem:s20+$0xFFFFFC00] =	vst v3  }
0x30: {  	s29 =	simm.s32 $0x160;
	v16 =	vadd.s32 s30, v1;
	v15 =	vld.idx.msk [tilespmem:v58+s2+$0x0], $0xffff;
	[tilespmem:s20+$0xFFFFFC10] =	vst v4  }
0x31: {  	v10 =	vld.idx.msk [tilespmem:v59+s2+$0x0], $0xffff;
	v3 =	vadd.s32 s29, v1;
	[tilespmem:s20+$0xFFFFFC20] =	vst v6  }
0x32: {  	[tilespmem:s20+$0xFFFFFC30] =	vst v5;
	v6 =	vld.idx.msk [tilespmem:v60+s2+$0x0], $0xffff  }
0x33: {  	[tilespmem:s20+$0xFFFFFC40] =	vst v7;
	v5 =	vld.idx.msk [tilespmem:v62+s2+$0x0], $0xffff  }
0x34: {  	s21 =	sshll.u32 s10, $0xE;
	[tilespmem:s20+$0xFFFFFC50] =	vst v8;
	v4 =	vld.idx.msk [tilespmem:v63+s2+$0x0], $0xffff  }
0x35: {  	s22 =	simm.s32 $0x3F0;
	s31 =	sand.u32 $0x4000, s21;
	[tilespmem:s20+$0xFFFFFC70] =	vst v2;
	v2 =	vld.idx.msk [tilespmem:v16+s2+$0x0], $0xffff  }
0x36: {  	s21 =	simm.s32 $0x0;
	s12 =	sor.u32 $0x1B80, s13;
	s14 =	sor.u32 $0x1B00, s13;
	v3 =	vld.idx.msk [tilespmem:v3+s2+$0x0], $0xffff;
	[tilespmem:s20+$0x0] =	vst v14  }
0x37: {  	s15 =	sor.u32 $0x1A80, s13;
	s16 =	sor.u32 $0x1A00, s13;
	s17 =	sor.u32 $0x1980, s13;
	[tilespmem:s20+$0x10] =	vst v15  }
0x38: {  	s18 =	sor.u32 $0x1900, s13;
	s19 =	sor.u32 $0x1880, s13;
	s13 =	sor.u32 $0x1000, s31;
	[tilespmem:s20+$0x20] =	vst v10  }
.LBB2_3:
0x39: {  	s23 =	sadd.s32 $0xFFFFFE20, s22;
	s24 =	sadd.s32 $0xFFFFFFF0, s22;
	v7 =	vadd.s32 s22, v1;
	s21 =	sadd.s32 $0x4, s21;
	[tilespmem:s20+$0x30] =	vst v6  }
0x3a: {  	s25 =	sadd.s32 $0xFFFFFF90, s22;
	v6 =	vadd.s32 s23, v1;
	s23 =	sadd.s32 $0xFFFFFE30, s22;
	v8 =	vadd.s32 s24, v1;
	p1 =	slt.u32 s21, $0xC;
	[tilespmem:s20+$0x40] =	vst v5  }
0x3b: {  	s24 =	sadd.s32 $0xFFFFFE50, s22;
	v9 =	vadd.s32 s25, v1;
	s25 =	sadd.s32 $0xFFFFFFA0, s22;
	v5 =	vadd.s32 s23, v1;
	s23 =	sadd.s32 $0xFFFFFE40, s22;
	[tilespmem:s20+$0x50] =	vst v4  }
0x3c: {  	v10 =	vadd.s32 s24, v1;
	s24 =	sadd.s32 $0xFFFFFE70, s22;
	v11 =	vadd.s32 s25, v1;
	s25 =	sadd.s32 $0xFFFFFFB0, s22;
	v4 =	vadd.s32 s23, v1;
	s23 =	sadd.s32 $0xFFFFFE60, s22;
	[tilespmem:s20+$0x60] =	vst v3  }
0x3d: {  	v12 =	vadd.s32 s24, v1;
	s24 =	sadd.s32 $0xFFFFFE90, s22;
	v13 =	vadd.s32 s25, v1;
	s25 =	sadd.s32 $0xFFFFFFC0, s22;
	v3 =	vadd.s32 s23, v1;
	s23 =	sadd.s32 $0xFFFFFE80, s22;
	[tilespmem:s20+$0x70] =	vst v2  }
0x3e: {  	v14 =	vadd.s32 s24, v1;
	s24 =	sadd.s32 $0xFFFFFEB0, s22;
	v15 =	vadd.s32 s25, v1;
	s25 =	sadd.s32 $0xFFFFFFD0, s22;
	v2 =	vadd.s32 s23, v1;
	s23 =	sadd.s32 $0xFFFFFEA0, s22;
	v7 =	vld.idx.msk [tilespmem:v7+s2+$0x0], $0xffff  }
0x3f: {  	v17 =	vadd.s32 s24, v1;
	s24 =	sadd.s32 $0xFFFFFED0, s22;
	v18 =	vadd.s32 s25, v1;
	s25 =	sadd.s32 $0xFFFFFFE0, s22;
	v16 =	vadd.s32 s23, v1;
	s23 =	sadd.s32 $0xFFFFFEC0, s22;
	v8 =	vld.idx.msk [tilespmem:v8+s2+$0x0], $0xffff  }
0x40: {  	s26 =	sadd.s32 $0xFFFFFF00, s22;
	v20 =	vadd.s32 s24, v1;
	s24 =	sadd.s32 $0xFFFFFEF0, s22;
	v21 =	vadd.s32 s25, v1;
	v19 =	vadd.s32 s23, v1;
	s23 =	sadd.s32 $0xFFFFFEE0, s22;
	v9 =	vld.idx.msk [tilespmem:v9+s2+$0x0], $0xffff  }
0x41: {  	v24 =	vadd.s32 s26, v1;
	s25 =	sadd.s32 $0xFFFFFF30, s22;
	v23 =	vadd.s32 s24, v1;
	s24 =	sadd.s32 $0xFFFFFF20, s22;
	v22 =	vadd.s32 s23, v1;
	s23 =	sadd.s32 $0xFFFFFF10, s22;
	v11 =	vld.idx.msk [tilespmem:v11+s2+$0x0], $0xffff  }
0x42: {  	v27 =	vadd.s32 s25, v1;
	s25 =	sadd.s32 $0xFFFFFF60, s22;
	v26 =	vadd.s32 s24, v1;
	s24 =	sadd.s32 $0xFFFFFF50, s22;
	v25 =	vadd.s32 s23, v1;
	s23 =	sadd.s32 $0xFFFFFF40, s22;
	v13 =	vld.idx.msk [tilespmem:v13+s2+$0x0], $0xffff  }
0x43: {  	s26 =	sadd.s32 $0xFFFFFE10, s22;
	v30 =	vadd.s32 s25, v1;
	v29 =	vadd.s32 s24, v1;
	s24 =	sadd.s32 $0xFFFFFF80, s22;
	v28 =	vadd.s32 s23, v1;
	s23 =	sadd.s32 $0xFFFFFF70, s22;
	v15 =	vld.idx.msk [tilespmem:v15+s2+$0x0], $0xffff  }
0x44: {  	v31 =	vadd.s32 s26, v1;
	s20 =	sadd.s32 $0x1000, s20;
	v33 =	vadd.s32 s24, v1;
	v32 =	vadd.s32 s23, v1;
	v18 =	vld.idx.msk [tilespmem:v18+s2+$0x0], $0xffff  }
0x45: {  	v21 =	vld.idx.msk [tilespmem:v21+s2+$0x0], $0xffff;
	[tilespmem:s20+$0x460] =	vst v8  }
0x46: {  	v6 =	vld.idx.msk [tilespmem:v6+s2+$0x0], $0xffff;
	[tilespmem:s20+$0x400] =	vst v9  }
0x47: {  	v5 =	vld.idx.msk [tilespmem:v5+s2+$0x0], $0xffff;
	[tilespmem:s20+$0x410] =	vst v11  }
0x48: {  	v4 =	vld.idx.msk [tilespmem:v4+s2+$0x0], $0xffff;
	[tilespmem:s20+$0x420] =	vst v13  }
0x49: {  	v8 =	vld.idx.msk [tilespmem:v31+s2+$0x0], $0xffff;
	[tilespmem:s20+$0x430] =	vst v15  }
0x4a: {  	v9 =	vld.idx.msk [tilespmem:v10+s2+$0x0], $0xffff;
	[tilespmem:s20+$0x440] =	vst v18  }
0x4b: {  	v3 =	vld.idx.msk [tilespmem:v3+s2+$0x0], $0xffff;
	[tilespmem:s20+$0x450] =	vst v21  }
0x4c: {  	v10 =	vld.idx.msk [tilespmem:v12+s2+$0x0], $0xffff;
	[tilespmem:s20+$0x470] =	vst v7  }
0x4d: {  	v2 =	vld.idx.msk [tilespmem:v2+s2+$0x0], $0xffff;
	[tilespmem:s20+$0xFFFFF810] =	vst v6  }
0x4e: {  	[tilespmem:s20+$0xFFFFF820] =	vst v5;
	v5 =	vld.idx.msk [tilespmem:v14+s2+$0x0], $0xffff  }
0x4f: {  	[tilespmem:s20+$0xFFFFF800] =	vst v8;
	v6 =	vld.idx.msk [tilespmem:v16+s2+$0x0], $0xffff  }
0x50: {  	[tilespmem:s20+$0xFFFFF830] =	vst v4;
	v4 =	vld.idx.msk [tilespmem:v17+s2+$0x0], $0xffff  }
0x51: {  	[tilespmem:s20+$0xFFFFF840] =	vst v9;
	v7 =	vld.idx.msk [tilespmem:v19+s2+$0x0], $0xffff  }
0x52: {  	[tilespmem:s20+$0xFFFFF850] =	vst v3;
	v3 =	vld.idx.msk [tilespmem:v20+s2+$0x0], $0xffff  }
0x53: {  	[tilespmem:s20+$0xFFFFF860] =	vst v10;
	v8 =	vld.idx.msk [tilespmem:v22+s2+$0x0], $0xffff  }
0x54: {  	[tilespmem:s20+$0xFFFFF870] =	vst v2;
	v2 =	vld.idx.msk [tilespmem:v23+s2+$0x0], $0xffff  }
0x55: {  	v9 =	vld.idx.msk [tilespmem:v24+s2+$0x0], $0xffff;
	[tilespmem:s20+$0xFFFFFC00] =	vst v5  }
0x56: {  	[tilespmem:s20+$0xFFFFFC10] =	vst v6;
	v10 =	vld.idx.msk [tilespmem:v25+s2+$0x0], $0xffff  }
0x57: {  	[tilespmem:s20+$0xFFFFFC20] =	vst v4;
	v11 =	vld.idx.msk [tilespmem:v26+s2+$0x0], $0xffff  }
0x58: {  	[tilespmem:s20+$0xFFFFFC30] =	vst v7;
	v7 =	vld.idx.msk [tilespmem:v27+s2+$0x0], $0xffff  }
0x59: {  	[tilespmem:s20+$0xFFFFFC40] =	vst v3;
	v6 =	vld.idx.msk [tilespmem:v28+s2+$0x0], $0xffff  }
0x5a: {  	[tilespmem:s20+$0xFFFFFC50] =	vst v8;
	v5 =	vld.idx.msk [tilespmem:v29+s2+$0x0], $0xffff  }
.Ltmp0:
0x5b: {  	[tilespmem:s20+$0xFFFFFC60] =	vst v2;
	v4 =	vld.idx.msk [tilespmem:v30+s2+$0x0], $0xffff;
	(pc) =	sbr.rel @p1 .LBB2_3-.Ltmp0, $4  }
0x5c: {  	[tilespmem:s20+$0xFFFFFC70] =	vst v9;
	v3 =	vld.idx.msk [tilespmem:v32+s2+$0x0], $0xffff  }
0x5d: {  	v2 =	vld.idx.msk [tilespmem:v33+s2+$0x0], $0xffff;
	[tilespmem:s20+$0x0] =	vst v10  }
0x5e: {  	[tilespmem:s20+$0x10] =	vst v11  }
0x5f: {  	s22 =	sadd.s32 $0x200, s22;
	[tilespmem:s20+$0x20] =	vst v7  }
0x60: {  	s21 =	ssub.s32 $0x7FE, s11  }
0x61: {  	s29 =	simm.s32 $0x1F0;
	v1 =	vadd.s32 s21, v0  }
0x62: {  	[tilespmem:s20+$0x30] =	vst v6;
	s22 =	simm.s32 $0x1E0;
	v6 =	vadd.s32 s29, v1  }
0x63: {  	[tilespmem:s20+$0x40] =	vst v5;
	s30 =	simm.s32 $0x180;
	v5 =	vadd.s32 s22, v1  }
0x64: {  	[tilespmem:s20+$0x50] =	vst v4;
	s31 =	simm.s32 $0x190;
	v4 =	vadd.s32 s30, v1  }
0x65: {  	s23 =	simm.s32 $0x1B0;
	[tilespmem:s20+$0x60] =	vst v3;
	v3 =	vadd.s32 s31, v1  }
0x66: {  	s24 =	simm.s32 $0x1C0;
	[tilespmem:s20+$0x70] =	vst v2;
	v7 =	vadd.s32 s23, v1  }
0x67: {  	s25 =	simm.s32 $0x1D0;
	v8 =	vadd.s32 s24, v1;
	v6 =	vld.idx.msk [tilespmem:v6+s2+$0x0], $0xffff  }
0x68: {  	s22 =	simm.s32 $0x1A0;
	v9 =	vadd.s32 s25, v1;
	v5 =	vld.idx.msk [tilespmem:v5+s2+$0x0], $0xffff  }
0x69: {  	v2 =	vadd.s32 s22, v1;
	s22 =	simm.s32 $0x60;
	v4 =	vld.idx.msk [tilespmem:v4+s2+$0x0], $0xffff  }
0x6a: {  	s26 =	simm.s32 $0x10;
	v47 =	vadd.s32 s22, v1;
	v3 =	vld.idx.msk [tilespmem:v3+s2+$0x0], $0xffff  }
0x6b: {  	s28 =	simm.s32 $0x20;
	v10 =	vadd.s32 s26, v1;
	v7 =	vld.idx.msk [tilespmem:v7+s2+$0x0], $0xffff  }
0x6c: {  	v11 =	vadd.s32 s28, v1;
	s29 =	simm.s32 $0x30;
	v8 =	vld.idx.msk [tilespmem:v8+s2+$0x0], $0xffff  }
0x6d: {  	s31 =	simm.s32 $0x40;
	v12 =	vadd.s32 s29, v1;
	v9 =	vld.idx.msk [tilespmem:v9+s2+$0x0], $0xffff  }
0x6e: {  	s21 =	simm.s32 $0x50;
	v14 =	vadd.s32 s31, v1;
	v2 =	vld.idx.msk [tilespmem:v2+s2+$0x0], $0xffff;
	[tilespmem:s19+$0x460] =	vst v5  }
0x6f: {  	v15 =	vadd.s32 s21, v1;
	s23 =	simm.s32 $0x70;
	v53 =	vld.idx.msk [tilespmem:v47+s2+$0x0], $0xffff;
	[tilespmem:s19+$0x400] =	vst v4  }
0x70: {  	s30 =	simm.s32 $0x0;
	v48 =	vadd.s32 s23, v1;
	v5 =	vld.idx.msk [tilespmem:v10+s2+$0x0], $0xffff;
	[tilespmem:s19+$0x410] =	vst v3  }
0x71: {  	v13 =	vadd.s32 s30, v1;
	s31 =	simm.s32 $0xE0;
	v4 =	vld.idx.msk [tilespmem:v11+s2+$0x0], $0xffff;
	[tilespmem:s19+$0x430] =	vst v7  }
0x72: {  	s22 =	simm.s32 $0xF0;
	v56 =	vadd.s32 s31, v1;
	v3 =	vld.idx.msk [tilespmem:v12+s2+$0x0], $0xffff;
	[tilespmem:s19+$0x440] =	vst v8  }
0x73: {  	s24 =	simm.s32 $0x80;
	v57 =	vadd.s32 s22, v1;
	v7 =	vld.idx.msk [tilespmem:v14+s2+$0x0], $0xffff;
	[tilespmem:s19+$0x450] =	vst v9  }
0x74: {  	s25 =	simm.s32 $0x90;
	v49 =	vadd.s32 s24, v1;
	v8 =	vld.idx.msk [tilespmem:v15+s2+$0x0], $0xffff;
	[tilespmem:s19+$0x470] =	vst v6  }
0x75: {  	s28 =	simm.s32 $0xB0;
	v50 =	vadd.s32 s25, v1;
	v6 =	vld.idx.msk [tilespmem:v48+s2+$0x0], $0xffff;
	[tilespmem:s19+$0x420] =	vst v2  }
0x76: {  	s29 =	simm.s32 $0xC0;
	v52 =	vadd.s32 s28, v1;
	v2 =	vld.idx.msk [tilespmem:v13+s2+$0x0], $0xffff;
	[tilespmem:s19+$0xFFFFF860] =	vst v53  }
0x77: {  	s30 =	simm.s32 $0xD0;
	v54 =	vadd.s32 s29, v1;
	v62 =	vld.idx.msk [tilespmem:v56+s2+$0x0], $0xffff;
	[tilespmem:s19+$0xFFFFF810] =	vst v5  }
0x78: {  	s26 =	simm.s32 $0xA0;
	v55 =	vadd.s32 s30, v1;
	v13 =	vld.idx.msk [tilespmem:v57+s2+$0x0], $0xffff;
	[tilespmem:s19+$0xFFFFF820] =	vst v4  }
0x79: {  	v51 =	vadd.s32 s26, v1;
	s23 =	simm.s32 $0x100;
	v5 =	vld.idx.msk [tilespmem:v49+s2+$0x0], $0xffff;
	[tilespmem:s19+$0xFFFFF830] =	vst v3  }
0x7a: {  	s24 =	simm.s32 $0x110;
	v58 =	vadd.s32 s23, v1;
	v4 =	vld.idx.msk [tilespmem:v50+s2+$0x0], $0xffff;
	[tilespmem:s19+$0xFFFFF840] =	vst v7  }
0x7b: {  	s25 =	simm.s32 $0x120;
	v59 =	vadd.s32 s24, v1;
	v3 =	vld.idx.msk [tilespmem:v52+s2+$0x0], $0xffff;
	[tilespmem:s19+$0xFFFFF850] =	vst v8  }
0x7c: {  	s26 =	simm.s32 $0x130;
	v60 =	vadd.s32 s25, v1;
	v7 =	vld.idx.msk [tilespmem:v54+s2+$0x0], $0xffff;
	[tilespmem:s19+$0xFFFFF870] =	vst v6  }
0x7d: {  	s28 =	simm.s32 $0x140;
	v61 =	vadd.s32 s26, v1;
	v8 =	vld.idx.msk [tilespmem:v55+s2+$0x0], $0xffff;
	[tilespmem:s19+$0xFFFFF800] =	vst v2  }
0x7e: {  	s29 =	simm.s32 $0x150;
	v63 =	vadd.s32 s28, v1;
	v2 =	vld.idx.msk [tilespmem:v51+s2+$0x0], $0xffff;
	[tilespmem:s19+$0xFFFFFC60] =	vst v62  }
0x7f: {  	s30 =	simm.s32 $0x160;
	v16 =	vadd.s32 s29, v1;
	v14 =	vld.idx.msk [tilespmem:v58+s2+$0x0], $0xffff;
	[tilespmem:s19+$0xFFFFFC70] =	vst v13  }
0x80: {  	s31 =	simm.s32 $0x170;
	v17 =	vadd.s32 s30, v1;
	v15 =	vld.idx.msk [tilespmem:v59+s2+$0x0], $0xffff;
	[tilespmem:s19+$0xFFFFFC00] =	vst v5  }
0x81: {  	v18 =	vadd.s32 s31, v1;
	v10 =	vld.idx.msk [tilespmem:v60+s2+$0x0], $0xffff;
	[tilespmem:s19+$0xFFFFFC10] =	vst v4  }
0x82: {  	v6 =	vld.idx.msk [tilespmem:v61+s2+$0x0], $0xffff;
	[tilespmem:s19+$0xFFFFFC30] =	vst v3  }
0x83: {  	[tilespmem:s19+$0xFFFFFC40] =	vst v7;
	v5 =	vld.idx.msk [tilespmem:v63+s2+$0x0], $0xffff  }
0x84: {  	[tilespmem:s19+$0xFFFFFC50] =	vst v8;
	v4 =	vld.idx.msk [tilespmem:v16+s2+$0x0], $0xffff  }
0x85: {  	v3 =	vld.idx.msk [tilespmem:v17+s2+$0x0], $0xffff;
	[tilespmem:s19+$0xFFFFFC20] =	vst v2  }
0x86: {  	v2 =	vld.idx.msk [tilespmem:v18+s2+$0x0], $0xffff;
	[tilespmem:s19+$0x0] =	vst v14  }
0x87: {  	[tilespmem:s19+$0x10] =	vst v15  }
0x88: {  	s20 =	simm.s32 $0x0;
	s21 =	simm.s32 $0x3F0;
	[tilespmem:s19+$0x20] =	vst v10  }
.LBB2_5:
0x89: {  	s22 =	sadd.s32 $0xFFFFFE20, s21;
	s23 =	sadd.s32 $0xFFFFFFF0, s21;
	v7 =	vadd.s32 s21, v1;
	s20 =	sadd.s32 $0x4, s20;
	[tilespmem:s19+$0x30] =	vst v6  }
0x8a: {  	s24 =	sadd.s32 $0xFFFFFF90, s21;
	v6 =	vadd.s32 s22, v1;
	s22 =	sadd.s32 $0xFFFFFE30, s21;
	v8 =	vadd.s32 s23, v1;
	p1 =	slt.u32 s20, $0xC;
	[tilespmem:s19+$0x40] =	vst v5  }
0x8b: {  	s23 =	sadd.s32 $0xFFFFFE50, s21;
	v9 =	vadd.s32 s24, v1;
	s24 =	sadd.s32 $0xFFFFFFA0, s21;
	v5 =	vadd.s32 s22, v1;
	s22 =	sadd.s32 $0xFFFFFE40, s21;
	[tilespmem:s19+$0x50] =	vst v4  }
0x8c: {  	v10 =	vadd.s32 s23, v1;
	s23 =	sadd.s32 $0xFFFFFE70, s21;
	v11 =	vadd.s32 s24, v1;
	s24 =	sadd.s32 $0xFFFFFFB0, s21;
	v4 =	vadd.s32 s22, v1;
	s22 =	sadd.s32 $0xFFFFFE60, s21;
	[tilespmem:s19+$0x60] =	vst v3  }
0x8d: {  	v12 =	vadd.s32 s23, v1;
	s23 =	sadd.s32 $0xFFFFFE90, s21;
	v13 =	vadd.s32 s24, v1;
	s24 =	sadd.s32 $0xFFFFFFC0, s21;
	v3 =	vadd.s32 s22, v1;
	s22 =	sadd.s32 $0xFFFFFE80, s21;
	[tilespmem:s19+$0x70] =	vst v2  }
0x8e: {  	v14 =	vadd.s32 s23, v1;
	s23 =	sadd.s32 $0xFFFFFEB0, s21;
	v15 =	vadd.s32 s24, v1;
	s24 =	sadd.s32 $0xFFFFFFD0, s21;
	v2 =	vadd.s32 s22, v1;
	s22 =	sadd.s32 $0xFFFFFEA0, s21;
	v7 =	vld.idx.msk [tilespmem:v7+s2+$0x0], $0xffff  }
0x8f: {  	v17 =	vadd.s32 s23, v1;
	s23 =	sadd.s32 $0xFFFFFED0, s21;
	v18 =	vadd.s32 s24, v1;
	s24 =	sadd.s32 $0xFFFFFFE0, s21;
	v16 =	vadd.s32 s22, v1;
	s22 =	sadd.s32 $0xFFFFFEC0, s21;
	v8 =	vld.idx.msk [tilespmem:v8+s2+$0x0], $0xffff  }
0x90: {  	s25 =	sadd.s32 $0xFFFFFF00, s21;
	v20 =	vadd.s32 s23, v1;
	s23 =	sadd.s32 $0xFFFFFEF0, s21;
	v21 =	vadd.s32 s24, v1;
	v19 =	vadd.s32 s22, v1;
	s22 =	sadd.s32 $0xFFFFFEE0, s21;
	v9 =	vld.idx.msk [tilespmem:v9+s2+$0x0], $0xffff  }
0x91: {  	v24 =	vadd.s32 s25, v1;
	s24 =	sadd.s32 $0xFFFFFF30, s21;
	v23 =	vadd.s32 s23, v1;
	s23 =	sadd.s32 $0xFFFFFF20, s21;
	v22 =	vadd.s32 s22, v1;
	s22 =	sadd.s32 $0xFFFFFF10, s21;
	v11 =	vld.idx.msk [tilespmem:v11+s2+$0x0], $0xffff  }
0x92: {  	v27 =	vadd.s32 s24, v1;
	s24 =	sadd.s32 $0xFFFFFF60, s21;
	v26 =	vadd.s32 s23, v1;
	s23 =	sadd.s32 $0xFFFFFF50, s21;
	v25 =	vadd.s32 s22, v1;
	s22 =	sadd.s32 $0xFFFFFF40, s21;
	v13 =	vld.idx.msk [tilespmem:v13+s2+$0x0], $0xffff  }
0x93: {  	s25 =	sadd.s32 $0xFFFFFE10, s21;
	v30 =	vadd.s32 s24, v1;
	v29 =	vadd.s32 s23, v1;
	s23 =	sadd.s32 $0xFFFFFF80, s21;
	v28 =	vadd.s32 s22, v1;
	s22 =	sadd.s32 $0xFFFFFF70, s21;
	v15 =	vld.idx.msk [tilespmem:v15+s2+$0x0], $0xffff  }
0x94: {  	v31 =	vadd.s32 s25, v1;
	s19 =	sadd.s32 $0x1000, s19;
	v33 =	vadd.s32 s23, v1;
	v32 =	vadd.s32 s22, v1;
	v18 =	vld.idx.msk [tilespmem:v18+s2+$0x0], $0xffff  }
0x95: {  	v21 =	vld.idx.msk [tilespmem:v21+s2+$0x0], $0xffff;
	[tilespmem:s19+$0x460] =	vst v8  }
0x96: {  	v6 =	vld.idx.msk [tilespmem:v6+s2+$0x0], $0xffff;
	[tilespmem:s19+$0x400] =	vst v9  }
0x97: {  	v5 =	vld.idx.msk [tilespmem:v5+s2+$0x0], $0xffff;
	[tilespmem:s19+$0x410] =	vst v11  }
0x98: {  	v4 =	vld.idx.msk [tilespmem:v4+s2+$0x0], $0xffff;
	[tilespmem:s19+$0x420] =	vst v13  }
0x99: {  	v8 =	vld.idx.msk [tilespmem:v31+s2+$0x0], $0xffff;
	[tilespmem:s19+$0x430] =	vst v15  }
0x9a: {  	v9 =	vld.idx.msk [tilespmem:v10+s2+$0x0], $0xffff;
	[tilespmem:s19+$0x440] =	vst v18  }
0x9b: {  	v3 =	vld.idx.msk [tilespmem:v3+s2+$0x0], $0xffff;
	[tilespmem:s19+$0x450] =	vst v21  }
0x9c: {  	v10 =	vld.idx.msk [tilespmem:v12+s2+$0x0], $0xffff;
	[tilespmem:s19+$0x470] =	vst v7  }
0x9d: {  	v2 =	vld.idx.msk [tilespmem:v2+s2+$0x0], $0xffff;
	[tilespmem:s19+$0xFFFFF810] =	vst v6  }
0x9e: {  	[tilespmem:s19+$0xFFFFF820] =	vst v5;
	v5 =	vld.idx.msk [tilespmem:v14+s2+$0x0], $0xffff  }
0x9f: {  	[tilespmem:s19+$0xFFFFF800] =	vst v8;
	v6 =	vld.idx.msk [tilespmem:v16+s2+$0x0], $0xffff  }
0xa0: {  	[tilespmem:s19+$0xFFFFF830] =	vst v4;
	v4 =	vld.idx.msk [tilespmem:v17+s2+$0x0], $0xffff  }
0xa1: {  	[tilespmem:s19+$0xFFFFF840] =	vst v9;
	v7 =	vld.idx.msk [tilespmem:v19+s2+$0x0], $0xffff  }
0xa2: {  	[tilespmem:s19+$0xFFFFF850] =	vst v3;
	v3 =	vld.idx.msk [tilespmem:v20+s2+$0x0], $0xffff  }
0xa3: {  	[tilespmem:s19+$0xFFFFF860] =	vst v10;
	v8 =	vld.idx.msk [tilespmem:v22+s2+$0x0], $0xffff  }
0xa4: {  	[tilespmem:s19+$0xFFFFF870] =	vst v2;
	v2 =	vld.idx.msk [tilespmem:v23+s2+$0x0], $0xffff  }
0xa5: {  	v9 =	vld.idx.msk [tilespmem:v24+s2+$0x0], $0xffff;
	[tilespmem:s19+$0xFFFFFC00] =	vst v5  }
0xa6: {  	[tilespmem:s19+$0xFFFFFC10] =	vst v6;
	v10 =	vld.idx.msk [tilespmem:v25+s2+$0x0], $0xffff  }
0xa7: {  	[tilespmem:s19+$0xFFFFFC20] =	vst v4;
	v11 =	vld.idx.msk [tilespmem:v26+s2+$0x0], $0xffff  }
0xa8: {  	[tilespmem:s19+$0xFFFFFC30] =	vst v7;
	v7 =	vld.idx.msk [tilespmem:v27+s2+$0x0], $0xffff  }
0xa9: {  	[tilespmem:s19+$0xFFFFFC40] =	vst v3;
	v6 =	vld.idx.msk [tilespmem:v28+s2+$0x0], $0xffff  }
0xaa: {  	[tilespmem:s19+$0xFFFFFC50] =	vst v8;
	v5 =	vld.idx.msk [tilespmem:v29+s2+$0x0], $0xffff  }
.Ltmp1:
0xab: {  	[tilespmem:s19+$0xFFFFFC60] =	vst v2;
	v4 =	vld.idx.msk [tilespmem:v30+s2+$0x0], $0xffff;
	(pc) =	sbr.rel @p1 .LBB2_5-.Ltmp1, $4  }
0xac: {  	[tilespmem:s19+$0xFFFFFC70] =	vst v9;
	v3 =	vld.idx.msk [tilespmem:v32+s2+$0x0], $0xffff  }
0xad: {  	v2 =	vld.idx.msk [tilespmem:v33+s2+$0x0], $0xffff;
	[tilespmem:s19+$0x0] =	vst v10  }
0xae: {  	[tilespmem:s19+$0x10] =	vst v11  }
0xaf: {  	s21 =	sadd.s32 $0x200, s21;
	[tilespmem:s19+$0x20] =	vst v7  }
0xb0: {  	s20 =	ssub.s32 $0x7FD, s11  }
0xb1: {  	s22 =	simm.s32 $0x1F0;
	v1 =	vadd.s32 s20, v0  }
0xb2: {  	[tilespmem:s19+$0x30] =	vst v6;
	s21 =	simm.s32 $0x1E0;
	v6 =	vadd.s32 s22, v1  }
0xb3: {  	[tilespmem:s19+$0x40] =	vst v5;
	s23 =	simm.s32 $0x180;
	v5 =	vadd.s32 s21, v1  }
0xb4: {  	[tilespmem:s19+$0x50] =	vst v4;
	s24 =	simm.s32 $0x190;
	v4 =	vadd.s32 s23, v1  }
0xb5: {  	s25 =	simm.s32 $0x1A0;
	[tilespmem:s19+$0x60] =	vst v3;
	v3 =	vadd.s32 s24, v1  }
0xb6: {  	s26 =	simm.s32 $0x1B0;
	[tilespmem:s19+$0x70] =	vst v2;
	v2 =	vadd.s32 s25, v1  }
0xb7: {  	s28 =	simm.s32 $0x1C0;
	v7 =	vadd.s32 s26, v1;
	v6 =	vld.idx.msk [tilespmem:v6+s2+$0x0], $0xffff  }
0xb8: {  	s29 =	simm.s32 $0x1D0;
	v8 =	vadd.s32 s28, v1;
	v5 =	vld.idx.msk [tilespmem:v5+s2+$0x0], $0xffff  }
0xb9: {  	v9 =	vadd.s32 s29, v1;
	s24 =	simm.s32 $0x60;
	v4 =	vld.idx.msk [tilespmem:v4+s2+$0x0], $0xffff  }
0xba: {  	s30 =	simm.s32 $0x10;
	v47 =	vadd.s32 s24, v1;
	v3 =	vld.idx.msk [tilespmem:v3+s2+$0x0], $0xffff  }
0xbb: {  	s31 =	simm.s32 $0x20;
	v10 =	vadd.s32 s30, v1;
	v2 =	vld.idx.msk [tilespmem:v2+s2+$0x0], $0xffff  }
0xbc: {  	s20 =	simm.s32 $0x30;
	v11 =	vadd.s32 s31, v1;
	v7 =	vld.idx.msk [tilespmem:v7+s2+$0x0], $0xffff  }
0xbd: {  	v12 =	vadd.s32 s20, v1;
	s21 =	simm.s32 $0x0;
	v8 =	vld.idx.msk [tilespmem:v8+s2+$0x0], $0xffff  }
0xbe: {  	s22 =	simm.s32 $0x40;
	v13 =	vadd.s32 s21, v1;
	v9 =	vld.idx.msk [tilespmem:v9+s2+$0x0], $0xffff;
	[tilespmem:s18+$0x460] =	vst v5  }
0xbf: {  	s23 =	simm.s32 $0x50;
	v14 =	vadd.s32 s22, v1;
	v53 =	vld.idx.msk [tilespmem:v47+s2+$0x0], $0xffff;
	[tilespmem:s18+$0x400] =	vst v4  }
0xc0: {  	s25 =	simm.s32 $0x70;
	v15 =	vadd.s32 s23, v1;
	v5 =	vld.idx.msk [tilespmem:v10+s2+$0x0], $0xffff;
	[tilespmem:s18+$0x410] =	vst v3  }
0xc1: {  	v48 =	vadd.s32 s25, v1;
	s21 =	simm.s32 $0xE0;
	v4 =	vld.idx.msk [tilespmem:v11+s2+$0x0], $0xffff;
	[tilespmem:s18+$0x420] =	vst v2  }
0xc2: {  	s22 =	simm.s32 $0xF0;
	v56 =	vadd.s32 s21, v1;
	v3 =	vld.idx.msk [tilespmem:v12+s2+$0x0], $0xffff;
	[tilespmem:s18+$0x430] =	vst v7  }
0xc3: {  	s26 =	simm.s32 $0x80;
	v57 =	vadd.s32 s22, v1;
	v2 =	vld.idx.msk [tilespmem:v13+s2+$0x0], $0xffff;
	[tilespmem:s18+$0x440] =	vst v8  }
0xc4: {  	s28 =	simm.s32 $0x90;
	v49 =	vadd.s32 s26, v1;
	v7 =	vld.idx.msk [tilespmem:v14+s2+$0x0], $0xffff;
	[tilespmem:s18+$0x450] =	vst v9  }
0xc5: {  	s29 =	simm.s32 $0xA0;
	v50 =	vadd.s32 s28, v1;
	v8 =	vld.idx.msk [tilespmem:v15+s2+$0x0], $0xffff;
	[tilespmem:s18+$0x470] =	vst v6  }
0xc6: {  	s30 =	simm.s32 $0xB0;
	v51 =	vadd.s32 s29, v1;
	v6 =	vld.idx.msk [tilespmem:v48+s2+$0x0], $0xffff;
	[tilespmem:s18+$0xFFFFF860] =	vst v53  }
0xc7: {  	s31 =	simm.s32 $0xC0;
	v52 =	vadd.s32 s30, v1;
	v62 =	vld.idx.msk [tilespmem:v56+s2+$0x0], $0xffff;
	[tilespmem:s18+$0xFFFFF810] =	vst v5  }
0xc8: {  	s20 =	simm.s32 $0xD0;
	v54 =	vadd.s32 s31, v1;
	v13 =	vld.idx.msk [tilespmem:v57+s2+$0x0], $0xffff;
	[tilespmem:s18+$0xFFFFF820] =	vst v4  }
0xc9: {  	v55 =	vadd.s32 s20, v1;
	s23 =	simm.s32 $0x100;
	v5 =	vld.idx.msk [tilespmem:v49+s2+$0x0], $0xffff;
	[tilespmem:s18+$0xFFFFF800] =	vst v2  }
0xca: {  	s24 =	simm.s32 $0x110;
	v58 =	vadd.s32 s23, v1;
	v4 =	vld.idx.msk [tilespmem:v50+s2+$0x0], $0xffff;
	[tilespmem:s18+$0xFFFFF830] =	vst v3  }
0xcb: {  	s25 =	simm.s32 $0x120;
	v59 =	vadd.s32 s24, v1;
	v2 =	vld.idx.msk [tilespmem:v51+s2+$0x0], $0xffff;
	[tilespmem:s18+$0xFFFFF840] =	vst v7  }
0xcc: {  	s26 =	simm.s32 $0x130;
	v60 =	vadd.s32 s25, v1;
	v3 =	vld.idx.msk [tilespmem:v52+s2+$0x0], $0xffff;
	[tilespmem:s18+$0xFFFFF850] =	vst v8  }
0xcd: {  	s28 =	simm.s32 $0x140;
	v61 =	vadd.s32 s26, v1;
	v7 =	vld.idx.msk [tilespmem:v54+s2+$0x0], $0xffff;
	[tilespmem:s18+$0xFFFFF870] =	vst v6  }
0xce: {  	s29 =	simm.s32 $0x150;
	v63 =	vadd.s32 s28, v1;
	v8 =	vld.idx.msk [tilespmem:v55+s2+$0x0], $0xffff;
	[tilespmem:s18+$0xFFFFFC60] =	vst v62  }
0xcf: {  	s30 =	simm.s32 $0x160;
	v16 =	vadd.s32 s29, v1;
	v14 =	vld.idx.msk [tilespmem:v58+s2+$0x0], $0xffff;
	[tilespmem:s18+$0xFFFFFC70] =	vst v13  }
0xd0: {  	s31 =	simm.s32 $0x170;
	v17 =	vadd.s32 s30, v1;
	v15 =	vld.idx.msk [tilespmem:v59+s2+$0x0], $0xffff;
	[tilespmem:s18+$0xFFFFFC00] =	vst v5  }
0xd1: {  	v18 =	vadd.s32 s31, v1;
	v10 =	vld.idx.msk [tilespmem:v60+s2+$0x0], $0xffff;
	[tilespmem:s18+$0xFFFFFC10] =	vst v4  }
0xd2: {  	v6 =	vld.idx.msk [tilespmem:v61+s2+$0x0], $0xffff;
	[tilespmem:s18+$0xFFFFFC20] =	vst v2  }
0xd3: {  	[tilespmem:s18+$0xFFFFFC30] =	vst v3;
	v5 =	vld.idx.msk [tilespmem:v63+s2+$0x0], $0xffff  }
0xd4: {  	[tilespmem:s18+$0xFFFFFC40] =	vst v7;
	v4 =	vld.idx.msk [tilespmem:v16+s2+$0x0], $0xffff  }
0xd5: {  	[tilespmem:s18+$0xFFFFFC50] =	vst v8;
	v3 =	vld.idx.msk [tilespmem:v17+s2+$0x0], $0xffff  }
0xd6: {  	v2 =	vld.idx.msk [tilespmem:v18+s2+$0x0], $0xffff;
	[tilespmem:s18+$0x0] =	vst v14  }
0xd7: {  	[tilespmem:s18+$0x10] =	vst v15  }
0xd8: {  	s19 =	simm.s32 $0x0;
	s20 =	simm.s32 $0x3F0;
	[tilespmem:s18+$0x20] =	vst v10  }
.LBB2_7:
0xd9: {  	s21 =	sadd.s32 $0xFFFFFE20, s20;
	s22 =	sadd.s32 $0xFFFFFFF0, s20;
	v7 =	vadd.s32 s20, v1;
	s19 =	sadd.s32 $0x4, s19;
	[tilespmem:s18+$0x30] =	vst v6  }
0xda: {  	s23 =	sadd.s32 $0xFFFFFF90, s20;
	v6 =	vadd.s32 s21, v1;
	s21 =	sadd.s32 $0xFFFFFE30, s20;
	v8 =	vadd.s32 s22, v1;
	p1 =	slt.u32 s19, $0xC;
	[tilespmem:s18+$0x40] =	vst v5  }
0xdb: {  	s22 =	sadd.s32 $0xFFFFFE50, s20;
	v9 =	vadd.s32 s23, v1;
	s23 =	sadd.s32 $0xFFFFFFA0, s20;
	v5 =	vadd.s32 s21, v1;
	s21 =	sadd.s32 $0xFFFFFE40, s20;
	[tilespmem:s18+$0x50] =	vst v4  }
0xdc: {  	v10 =	vadd.s32 s22, v1;
	s22 =	sadd.s32 $0xFFFFFE70, s20;
	v11 =	vadd.s32 s23, v1;
	s23 =	sadd.s32 $0xFFFFFFB0, s20;
	v4 =	vadd.s32 s21, v1;
	s21 =	sadd.s32 $0xFFFFFE60, s20;
	[tilespmem:s18+$0x60] =	vst v3  }
0xdd: {  	v12 =	vadd.s32 s22, v1;
	s22 =	sadd.s32 $0xFFFFFE90, s20;
	v13 =	vadd.s32 s23, v1;
	s23 =	sadd.s32 $0xFFFFFFC0, s20;
	v3 =	vadd.s32 s21, v1;
	s21 =	sadd.s32 $0xFFFFFE80, s20;
	[tilespmem:s18+$0x70] =	vst v2  }
0xde: {  	v14 =	vadd.s32 s22, v1;
	s22 =	sadd.s32 $0xFFFFFEB0, s20;
	v15 =	vadd.s32 s23, v1;
	s23 =	sadd.s32 $0xFFFFFFD0, s20;
	v2 =	vadd.s32 s21, v1;
	s21 =	sadd.s32 $0xFFFFFEA0, s20;
	v7 =	vld.idx.msk [tilespmem:v7+s2+$0x0], $0xffff  }
0xdf: {  	v17 =	vadd.s32 s22, v1;
	s22 =	sadd.s32 $0xFFFFFED0, s20;
	v18 =	vadd.s32 s23, v1;
	s23 =	sadd.s32 $0xFFFFFFE0, s20;
	v16 =	vadd.s32 s21, v1;
	s21 =	sadd.s32 $0xFFFFFEC0, s20;
	v8 =	vld.idx.msk [tilespmem:v8+s2+$0x0], $0xffff  }
0xe0: {  	s24 =	sadd.s32 $0xFFFFFF00, s20;
	v20 =	vadd.s32 s22, v1;
	s22 =	sadd.s32 $0xFFFFFEF0, s20;
	v21 =	vadd.s32 s23, v1;
	v19 =	vadd.s32 s21, v1;
	s21 =	sadd.s32 $0xFFFFFEE0, s20;
	v9 =	vld.idx.msk [tilespmem:v9+s2+$0x0], $0xffff  }
0xe1: {  	v24 =	vadd.s32 s24, v1;
	s23 =	sadd.s32 $0xFFFFFF30, s20;
	v23 =	vadd.s32 s22, v1;
	s22 =	sadd.s32 $0xFFFFFF20, s20;
	v22 =	vadd.s32 s21, v1;
	s21 =	sadd.s32 $0xFFFFFF10, s20;
	v11 =	vld.idx.msk [tilespmem:v11+s2+$0x0], $0xffff  }
0xe2: {  	v27 =	vadd.s32 s23, v1;
	s23 =	sadd.s32 $0xFFFFFF60, s20;
	v26 =	vadd.s32 s22, v1;
	s22 =	sadd.s32 $0xFFFFFF50, s20;
	v25 =	vadd.s32 s21, v1;
	s21 =	sadd.s32 $0xFFFFFF40, s20;
	v13 =	vld.idx.msk [tilespmem:v13+s2+$0x0], $0xffff  }
0xe3: {  	s24 =	sadd.s32 $0xFFFFFE10, s20;
	v30 =	vadd.s32 s23, v1;
	v29 =	vadd.s32 s22, v1;
	s22 =	sadd.s32 $0xFFFFFF80, s20;
	v28 =	vadd.s32 s21, v1;
	s21 =	sadd.s32 $0xFFFFFF70, s20;
	v15 =	vld.idx.msk [tilespmem:v15+s2+$0x0], $0xffff  }
0xe4: {  	v31 =	vadd.s32 s24, v1;
	s18 =	sadd.s32 $0x1000, s18;
	v33 =	vadd.s32 s22, v1;
	v32 =	vadd.s32 s21, v1;
	v18 =	vld.idx.msk [tilespmem:v18+s2+$0x0], $0xffff  }
0xe5: {  	v21 =	vld.idx.msk [tilespmem:v21+s2+$0x0], $0xffff;
	[tilespmem:s18+$0x460] =	vst v8  }
0xe6: {  	v6 =	vld.idx.msk [tilespmem:v6+s2+$0x0], $0xffff;
	[tilespmem:s18+$0x400] =	vst v9  }
0xe7: {  	v5 =	vld.idx.msk [tilespmem:v5+s2+$0x0], $0xffff;
	[tilespmem:s18+$0x410] =	vst v11  }
0xe8: {  	v4 =	vld.idx.msk [tilespmem:v4+s2+$0x0], $0xffff;
	[tilespmem:s18+$0x420] =	vst v13  }
0xe9: {  	v8 =	vld.idx.msk [tilespmem:v31+s2+$0x0], $0xffff;
	[tilespmem:s18+$0x430] =	vst v15  }
0xea: {  	v9 =	vld.idx.msk [tilespmem:v10+s2+$0x0], $0xffff;
	[tilespmem:s18+$0x440] =	vst v18  }
0xeb: {  	v3 =	vld.idx.msk [tilespmem:v3+s2+$0x0], $0xffff;
	[tilespmem:s18+$0x450] =	vst v21  }
0xec: {  	v10 =	vld.idx.msk [tilespmem:v12+s2+$0x0], $0xffff;
	[tilespmem:s18+$0x470] =	vst v7  }
0xed: {  	v2 =	vld.idx.msk [tilespmem:v2+s2+$0x0], $0xffff;
	[tilespmem:s18+$0xFFFFF810] =	vst v6  }
0xee: {  	[tilespmem:s18+$0xFFFFF820] =	vst v5;
	v5 =	vld.idx.msk [tilespmem:v14+s2+$0x0], $0xffff  }
0xef: {  	[tilespmem:s18+$0xFFFFF800] =	vst v8;
	v6 =	vld.idx.msk [tilespmem:v16+s2+$0x0], $0xffff  }
0xf0: {  	[tilespmem:s18+$0xFFFFF830] =	vst v4;
	v4 =	vld.idx.msk [tilespmem:v17+s2+$0x0], $0xffff  }
0xf1: {  	[tilespmem:s18+$0xFFFFF840] =	vst v9;
	v7 =	vld.idx.msk [tilespmem:v19+s2+$0x0], $0xffff  }
0xf2: {  	[tilespmem:s18+$0xFFFFF850] =	vst v3;
	v3 =	vld.idx.msk [tilespmem:v20+s2+$0x0], $0xffff  }
0xf3: {  	[tilespmem:s18+$0xFFFFF860] =	vst v10;
	v8 =	vld.idx.msk [tilespmem:v22+s2+$0x0], $0xffff  }
0xf4: {  	[tilespmem:s18+$0xFFFFF870] =	vst v2;
	v2 =	vld.idx.msk [tilespmem:v23+s2+$0x0], $0xffff  }
0xf5: {  	v9 =	vld.idx.msk [tilespmem:v24+s2+$0x0], $0xffff;
	[tilespmem:s18+$0xFFFFFC00] =	vst v5  }
0xf6: {  	[tilespmem:s18+$0xFFFFFC10] =	vst v6;
	v10 =	vld.idx.msk [tilespmem:v25+s2+$0x0], $0xffff  }
0xf7: {  	[tilespmem:s18+$0xFFFFFC20] =	vst v4;
	v11 =	vld.idx.msk [tilespmem:v26+s2+$0x0], $0xffff  }
0xf8: {  	[tilespmem:s18+$0xFFFFFC30] =	vst v7;
	v7 =	vld.idx.msk [tilespmem:v27+s2+$0x0], $0xffff  }
0xf9: {  	[tilespmem:s18+$0xFFFFFC40] =	vst v3;
	v6 =	vld.idx.msk [tilespmem:v28+s2+$0x0], $0xffff  }
0xfa: {  	[tilespmem:s18+$0xFFFFFC50] =	vst v8;
	v5 =	vld.idx.msk [tilespmem:v29+s2+$0x0], $0xffff  }
.Ltmp2:
0xfb: {  	[tilespmem:s18+$0xFFFFFC60] =	vst v2;
	v4 =	vld.idx.msk [tilespmem:v30+s2+$0x0], $0xffff;
	(pc) =	sbr.rel @p1 .LBB2_7-.Ltmp2, $4  }
0xfc: {  	[tilespmem:s18+$0xFFFFFC70] =	vst v9;
	v3 =	vld.idx.msk [tilespmem:v32+s2+$0x0], $0xffff  }
0xfd: {  	v2 =	vld.idx.msk [tilespmem:v33+s2+$0x0], $0xffff;
	[tilespmem:s18+$0x0] =	vst v10  }
0xfe: {  	[tilespmem:s18+$0x10] =	vst v11  }
0xff: {  	s20 =	sadd.s32 $0x200, s20;
	[tilespmem:s18+$0x20] =	vst v7  }
0x100: {  	s19 =	ssub.s32 $0x7FC, s11  }
0x101: {  	s23 =	simm.s32 $0x1F0;
	v1 =	vadd.s32 s19, v0  }
0x102: {  	[tilespmem:s18+$0x30] =	vst v6;
	s20 =	simm.s32 $0x1E0;
	v6 =	vadd.s32 s23, v1  }
0x103: {  	[tilespmem:s18+$0x40] =	vst v5;
	s24 =	simm.s32 $0x180;
	v5 =	vadd.s32 s20, v1  }
0x104: {  	[tilespmem:s18+$0x50] =	vst v4;
	s25 =	simm.s32 $0x190;
	v4 =	vadd.s32 s24, v1  }
0x105: {  	s26 =	simm.s32 $0x1A0;
	[tilespmem:s18+$0x60] =	vst v3;
	v3 =	vadd.s32 s25, v1  }
0x106: {  	s28 =	simm.s32 $0x1B0;
	[tilespmem:s18+$0x70] =	vst v2;
	v2 =	vadd.s32 s26, v1  }
0x107: {  	s29 =	simm.s32 $0x1C0;
	v7 =	vadd.s32 s28, v1;
	v6 =	vld.idx.msk [tilespmem:v6+s2+$0x0], $0xffff  }
0x108: {  	s30 =	simm.s32 $0x1D0;
	v8 =	vadd.s32 s29, v1;
	v5 =	vld.idx.msk [tilespmem:v5+s2+$0x0], $0xffff  }
0x109: {  	v9 =	vadd.s32 s30, v1;
	s24 =	simm.s32 $0x60;
	v4 =	vld.idx.msk [tilespmem:v4+s2+$0x0], $0xffff  }
0x10a: {  	s31 =	simm.s32 $0x10;
	v47 =	vadd.s32 s24, v1;
	v3 =	vld.idx.msk [tilespmem:v3+s2+$0x0], $0xffff  }
0x10b: {  	s19 =	simm.s32 $0x20;
	v10 =	vadd.s32 s31, v1;
	v2 =	vld.idx.msk [tilespmem:v2+s2+$0x0], $0xffff  }
0x10c: {  	v11 =	vadd.s32 s19, v1;
	s20 =	simm.s32 $0x30;
	v7 =	vld.idx.msk [tilespmem:v7+s2+$0x0], $0xffff  }
0x10d: {  	s21 =	simm.s32 $0x0;
	v12 =	vadd.s32 s20, v1;
	v8 =	vld.idx.msk [tilespmem:v8+s2+$0x0], $0xffff  }
0x10e: {  	s22 =	simm.s32 $0x40;
	v13 =	vadd.s32 s21, v1;
	v9 =	vld.idx.msk [tilespmem:v9+s2+$0x0], $0xffff;
	[tilespmem:s17+$0x460] =	vst v5  }
0x10f: {  	v14 =	vadd.s32 s22, v1;
	s23 =	simm.s32 $0x50;
	v53 =	vld.idx.msk [tilespmem:v47+s2+$0x0], $0xffff;
	[tilespmem:s17+$0x400] =	vst v4  }
0x110: {  	s25 =	simm.s32 $0x70;
	v15 =	vadd.s32 s23, v1;
	v5 =	vld.idx.msk [tilespmem:v10+s2+$0x0], $0xffff;
	[tilespmem:s17+$0x410] =	vst v3  }
0x111: {  	s21 =	simm.s32 $0xE0;
	v48 =	vadd.s32 s25, v1;
	v4 =	vld.idx.msk [tilespmem:v11+s2+$0x0], $0xffff;
	[tilespmem:s17+$0x420] =	vst v2  }
0x112: {  	s22 =	simm.s32 $0xF0;
	v56 =	vadd.s32 s21, v1;
	v3 =	vld.idx.msk [tilespmem:v12+s2+$0x0], $0xffff;
	[tilespmem:s17+$0x430] =	vst v7  }
0x113: {  	s26 =	simm.s32 $0x80;
	v57 =	vadd.s32 s22, v1;
	v2 =	vld.idx.msk [tilespmem:v13+s2+$0x0], $0xffff;
	[tilespmem:s17+$0x440] =	vst v8  }
0x114: {  	s28 =	simm.s32 $0x90;
	v49 =	vadd.s32 s26, v1;
	v7 =	vld.idx.msk [tilespmem:v14+s2+$0x0], $0xffff;
	[tilespmem:s17+$0x450] =	vst v9  }
0x115: {  	s29 =	simm.s32 $0xA0;
	v50 =	vadd.s32 s28, v1;
	v8 =	vld.idx.msk [tilespmem:v15+s2+$0x0], $0xffff;
	[tilespmem:s17+$0x470] =	vst v6  }
0x116: {  	s30 =	simm.s32 $0xB0;
	v51 =	vadd.s32 s29, v1;
	v6 =	vld.idx.msk [tilespmem:v48+s2+$0x0], $0xffff;
	[tilespmem:s17+$0xFFFFF860] =	vst v53  }
0x117: {  	s31 =	simm.s32 $0xC0;
	v52 =	vadd.s32 s30, v1;
	v62 =	vld.idx.msk [tilespmem:v56+s2+$0x0], $0xffff;
	[tilespmem:s17+$0xFFFFF810] =	vst v5  }
0x118: {  	v54 =	vadd.s32 s31, v1;
	s20 =	simm.s32 $0xD0;
	v13 =	vld.idx.msk [tilespmem:v57+s2+$0x0], $0xffff;
	[tilespmem:s17+$0xFFFFF820] =	vst v4  }
0x119: {  	s23 =	simm.s32 $0x100;
	v55 =	vadd.s32 s20, v1;
	v5 =	vld.idx.msk [tilespmem:v49+s2+$0x0], $0xffff;
	[tilespmem:s17+$0xFFFFF800] =	vst v2  }
0x11a: {  	s24 =	simm.s32 $0x110;
	v58 =	vadd.s32 s23, v1;
	v4 =	vld.idx.msk [tilespmem:v50+s2+$0x0], $0xffff;
	[tilespmem:s17+$0xFFFFF830] =	vst v3  }
0x11b: {  	s25 =	simm.s32 $0x120;
	v59 =	vadd.s32 s24, v1;
	v2 =	vld.idx.msk [tilespmem:v51+s2+$0x0], $0xffff;
	[tilespmem:s17+$0xFFFFF840] =	vst v7  }
0x11c: {  	s26 =	simm.s32 $0x130;
	v60 =	vadd.s32 s25, v1;
	v3 =	vld.idx.msk [tilespmem:v52+s2+$0x0], $0xffff;
	[tilespmem:s17+$0xFFFFF850] =	vst v8  }
0x11d: {  	s28 =	simm.s32 $0x140;
	v61 =	vadd.s32 s26, v1;
	v7 =	vld.idx.msk [tilespmem:v54+s2+$0x0], $0xffff;
	[tilespmem:s17+$0xFFFFF870] =	vst v6  }
0x11e: {  	s29 =	simm.s32 $0x150;
	v63 =	vadd.s32 s28, v1;
	v8 =	vld.idx.msk [tilespmem:v55+s2+$0x0], $0xffff;
	[tilespmem:s17+$0xFFFFFC60] =	vst v62  }
0x11f: {  	s30 =	simm.s32 $0x160;
	v16 =	vadd.s32 s29, v1;
	v14 =	vld.idx.msk [tilespmem:v58+s2+$0x0], $0xffff;
	[tilespmem:s17+$0xFFFFFC70] =	vst v13  }
0x120: {  	s31 =	simm.s32 $0x170;
	v17 =	vadd.s32 s30, v1;
	v15 =	vld.idx.msk [tilespmem:v59+s2+$0x0], $0xffff;
	[tilespmem:s17+$0xFFFFFC00] =	vst v5  }
0x121: {  	v18 =	vadd.s32 s31, v1;
	v10 =	vld.idx.msk [tilespmem:v60+s2+$0x0], $0xffff;
	[tilespmem:s17+$0xFFFFFC10] =	vst v4  }
0x122: {  	v6 =	vld.idx.msk [tilespmem:v61+s2+$0x0], $0xffff;
	[tilespmem:s17+$0xFFFFFC20] =	vst v2  }
0x123: {  	[tilespmem:s17+$0xFFFFFC30] =	vst v3;
	v5 =	vld.idx.msk [tilespmem:v63+s2+$0x0], $0xffff  }
0x124: {  	[tilespmem:s17+$0xFFFFFC40] =	vst v7;
	v4 =	vld.idx.msk [tilespmem:v16+s2+$0x0], $0xffff  }
0x125: {  	[tilespmem:s17+$0xFFFFFC50] =	vst v8;
	v3 =	vld.idx.msk [tilespmem:v17+s2+$0x0], $0xffff  }
0x126: {  	v2 =	vld.idx.msk [tilespmem:v18+s2+$0x0], $0xffff;
	[tilespmem:s17+$0x0] =	vst v14  }
0x127: {  	[tilespmem:s17+$0x10] =	vst v15  }
0x128: {  	s18 =	simm.s32 $0x0;
	s19 =	simm.s32 $0x3F0;
	[tilespmem:s17+$0x20] =	vst v10  }
.LBB2_9:
0x129: {  	s20 =	sadd.s32 $0xFFFFFE20, s19;
	s21 =	sadd.s32 $0xFFFFFFF0, s19;
	v7 =	vadd.s32 s19, v1;
	s18 =	sadd.s32 $0x4, s18;
	[tilespmem:s17+$0x30] =	vst v6  }
0x12a: {  	s22 =	sadd.s32 $0xFFFFFF90, s19;
	v6 =	vadd.s32 s20, v1;
	s20 =	sadd.s32 $0xFFFFFE30, s19;
	v8 =	vadd.s32 s21, v1;
	p1 =	slt.u32 s18, $0xC;
	[tilespmem:s17+$0x40] =	vst v5  }
0x12b: {  	s21 =	sadd.s32 $0xFFFFFE50, s19;
	v9 =	vadd.s32 s22, v1;
	s22 =	sadd.s32 $0xFFFFFFA0, s19;
	v5 =	vadd.s32 s20, v1;
	s20 =	sadd.s32 $0xFFFFFE40, s19;
	[tilespmem:s17+$0x50] =	vst v4  }
0x12c: {  	v10 =	vadd.s32 s21, v1;
	s21 =	sadd.s32 $0xFFFFFE70, s19;
	v11 =	vadd.s32 s22, v1;
	s22 =	sadd.s32 $0xFFFFFFB0, s19;
	v4 =	vadd.s32 s20, v1;
	s20 =	sadd.s32 $0xFFFFFE60, s19;
	[tilespmem:s17+$0x60] =	vst v3  }
0x12d: {  	v12 =	vadd.s32 s21, v1;
	s21 =	sadd.s32 $0xFFFFFE90, s19;
	v13 =	vadd.s32 s22, v1;
	s22 =	sadd.s32 $0xFFFFFFC0, s19;
	v3 =	vadd.s32 s20, v1;
	s20 =	sadd.s32 $0xFFFFFE80, s19;
	[tilespmem:s17+$0x70] =	vst v2  }
0x12e: {  	v14 =	vadd.s32 s21, v1;
	s21 =	sadd.s32 $0xFFFFFEB0, s19;
	v15 =	vadd.s32 s22, v1;
	s22 =	sadd.s32 $0xFFFFFFD0, s19;
	v2 =	vadd.s32 s20, v1;
	s20 =	sadd.s32 $0xFFFFFEA0, s19;
	v7 =	vld.idx.msk [tilespmem:v7+s2+$0x0], $0xffff  }
0x12f: {  	v17 =	vadd.s32 s21, v1;
	s21 =	sadd.s32 $0xFFFFFED0, s19;
	v18 =	vadd.s32 s22, v1;
	s22 =	sadd.s32 $0xFFFFFFE0, s19;
	v16 =	vadd.s32 s20, v1;
	s20 =	sadd.s32 $0xFFFFFEC0, s19;
	v8 =	vld.idx.msk [tilespmem:v8+s2+$0x0], $0xffff  }
0x130: {  	s23 =	sadd.s32 $0xFFFFFF00, s19;
	v20 =	vadd.s32 s21, v1;
	s21 =	sadd.s32 $0xFFFFFEF0, s19;
	v21 =	vadd.s32 s22, v1;
	v19 =	vadd.s32 s20, v1;
	s20 =	sadd.s32 $0xFFFFFEE0, s19;
	v9 =	vld.idx.msk [tilespmem:v9+s2+$0x0], $0xffff  }
0x131: {  	v24 =	vadd.s32 s23, v1;
	s22 =	sadd.s32 $0xFFFFFF30, s19;
	v23 =	vadd.s32 s21, v1;
	s21 =	sadd.s32 $0xFFFFFF20, s19;
	v22 =	vadd.s32 s20, v1;
	s20 =	sadd.s32 $0xFFFFFF10, s19;
	v11 =	vld.idx.msk [tilespmem:v11+s2+$0x0], $0xffff  }
0x132: {  	v27 =	vadd.s32 s22, v1;
	s22 =	sadd.s32 $0xFFFFFF60, s19;
	v26 =	vadd.s32 s21, v1;
	s21 =	sadd.s32 $0xFFFFFF50, s19;
	v25 =	vadd.s32 s20, v1;
	s20 =	sadd.s32 $0xFFFFFF40, s19;
	v13 =	vld.idx.msk [tilespmem:v13+s2+$0x0], $0xffff  }
0x133: {  	s23 =	sadd.s32 $0xFFFFFE10, s19;
	v30 =	vadd.s32 s22, v1;
	v29 =	vadd.s32 s21, v1;
	s21 =	sadd.s32 $0xFFFFFF80, s19;
	v28 =	vadd.s32 s20, v1;
	s20 =	sadd.s32 $0xFFFFFF70, s19;
	v15 =	vld.idx.msk [tilespmem:v15+s2+$0x0], $0xffff  }
0x134: {  	v31 =	vadd.s32 s23, v1;
	s17 =	sadd.s32 $0x1000, s17;
	v33 =	vadd.s32 s21, v1;
	v32 =	vadd.s32 s20, v1;
	v18 =	vld.idx.msk [tilespmem:v18+s2+$0x0], $0xffff  }
0x135: {  	v21 =	vld.idx.msk [tilespmem:v21+s2+$0x0], $0xffff;
	[tilespmem:s17+$0x460] =	vst v8  }
0x136: {  	v6 =	vld.idx.msk [tilespmem:v6+s2+$0x0], $0xffff;
	[tilespmem:s17+$0x400] =	vst v9  }
0x137: {  	v5 =	vld.idx.msk [tilespmem:v5+s2+$0x0], $0xffff;
	[tilespmem:s17+$0x410] =	vst v11  }
0x138: {  	v4 =	vld.idx.msk [tilespmem:v4+s2+$0x0], $0xffff;
	[tilespmem:s17+$0x420] =	vst v13  }
0x139: {  	v8 =	vld.idx.msk [tilespmem:v31+s2+$0x0], $0xffff;
	[tilespmem:s17+$0x430] =	vst v15  }
0x13a: {  	v9 =	vld.idx.msk [tilespmem:v10+s2+$0x0], $0xffff;
	[tilespmem:s17+$0x440] =	vst v18  }
0x13b: {  	v3 =	vld.idx.msk [tilespmem:v3+s2+$0x0], $0xffff;
	[tilespmem:s17+$0x450] =	vst v21  }
0x13c: {  	v10 =	vld.idx.msk [tilespmem:v12+s2+$0x0], $0xffff;
	[tilespmem:s17+$0x470] =	vst v7  }
0x13d: {  	v2 =	vld.idx.msk [tilespmem:v2+s2+$0x0], $0xffff;
	[tilespmem:s17+$0xFFFFF810] =	vst v6  }
0x13e: {  	[tilespmem:s17+$0xFFFFF820] =	vst v5;
	v5 =	vld.idx.msk [tilespmem:v14+s2+$0x0], $0xffff  }
0x13f: {  	[tilespmem:s17+$0xFFFFF800] =	vst v8;
	v6 =	vld.idx.msk [tilespmem:v16+s2+$0x0], $0xffff  }
0x140: {  	[tilespmem:s17+$0xFFFFF830] =	vst v4;
	v4 =	vld.idx.msk [tilespmem:v17+s2+$0x0], $0xffff  }
0x141: {  	[tilespmem:s17+$0xFFFFF840] =	vst v9;
	v7 =	vld.idx.msk [tilespmem:v19+s2+$0x0], $0xffff  }
0x142: {  	[tilespmem:s17+$0xFFFFF850] =	vst v3;
	v3 =	vld.idx.msk [tilespmem:v20+s2+$0x0], $0xffff  }
0x143: {  	[tilespmem:s17+$0xFFFFF860] =	vst v10;
	v8 =	vld.idx.msk [tilespmem:v22+s2+$0x0], $0xffff  }
0x144: {  	[tilespmem:s17+$0xFFFFF870] =	vst v2;
	v2 =	vld.idx.msk [tilespmem:v23+s2+$0x0], $0xffff  }
0x145: {  	v9 =	vld.idx.msk [tilespmem:v24+s2+$0x0], $0xffff;
	[tilespmem:s17+$0xFFFFFC00] =	vst v5  }
0x146: {  	[tilespmem:s17+$0xFFFFFC10] =	vst v6;
	v10 =	vld.idx.msk [tilespmem:v25+s2+$0x0], $0xffff  }
0x147: {  	[tilespmem:s17+$0xFFFFFC20] =	vst v4;
	v11 =	vld.idx.msk [tilespmem:v26+s2+$0x0], $0xffff  }
0x148: {  	[tilespmem:s17+$0xFFFFFC30] =	vst v7;
	v7 =	vld.idx.msk [tilespmem:v27+s2+$0x0], $0xffff  }
0x149: {  	[tilespmem:s17+$0xFFFFFC40] =	vst v3;
	v6 =	vld.idx.msk [tilespmem:v28+s2+$0x0], $0xffff  }
0x14a: {  	[tilespmem:s17+$0xFFFFFC50] =	vst v8;
	v5 =	vld.idx.msk [tilespmem:v29+s2+$0x0], $0xffff  }
.Ltmp3:
0x14b: {  	[tilespmem:s17+$0xFFFFFC60] =	vst v2;
	v4 =	vld.idx.msk [tilespmem:v30+s2+$0x0], $0xffff;
	(pc) =	sbr.rel @p1 .LBB2_9-.Ltmp3, $4  }
0x14c: {  	[tilespmem:s17+$0xFFFFFC70] =	vst v9;
	v3 =	vld.idx.msk [tilespmem:v32+s2+$0x0], $0xffff  }
0x14d: {  	v2 =	vld.idx.msk [tilespmem:v33+s2+$0x0], $0xffff;
	[tilespmem:s17+$0x0] =	vst v10  }
0x14e: {  	[tilespmem:s17+$0x10] =	vst v11  }
0x14f: {  	s19 =	sadd.s32 $0x200, s19;
	[tilespmem:s17+$0x20] =	vst v7  }
0x150: {  	s18 =	ssub.s32 $0x7FB, s11  }
0x151: {  	s26 =	simm.s32 $0x1F0;
	v1 =	vadd.s32 s18, v0  }
0x152: {  	[tilespmem:s17+$0x30] =	vst v6;
	s19 =	simm.s32 $0x1E0;
	v6 =	vadd.s32 s26, v1  }
0x153: {  	[tilespmem:s17+$0x40] =	vst v5;
	s28 =	simm.s32 $0x180;
	v5 =	vadd.s32 s19, v1  }
0x154: {  	[tilespmem:s17+$0x50] =	vst v4;
	s29 =	simm.s32 $0x190;
	v4 =	vadd.s32 s28, v1  }
0x155: {  	s30 =	simm.s32 $0x1A0;
	[tilespmem:s17+$0x60] =	vst v3;
	v3 =	vadd.s32 s29, v1  }
0x156: {  	s31 =	simm.s32 $0x1B0;
	[tilespmem:s17+$0x70] =	vst v2;
	v2 =	vadd.s32 s30, v1  }
0x157: {  	s18 =	simm.s32 $0x1C0;
	v7 =	vadd.s32 s31, v1;
	v6 =	vld.idx.msk [tilespmem:v6+s2+$0x0], $0xffff  }
0x158: {  	v8 =	vadd.s32 s18, v1;
	s19 =	simm.s32 $0x1D0;
	v5 =	vld.idx.msk [tilespmem:v5+s2+$0x0], $0xffff  }
0x159: {  	s26 =	simm.s32 $0x60;
	v9 =	vadd.s32 s19, v1;
	v4 =	vld.idx.msk [tilespmem:v4+s2+$0x0], $0xffff  }
0x15a: {  	s20 =	simm.s32 $0x10;
	v47 =	vadd.s32 s26, v1;
	v3 =	vld.idx.msk [tilespmem:v3+s2+$0x0], $0xffff  }
0x15b: {  	s21 =	simm.s32 $0x20;
	v10 =	vadd.s32 s20, v1;
	v2 =	vld.idx.msk [tilespmem:v2+s2+$0x0], $0xffff  }
0x15c: {  	s22 =	simm.s32 $0x30;
	v11 =	vadd.s32 s21, v1;
	v7 =	vld.idx.msk [tilespmem:v7+s2+$0x0], $0xffff  }
0x15d: {  	s23 =	simm.s32 $0x0;
	v12 =	vadd.s32 s22, v1;
	v8 =	vld.idx.msk [tilespmem:v8+s2+$0x0], $0xffff  }
0x15e: {  	s24 =	simm.s32 $0x40;
	v13 =	vadd.s32 s23, v1;
	v9 =	vld.idx.msk [tilespmem:v9+s2+$0x0], $0xffff;
	[tilespmem:s16+$0x460] =	vst v5  }
0x15f: {  	s25 =	simm.s32 $0x50;
	v14 =	vadd.s32 s24, v1;
	v53 =	vld.idx.msk [tilespmem:v47+s2+$0x0], $0xffff;
	[tilespmem:s16+$0x400] =	vst v4  }
0x160: {  	v15 =	vadd.s32 s25, v1;
	s28 =	simm.s32 $0x70;
	v5 =	vld.idx.msk [tilespmem:v10+s2+$0x0], $0xffff;
	[tilespmem:s16+$0x410] =	vst v3  }
0x161: {  	s21 =	simm.s32 $0xE0;
	v48 =	vadd.s32 s28, v1;
	v4 =	vld.idx.msk [tilespmem:v11+s2+$0x0], $0xffff;
	[tilespmem:s16+$0x420] =	vst v2  }
0x162: {  	s22 =	simm.s32 $0xF0;
	v56 =	vadd.s32 s21, v1;
	v3 =	vld.idx.msk [tilespmem:v12+s2+$0x0], $0xffff;
	[tilespmem:s16+$0x430] =	vst v7  }
0x163: {  	s29 =	simm.s32 $0x80;
	v57 =	vadd.s32 s22, v1;
	v2 =	vld.idx.msk [tilespmem:v13+s2+$0x0], $0xffff;
	[tilespmem:s16+$0x440] =	vst v8  }
0x164: {  	s30 =	simm.s32 $0x90;
	v49 =	vadd.s32 s29, v1;
	v7 =	vld.idx.msk [tilespmem:v14+s2+$0x0], $0xffff;
	[tilespmem:s16+$0x470] =	vst v6  }
0x165: {  	s31 =	simm.s32 $0xA0;
	v50 =	vadd.s32 s30, v1;
	v8 =	vld.idx.msk [tilespmem:v15+s2+$0x0], $0xffff;
	[tilespmem:s16+$0x450] =	vst v9  }
0x166: {  	s18 =	simm.s32 $0xB0;
	v51 =	vadd.s32 s31, v1;
	v6 =	vld.idx.msk [tilespmem:v48+s2+$0x0], $0xffff;
	[tilespmem:s16+$0xFFFFF860] =	vst v53  }
0x167: {  	s19 =	simm.s32 $0xC0;
	v52 =	vadd.s32 s18, v1;
	v62 =	vld.idx.msk [tilespmem:v56+s2+$0x0], $0xffff;
	[tilespmem:s16+$0xFFFFF810] =	vst v5  }
0x168: {  	s20 =	simm.s32 $0xD0;
	v54 =	vadd.s32 s19, v1;
	v13 =	vld.idx.msk [tilespmem:v57+s2+$0x0], $0xffff;
	[tilespmem:s16+$0xFFFFF820] =	vst v4  }
0x169: {  	s23 =	simm.s32 $0x100;
	v55 =	vadd.s32 s20, v1;
	v5 =	vld.idx.msk [tilespmem:v49+s2+$0x0], $0xffff;
	[tilespmem:s16+$0xFFFFF800] =	vst v2  }
0x16a: {  	s24 =	simm.s32 $0x110;
	v58 =	vadd.s32 s23, v1;
	v4 =	vld.idx.msk [tilespmem:v50+s2+$0x0], $0xffff;
	[tilespmem:s16+$0xFFFFF830] =	vst v3  }
0x16b: {  	s25 =	simm.s32 $0x120;
	v59 =	vadd.s32 s24, v1;
	v2 =	vld.idx.msk [tilespmem:v51+s2+$0x0], $0xffff;
	[tilespmem:s16+$0xFFFFF840] =	vst v7  }
0x16c: {  	v60 =	vadd.s32 s25, v1;
	s26 =	simm.s32 $0x130;
	v3 =	vld.idx.msk [tilespmem:v52+s2+$0x0], $0xffff;
	[tilespmem:s16+$0xFFFFF850] =	vst v8  }
0x16d: {  	s28 =	simm.s32 $0x140;
	v61 =	vadd.s32 s26, v1;
	v7 =	vld.idx.msk [tilespmem:v54+s2+$0x0], $0xffff;
	[tilespmem:s16+$0xFFFFF870] =	vst v6  }
0x16e: {  	s29 =	simm.s32 $0x150;
	v63 =	vadd.s32 s28, v1;
	v8 =	vld.idx.msk [tilespmem:v55+s2+$0x0], $0xffff;
	[tilespmem:s16+$0xFFFFFC60] =	vst v62  }
0x16f: {  	s30 =	simm.s32 $0x160;
	v16 =	vadd.s32 s29, v1;
	v14 =	vld.idx.msk [tilespmem:v58+s2+$0x0], $0xffff;
	[tilespmem:s16+$0xFFFFFC70] =	vst v13  }
0x170: {  	s31 =	simm.s32 $0x170;
	v17 =	vadd.s32 s30, v1;
	v15 =	vld.idx.msk [tilespmem:v59+s2+$0x0], $0xffff;
	[tilespmem:s16+$0xFFFFFC00] =	vst v5  }
0x171: {  	v18 =	vadd.s32 s31, v1;
	v10 =	vld.idx.msk [tilespmem:v60+s2+$0x0], $0xffff;
	[tilespmem:s16+$0xFFFFFC10] =	vst v4  }
0x172: {  	v6 =	vld.idx.msk [tilespmem:v61+s2+$0x0], $0xffff;
	[tilespmem:s16+$0xFFFFFC20] =	vst v2  }
0x173: {  	[tilespmem:s16+$0xFFFFFC30] =	vst v3;
	v5 =	vld.idx.msk [tilespmem:v63+s2+$0x0], $0xffff  }
0x174: {  	[tilespmem:s16+$0xFFFFFC40] =	vst v7;
	v4 =	vld.idx.msk [tilespmem:v16+s2+$0x0], $0xffff  }
0x175: {  	[tilespmem:s16+$0xFFFFFC50] =	vst v8;
	v3 =	vld.idx.msk [tilespmem:v17+s2+$0x0], $0xffff  }
0x176: {  	v2 =	vld.idx.msk [tilespmem:v18+s2+$0x0], $0xffff;
	[tilespmem:s16+$0x0] =	vst v14  }
0x177: {  	[tilespmem:s16+$0x10] =	vst v15  }
0x178: {  	s17 =	simm.s32 $0x0;
	s18 =	simm.s32 $0x3F0;
	[tilespmem:s16+$0x20] =	vst v10  }
.LBB2_11:
0x179: {  	s19 =	sadd.s32 $0xFFFFFE20, s18;
	s20 =	sadd.s32 $0xFFFFFFF0, s18;
	v7 =	vadd.s32 s18, v1;
	s17 =	sadd.s32 $0x4, s17;
	[tilespmem:s16+$0x30] =	vst v6  }
0x17a: {  	s21 =	sadd.s32 $0xFFFFFF90, s18;
	v6 =	vadd.s32 s19, v1;
	s19 =	sadd.s32 $0xFFFFFE30, s18;
	v8 =	vadd.s32 s20, v1;
	p1 =	slt.u32 s17, $0xC;
	[tilespmem:s16+$0x40] =	vst v5  }
0x17b: {  	s20 =	sadd.s32 $0xFFFFFE50, s18;
	v9 =	vadd.s32 s21, v1;
	s21 =	sadd.s32 $0xFFFFFFA0, s18;
	v5 =	vadd.s32 s19, v1;
	s19 =	sadd.s32 $0xFFFFFE40, s18;
	[tilespmem:s16+$0x50] =	vst v4  }
0x17c: {  	v10 =	vadd.s32 s20, v1;
	s20 =	sadd.s32 $0xFFFFFE70, s18;
	v11 =	vadd.s32 s21, v1;
	s21 =	sadd.s32 $0xFFFFFFB0, s18;
	v4 =	vadd.s32 s19, v1;
	s19 =	sadd.s32 $0xFFFFFE60, s18;
	[tilespmem:s16+$0x60] =	vst v3  }
0x17d: {  	v12 =	vadd.s32 s20, v1;
	s20 =	sadd.s32 $0xFFFFFE90, s18;
	v13 =	vadd.s32 s21, v1;
	s21 =	sadd.s32 $0xFFFFFFC0, s18;
	v3 =	vadd.s32 s19, v1;
	s19 =	sadd.s32 $0xFFFFFE80, s18;
	[tilespmem:s16+$0x70] =	vst v2  }
0x17e: {  	v14 =	vadd.s32 s20, v1;
	s20 =	sadd.s32 $0xFFFFFEB0, s18;
	v15 =	vadd.s32 s21, v1;
	s21 =	sadd.s32 $0xFFFFFFD0, s18;
	v2 =	vadd.s32 s19, v1;
	s19 =	sadd.s32 $0xFFFFFEA0, s18;
	v7 =	vld.idx.msk [tilespmem:v7+s2+$0x0], $0xffff  }
0x17f: {  	v17 =	vadd.s32 s20, v1;
	s20 =	sadd.s32 $0xFFFFFED0, s18;
	v18 =	vadd.s32 s21, v1;
	s21 =	sadd.s32 $0xFFFFFFE0, s18;
	v16 =	vadd.s32 s19, v1;
	s19 =	sadd.s32 $0xFFFFFEC0, s18;
	v8 =	vld.idx.msk [tilespmem:v8+s2+$0x0], $0xffff  }
0x180: {  	s22 =	sadd.s32 $0xFFFFFF00, s18;
	v20 =	vadd.s32 s20, v1;
	s20 =	sadd.s32 $0xFFFFFEF0, s18;
	v21 =	vadd.s32 s21, v1;
	v19 =	vadd.s32 s19, v1;
	s19 =	sadd.s32 $0xFFFFFEE0, s18;
	v9 =	vld.idx.msk [tilespmem:v9+s2+$0x0], $0xffff  }
0x181: {  	v24 =	vadd.s32 s22, v1;
	s21 =	sadd.s32 $0xFFFFFF30, s18;
	v23 =	vadd.s32 s20, v1;
	s20 =	sadd.s32 $0xFFFFFF20, s18;
	v22 =	vadd.s32 s19, v1;
	s19 =	sadd.s32 $0xFFFFFF10, s18;
	v11 =	vld.idx.msk [tilespmem:v11+s2+$0x0], $0xffff  }
0x182: {  	v27 =	vadd.s32 s21, v1;
	s21 =	sadd.s32 $0xFFFFFF60, s18;
	v26 =	vadd.s32 s20, v1;
	s20 =	sadd.s32 $0xFFFFFF50, s18;
	v25 =	vadd.s32 s19, v1;
	s19 =	sadd.s32 $0xFFFFFF40, s18;
	v13 =	vld.idx.msk [tilespmem:v13+s2+$0x0], $0xffff  }
0x183: {  	s22 =	sadd.s32 $0xFFFFFE10, s18;
	v30 =	vadd.s32 s21, v1;
	v29 =	vadd.s32 s20, v1;
	s20 =	sadd.s32 $0xFFFFFF80, s18;
	v28 =	vadd.s32 s19, v1;
	s19 =	sadd.s32 $0xFFFFFF70, s18;
	v15 =	vld.idx.msk [tilespmem:v15+s2+$0x0], $0xffff  }
0x184: {  	v31 =	vadd.s32 s22, v1;
	s16 =	sadd.s32 $0x1000, s16;
	v33 =	vadd.s32 s20, v1;
	v32 =	vadd.s32 s19, v1;
	v18 =	vld.idx.msk [tilespmem:v18+s2+$0x0], $0xffff  }
0x185: {  	v21 =	vld.idx.msk [tilespmem:v21+s2+$0x0], $0xffff;
	[tilespmem:s16+$0x460] =	vst v8  }
0x186: {  	v6 =	vld.idx.msk [tilespmem:v6+s2+$0x0], $0xffff;
	[tilespmem:s16+$0x400] =	vst v9  }
0x187: {  	v5 =	vld.idx.msk [tilespmem:v5+s2+$0x0], $0xffff;
	[tilespmem:s16+$0x410] =	vst v11  }
0x188: {  	v4 =	vld.idx.msk [tilespmem:v4+s2+$0x0], $0xffff;
	[tilespmem:s16+$0x420] =	vst v13  }
0x189: {  	v8 =	vld.idx.msk [tilespmem:v31+s2+$0x0], $0xffff;
	[tilespmem:s16+$0x430] =	vst v15  }
0x18a: {  	v9 =	vld.idx.msk [tilespmem:v10+s2+$0x0], $0xffff;
	[tilespmem:s16+$0x440] =	vst v18  }
0x18b: {  	v3 =	vld.idx.msk [tilespmem:v3+s2+$0x0], $0xffff;
	[tilespmem:s16+$0x450] =	vst v21  }
0x18c: {  	v10 =	vld.idx.msk [tilespmem:v12+s2+$0x0], $0xffff;
	[tilespmem:s16+$0x470] =	vst v7  }
0x18d: {  	v2 =	vld.idx.msk [tilespmem:v2+s2+$0x0], $0xffff;
	[tilespmem:s16+$0xFFFFF810] =	vst v6  }
0x18e: {  	[tilespmem:s16+$0xFFFFF820] =	vst v5;
	v5 =	vld.idx.msk [tilespmem:v14+s2+$0x0], $0xffff  }
0x18f: {  	[tilespmem:s16+$0xFFFFF800] =	vst v8;
	v6 =	vld.idx.msk [tilespmem:v16+s2+$0x0], $0xffff  }
0x190: {  	[tilespmem:s16+$0xFFFFF830] =	vst v4;
	v4 =	vld.idx.msk [tilespmem:v17+s2+$0x0], $0xffff  }
0x191: {  	[tilespmem:s16+$0xFFFFF840] =	vst v9;
	v7 =	vld.idx.msk [tilespmem:v19+s2+$0x0], $0xffff  }
0x192: {  	[tilespmem:s16+$0xFFFFF850] =	vst v3;
	v3 =	vld.idx.msk [tilespmem:v20+s2+$0x0], $0xffff  }
0x193: {  	[tilespmem:s16+$0xFFFFF860] =	vst v10;
	v8 =	vld.idx.msk [tilespmem:v22+s2+$0x0], $0xffff  }
0x194: {  	[tilespmem:s16+$0xFFFFF870] =	vst v2;
	v2 =	vld.idx.msk [tilespmem:v23+s2+$0x0], $0xffff  }
0x195: {  	v9 =	vld.idx.msk [tilespmem:v24+s2+$0x0], $0xffff;
	[tilespmem:s16+$0xFFFFFC00] =	vst v5  }
0x196: {  	[tilespmem:s16+$0xFFFFFC10] =	vst v6;
	v10 =	vld.idx.msk [tilespmem:v25+s2+$0x0], $0xffff  }
0x197: {  	[tilespmem:s16+$0xFFFFFC20] =	vst v4;
	v11 =	vld.idx.msk [tilespmem:v26+s2+$0x0], $0xffff  }
0x198: {  	[tilespmem:s16+$0xFFFFFC30] =	vst v7;
	v7 =	vld.idx.msk [tilespmem:v27+s2+$0x0], $0xffff  }
0x199: {  	[tilespmem:s16+$0xFFFFFC40] =	vst v3;
	v6 =	vld.idx.msk [tilespmem:v28+s2+$0x0], $0xffff  }
0x19a: {  	[tilespmem:s16+$0xFFFFFC50] =	vst v8;
	v5 =	vld.idx.msk [tilespmem:v29+s2+$0x0], $0xffff  }
.Ltmp4:
0x19b: {  	[tilespmem:s16+$0xFFFFFC60] =	vst v2;
	v4 =	vld.idx.msk [tilespmem:v30+s2+$0x0], $0xffff;
	(pc) =	sbr.rel @p1 .LBB2_11-.Ltmp4, $4  }
0x19c: {  	[tilespmem:s16+$0xFFFFFC70] =	vst v9;
	v3 =	vld.idx.msk [tilespmem:v32+s2+$0x0], $0xffff  }
0x19d: {  	v2 =	vld.idx.msk [tilespmem:v33+s2+$0x0], $0xffff;
	[tilespmem:s16+$0x0] =	vst v10  }
0x19e: {  	[tilespmem:s16+$0x10] =	vst v11  }
0x19f: {  	s18 =	sadd.s32 $0x200, s18;
	[tilespmem:s16+$0x20] =	vst v7  }
0x1a0: {  	s17 =	ssub.s32 $0x7FA, s11  }
0x1a1: {  	s28 =	simm.s32 $0x1F0;
	v1 =	vadd.s32 s17, v0  }
0x1a2: {  	[tilespmem:s16+$0x30] =	vst v6;
	s18 =	simm.s32 $0x1E0;
	v6 =	vadd.s32 s28, v1  }
0x1a3: {  	[tilespmem:s16+$0x40] =	vst v5;
	s29 =	simm.s32 $0x180;
	v5 =	vadd.s32 s18, v1  }
0x1a4: {  	[tilespmem:s16+$0x50] =	vst v4;
	s30 =	simm.s32 $0x190;
	v4 =	vadd.s32 s29, v1  }
0x1a5: {  	s31 =	simm.s32 $0x1A0;
	[tilespmem:s16+$0x60] =	vst v3;
	v3 =	vadd.s32 s30, v1  }
0x1a6: {  	s17 =	simm.s32 $0x1B0;
	[tilespmem:s16+$0x70] =	vst v2;
	v2 =	vadd.s32 s31, v1  }
0x1a7: {  	s19 =	simm.s32 $0x1D0;
	v7 =	vadd.s32 s17, v1;
	v6 =	vld.idx.msk [tilespmem:v6+s2+$0x0], $0xffff  }
0x1a8: {  	s26 =	simm.s32 $0x60;
	v9 =	vadd.s32 s19, v1;
	v5 =	vld.idx.msk [tilespmem:v5+s2+$0x0], $0xffff  }
0x1a9: {  	s21 =	simm.s32 $0x20;
	s18 =	simm.s32 $0x1C0;
	v47 =	vadd.s32 s26, v1;
	v4 =	vld.idx.msk [tilespmem:v4+s2+$0x0], $0xffff  }
0x1aa: {  	v11 =	vadd.s32 s21, v1;
	s21 =	simm.s32 $0xE0;
	v8 =	vadd.s32 s18, v1;
	v3 =	vld.idx.msk [tilespmem:v3+s2+$0x0], $0xffff  }
0x1ab: {  	s20 =	simm.s32 $0x10;
	v56 =	vadd.s32 s21, v1;
	v2 =	vld.idx.msk [tilespmem:v2+s2+$0x0], $0xffff  }
0x1ac: {  	v10 =	vadd.s32 s20, v1;
	v7 =	vld.idx.msk [tilespmem:v7+s2+$0x0], $0xffff  }
0x1ad: {  	s22 =	simm.s32 $0x30;
	v9 =	vld.idx.msk [tilespmem:v9+s2+$0x0], $0xffff  }
0x1ae: {  	s23 =	simm.s32 $0x0;
	v12 =	vadd.s32 s22, v1;
	v53 =	vld.idx.msk [tilespmem:v47+s2+$0x0], $0xffff  }
0x1af: {  	s24 =	simm.s32 $0x40;
	v13 =	vadd.s32 s23, v1;
	v8 =	vld.idx.msk [tilespmem:v8+s2+$0x0], $0xffff;
	[tilespmem:s15+$0x460] =	vst v5  }
0x1b0: {  	v14 =	vadd.s32 s24, v1;
	s28 =	simm.s32 $0x70;
	v62 =	vld.idx.msk [tilespmem:v56+s2+$0x0], $0xffff;
	[tilespmem:s15+$0x400] =	vst v4  }
0x1b1: {  	s25 =	simm.s32 $0x50;
	v48 =	vadd.s32 s28, v1;
	v5 =	vld.idx.msk [tilespmem:v10+s2+$0x0], $0xffff;
	[tilespmem:s15+$0x410] =	vst v3  }
0x1b2: {  	v15 =	vadd.s32 s25, v1;
	s22 =	simm.s32 $0xF0;
	v4 =	vld.idx.msk [tilespmem:v11+s2+$0x0], $0xffff;
	[tilespmem:s15+$0x420] =	vst v2  }
0x1b3: {  	s23 =	simm.s32 $0x100;
	v57 =	vadd.s32 s22, v1;
	v3 =	vld.idx.msk [tilespmem:v12+s2+$0x0], $0xffff;
	[tilespmem:s15+$0x430] =	vst v7  }
0x1b4: {  	s29 =	simm.s32 $0x80;
	v58 =	vadd.s32 s23, v1;
	v2 =	vld.idx.msk [tilespmem:v13+s2+$0x0], $0xffff;
	[tilespmem:s15+$0x450] =	vst v9  }
0x1b5: {  	s30 =	simm.s32 $0x90;
	v49 =	vadd.s32 s29, v1;
	v7 =	vld.idx.msk [tilespmem:v14+s2+$0x0], $0xffff;
	[tilespmem:s15+$0x470] =	vst v6  }
0x1b6: {  	s31 =	simm.s32 $0xA0;
	v50 =	vadd.s32 s30, v1;
	v6 =	vld.idx.msk [tilespmem:v48+s2+$0x0], $0xffff;
	[tilespmem:s15+$0x440] =	vst v8  }
0x1b7: {  	v51 =	vadd.s32 s31, v1;
	s18 =	simm.s32 $0xB0;
	v8 =	vld.idx.msk [tilespmem:v15+s2+$0x0], $0xffff;
	[tilespmem:s15+$0xFFFFF860] =	vst v53  }
0x1b8: {  	s19 =	simm.s32 $0xC0;
	v52 =	vadd.s32 s18, v1;
	v13 =	vld.idx.msk [tilespmem:v57+s2+$0x0], $0xffff;
	[tilespmem:s15+$0xFFFFF810] =	vst v5  }
0x1b9: {  	s20 =	simm.s32 $0xD0;
	v54 =	vadd.s32 s19, v1;
	v14 =	vld.idx.msk [tilespmem:v58+s2+$0x0], $0xffff;
	[tilespmem:s15+$0xFFFFF820] =	vst v4  }
0x1ba: {  	s25 =	simm.s32 $0x120;
	v55 =	vadd.s32 s20, v1;
	v5 =	vld.idx.msk [tilespmem:v49+s2+$0x0], $0xffff;
	[tilespmem:s15+$0xFFFFF800] =	vst v2  }
0x1bb: {  	s24 =	simm.s32 $0x110;
	v60 =	vadd.s32 s25, v1;
	v4 =	vld.idx.msk [tilespmem:v50+s2+$0x0], $0xffff;
	[tilespmem:s15+$0xFFFFF830] =	vst v3  }
0x1bc: {  	s26 =	simm.s32 $0x130;
	v59 =	vadd.s32 s24, v1;
	v2 =	vld.idx.msk [tilespmem:v51+s2+$0x0], $0xffff;
	[tilespmem:s15+$0xFFFFF840] =	vst v7  }
0x1bd: {  	s28 =	simm.s32 $0x140;
	v61 =	vadd.s32 s26, v1;
	v3 =	vld.idx.msk [tilespmem:v52+s2+$0x0], $0xffff;
	[tilespmem:s15+$0xFFFFF870] =	vst v6  }
0x1be: {  	s29 =	simm.s32 $0x150;
	v63 =	vadd.s32 s28, v1;
	v7 =	vld.idx.msk [tilespmem:v54+s2+$0x0], $0xffff;
	[tilespmem:s15+$0xFFFFF850] =	vst v8  }
0x1bf: {  	s30 =	simm.s32 $0x160;
	v16 =	vadd.s32 s29, v1;
	v8 =	vld.idx.msk [tilespmem:v55+s2+$0x0], $0xffff;
	[tilespmem:s15+$0xFFFFFC60] =	vst v62  }
0x1c0: {  	s31 =	simm.s32 $0x170;
	v17 =	vadd.s32 s30, v1;
	v10 =	vld.idx.msk [tilespmem:v60+s2+$0x0], $0xffff;
	[tilespmem:s15+$0xFFFFFC70] =	vst v13  }
0x1c1: {  	v18 =	vadd.s32 s31, v1;
	v15 =	vld.idx.msk [tilespmem:v59+s2+$0x0], $0xffff;
	[tilespmem:s15+$0xFFFFFC00] =	vst v5  }
0x1c2: {  	v6 =	vld.idx.msk [tilespmem:v61+s2+$0x0], $0xffff;
	[tilespmem:s15+$0xFFFFFC10] =	vst v4  }
0x1c3: {  	[tilespmem:s15+$0xFFFFFC20] =	vst v2;
	v5 =	vld.idx.msk [tilespmem:v63+s2+$0x0], $0xffff  }
0x1c4: {  	[tilespmem:s15+$0xFFFFFC30] =	vst v3;
	v4 =	vld.idx.msk [tilespmem:v16+s2+$0x0], $0xffff  }
0x1c5: {  	[tilespmem:s15+$0xFFFFFC40] =	vst v7;
	v3 =	vld.idx.msk [tilespmem:v17+s2+$0x0], $0xffff  }
0x1c6: {  	v2 =	vld.idx.msk [tilespmem:v18+s2+$0x0], $0xffff;
	[tilespmem:s15+$0x0] =	vst v14  }
0x1c7: {  	[tilespmem:s15+$0x10] =	vst v15  }
0x1c8: {  	[tilespmem:s15+$0x20] =	vst v10  }
0x1c9: {  	s16 =	simm.s32 $0x0;
	s17 =	simm.s32 $0x3F0;
	[tilespmem:s15+$0xFFFFFC50] =	vst v8  }
.LBB2_13:
0x1ca: {  	s18 =	sadd.s32 $0xFFFFFE20, s17;
	s19 =	sadd.s32 $0xFFFFFFF0, s17;
	v7 =	vadd.s32 s17, v1;
	s16 =	sadd.s32 $0x4, s16;
	[tilespmem:s15+$0x30] =	vst v6  }
0x1cb: {  	s20 =	sadd.s32 $0xFFFFFF90, s17;
	v6 =	vadd.s32 s18, v1;
	s18 =	sadd.s32 $0xFFFFFE30, s17;
	v8 =	vadd.s32 s19, v1;
	p1 =	slt.u32 s16, $0xC;
	[tilespmem:s15+$0x40] =	vst v5  }
0x1cc: {  	s19 =	sadd.s32 $0xFFFFFE50, s17;
	v9 =	vadd.s32 s20, v1;
	s20 =	sadd.s32 $0xFFFFFFA0, s17;
	v5 =	vadd.s32 s18, v1;
	s18 =	sadd.s32 $0xFFFFFE40, s17;
	[tilespmem:s15+$0x50] =	vst v4  }
0x1cd: {  	v10 =	vadd.s32 s19, v1;
	s19 =	sadd.s32 $0xFFFFFE70, s17;
	v11 =	vadd.s32 s20, v1;
	s20 =	sadd.s32 $0xFFFFFFB0, s17;
	v4 =	vadd.s32 s18, v1;
	s18 =	sadd.s32 $0xFFFFFE60, s17;
	[tilespmem:s15+$0x60] =	vst v3  }
0x1ce: {  	v12 =	vadd.s32 s19, v1;
	s19 =	sadd.s32 $0xFFFFFE90, s17;
	v13 =	vadd.s32 s20, v1;
	s20 =	sadd.s32 $0xFFFFFFC0, s17;
	v3 =	vadd.s32 s18, v1;
	s18 =	sadd.s32 $0xFFFFFE80, s17;
	[tilespmem:s15+$0x70] =	vst v2  }
0x1cf: {  	v14 =	vadd.s32 s19, v1;
	s19 =	sadd.s32 $0xFFFFFEB0, s17;
	v15 =	vadd.s32 s20, v1;
	s20 =	sadd.s32 $0xFFFFFFD0, s17;
	v2 =	vadd.s32 s18, v1;
	s18 =	sadd.s32 $0xFFFFFEA0, s17;
	v7 =	vld.idx.msk [tilespmem:v7+s2+$0x0], $0xffff  }
0x1d0: {  	v17 =	vadd.s32 s19, v1;
	s19 =	sadd.s32 $0xFFFFFED0, s17;
	v18 =	vadd.s32 s20, v1;
	s20 =	sadd.s32 $0xFFFFFFE0, s17;
	v16 =	vadd.s32 s18, v1;
	s18 =	sadd.s32 $0xFFFFFEC0, s17;
	v8 =	vld.idx.msk [tilespmem:v8+s2+$0x0], $0xffff  }
0x1d1: {  	s21 =	sadd.s32 $0xFFFFFF00, s17;
	v20 =	vadd.s32 s19, v1;
	s19 =	sadd.s32 $0xFFFFFEF0, s17;
	v21 =	vadd.s32 s20, v1;
	v19 =	vadd.s32 s18, v1;
	s18 =	sadd.s32 $0xFFFFFEE0, s17;
	v9 =	vld.idx.msk [tilespmem:v9+s2+$0x0], $0xffff  }
0x1d2: {  	v24 =	vadd.s32 s21, v1;
	s20 =	sadd.s32 $0xFFFFFF30, s17;
	v23 =	vadd.s32 s19, v1;
	s19 =	sadd.s32 $0xFFFFFF20, s17;
	v22 =	vadd.s32 s18, v1;
	s18 =	sadd.s32 $0xFFFFFF10, s17;
	v11 =	vld.idx.msk [tilespmem:v11+s2+$0x0], $0xffff  }
0x1d3: {  	v27 =	vadd.s32 s20, v1;
	s20 =	sadd.s32 $0xFFFFFF60, s17;
	v26 =	vadd.s32 s19, v1;
	s19 =	sadd.s32 $0xFFFFFF50, s17;
	v25 =	vadd.s32 s18, v1;
	s18 =	sadd.s32 $0xFFFFFF40, s17;
	v13 =	vld.idx.msk [tilespmem:v13+s2+$0x0], $0xffff  }
0x1d4: {  	s21 =	sadd.s32 $0xFFFFFE10, s17;
	v30 =	vadd.s32 s20, v1;
	v29 =	vadd.s32 s19, v1;
	s19 =	sadd.s32 $0xFFFFFF80, s17;
	v28 =	vadd.s32 s18, v1;
	s18 =	sadd.s32 $0xFFFFFF70, s17;
	v15 =	vld.idx.msk [tilespmem:v15+s2+$0x0], $0xffff  }
0x1d5: {  	v31 =	vadd.s32 s21, v1;
	s15 =	sadd.s32 $0x1000, s15;
	v33 =	vadd.s32 s19, v1;
	v32 =	vadd.s32 s18, v1;
	v18 =	vld.idx.msk [tilespmem:v18+s2+$0x0], $0xffff  }
0x1d6: {  	v21 =	vld.idx.msk [tilespmem:v21+s2+$0x0], $0xffff;
	[tilespmem:s15+$0x460] =	vst v8  }
0x1d7: {  	v6 =	vld.idx.msk [tilespmem:v6+s2+$0x0], $0xffff;
	[tilespmem:s15+$0x400] =	vst v9  }
0x1d8: {  	v5 =	vld.idx.msk [tilespmem:v5+s2+$0x0], $0xffff;
	[tilespmem:s15+$0x410] =	vst v11  }
0x1d9: {  	v4 =	vld.idx.msk [tilespmem:v4+s2+$0x0], $0xffff;
	[tilespmem:s15+$0x420] =	vst v13  }
0x1da: {  	v8 =	vld.idx.msk [tilespmem:v31+s2+$0x0], $0xffff;
	[tilespmem:s15+$0x430] =	vst v15  }
0x1db: {  	v9 =	vld.idx.msk [tilespmem:v10+s2+$0x0], $0xffff;
	[tilespmem:s15+$0x440] =	vst v18  }
0x1dc: {  	v3 =	vld.idx.msk [tilespmem:v3+s2+$0x0], $0xffff;
	[tilespmem:s15+$0x450] =	vst v21  }
0x1dd: {  	v10 =	vld.idx.msk [tilespmem:v12+s2+$0x0], $0xffff;
	[tilespmem:s15+$0x470] =	vst v7  }
0x1de: {  	v2 =	vld.idx.msk [tilespmem:v2+s2+$0x0], $0xffff;
	[tilespmem:s15+$0xFFFFF810] =	vst v6  }
0x1df: {  	[tilespmem:s15+$0xFFFFF820] =	vst v5;
	v5 =	vld.idx.msk [tilespmem:v14+s2+$0x0], $0xffff  }
0x1e0: {  	[tilespmem:s15+$0xFFFFF800] =	vst v8;
	v6 =	vld.idx.msk [tilespmem:v16+s2+$0x0], $0xffff  }
0x1e1: {  	[tilespmem:s15+$0xFFFFF830] =	vst v4;
	v4 =	vld.idx.msk [tilespmem:v17+s2+$0x0], $0xffff  }
0x1e2: {  	[tilespmem:s15+$0xFFFFF840] =	vst v9;
	v7 =	vld.idx.msk [tilespmem:v19+s2+$0x0], $0xffff  }
0x1e3: {  	[tilespmem:s15+$0xFFFFF850] =	vst v3;
	v3 =	vld.idx.msk [tilespmem:v20+s2+$0x0], $0xffff  }
0x1e4: {  	[tilespmem:s15+$0xFFFFF860] =	vst v10;
	v8 =	vld.idx.msk [tilespmem:v22+s2+$0x0], $0xffff  }
0x1e5: {  	[tilespmem:s15+$0xFFFFF870] =	vst v2;
	v2 =	vld.idx.msk [tilespmem:v23+s2+$0x0], $0xffff  }
0x1e6: {  	v9 =	vld.idx.msk [tilespmem:v24+s2+$0x0], $0xffff;
	[tilespmem:s15+$0xFFFFFC00] =	vst v5  }
0x1e7: {  	[tilespmem:s15+$0xFFFFFC10] =	vst v6;
	v10 =	vld.idx.msk [tilespmem:v25+s2+$0x0], $0xffff  }
0x1e8: {  	[tilespmem:s15+$0xFFFFFC20] =	vst v4;
	v11 =	vld.idx.msk [tilespmem:v26+s2+$0x0], $0xffff  }
0x1e9: {  	[tilespmem:s15+$0xFFFFFC30] =	vst v7;
	v7 =	vld.idx.msk [tilespmem:v27+s2+$0x0], $0xffff  }
0x1ea: {  	[tilespmem:s15+$0xFFFFFC40] =	vst v3;
	v6 =	vld.idx.msk [tilespmem:v28+s2+$0x0], $0xffff  }
0x1eb: {  	[tilespmem:s15+$0xFFFFFC50] =	vst v8;
	v5 =	vld.idx.msk [tilespmem:v29+s2+$0x0], $0xffff  }
.Ltmp5:
0x1ec: {  	[tilespmem:s15+$0xFFFFFC60] =	vst v2;
	v4 =	vld.idx.msk [tilespmem:v30+s2+$0x0], $0xffff;
	(pc) =	sbr.rel @p1 .LBB2_13-.Ltmp5, $4  }
0x1ed: {  	[tilespmem:s15+$0xFFFFFC70] =	vst v9;
	v3 =	vld.idx.msk [tilespmem:v32+s2+$0x0], $0xffff  }
0x1ee: {  	v2 =	vld.idx.msk [tilespmem:v33+s2+$0x0], $0xffff;
	[tilespmem:s15+$0x0] =	vst v10  }
0x1ef: {  	[tilespmem:s15+$0x10] =	vst v11  }
0x1f0: {  	s17 =	sadd.s32 $0x200, s17;
	[tilespmem:s15+$0x20] =	vst v7  }
0x1f1: {  	s16 =	ssub.s32 $0x7F9, s11  }
0x1f2: {  	s30 =	simm.s32 $0x1F0;
	v1 =	vadd.s32 s16, v0  }
0x1f3: {  	[tilespmem:s15+$0x30] =	vst v6;
	s17 =	simm.s32 $0x1E0;
	v6 =	vadd.s32 s30, v1  }
0x1f4: {  	[tilespmem:s15+$0x40] =	vst v5;
	s31 =	simm.s32 $0x180;
	v5 =	vadd.s32 s17, v1  }
0x1f5: {  	[tilespmem:s15+$0x50] =	vst v4;
	s18 =	simm.s32 $0x1A0;
	v4 =	vadd.s32 s31, v1  }
0x1f6: {  	s19 =	simm.s32 $0x1B0;
	[tilespmem:s15+$0x70] =	vst v2;
	v2 =	vadd.s32 s18, v1  }
0x1f7: {  	s20 =	simm.s32 $0x1C0;
	[tilespmem:s15+$0x60] =	vst v3;
	v7 =	vadd.s32 s19, v1  }
0x1f8: {  	s21 =	simm.s32 $0x1D0;
	v8 =	vadd.s32 s20, v1;
	v6 =	vld.idx.msk [tilespmem:v6+s2+$0x0], $0xffff  }
0x1f9: {  	s17 =	simm.s32 $0x190;
	v9 =	vadd.s32 s21, v1;
	v5 =	vld.idx.msk [tilespmem:v5+s2+$0x0], $0xffff  }
0x1fa: {  	s29 =	simm.s32 $0x60;
	v3 =	vadd.s32 s17, v1;
	v4 =	vld.idx.msk [tilespmem:v4+s2+$0x0], $0xffff  }
0x1fb: {  	s22 =	simm.s32 $0x10;
	v47 =	vadd.s32 s29, v1;
	v2 =	vld.idx.msk [tilespmem:v2+s2+$0x0], $0xffff  }
0x1fc: {  	s23 =	simm.s32 $0x20;
	v10 =	vadd.s32 s22, v1;
	v7 =	vld.idx.msk [tilespmem:v7+s2+$0x0], $0xffff  }
0x1fd: {  	s25 =	simm.s32 $0x0;
	v11 =	vadd.s32 s23, v1;
	v8 =	vld.idx.msk [tilespmem:v8+s2+$0x0], $0xffff  }
0x1fe: {  	s26 =	simm.s32 $0x40;
	v13 =	vadd.s32 s25, v1;
	v9 =	vld.idx.msk [tilespmem:v9+s2+$0x0], $0xffff  }
0x1ff: {  	s28 =	simm.s32 $0x50;
	v14 =	vadd.s32 s26, v1;
	v3 =	vld.idx.msk [tilespmem:v3+s2+$0x0], $0xffff;
	[tilespmem:s14+$0x460] =	vst v5  }
0x200: {  	v15 =	vadd.s32 s28, v1;
	s30 =	simm.s32 $0x70;
	v53 =	vld.idx.msk [tilespmem:v47+s2+$0x0], $0xffff;
	[tilespmem:s14+$0x400] =	vst v4  }
0x201: {  	s24 =	simm.s32 $0x30;
	v48 =	vadd.s32 s30, v1;
	v5 =	vld.idx.msk [tilespmem:v10+s2+$0x0], $0xffff;
	[tilespmem:s14+$0x420] =	vst v2  }
0x202: {  	v12 =	vadd.s32 s24, v1;
	s21 =	simm.s32 $0xE0;
	v4 =	vld.idx.msk [tilespmem:v11+s2+$0x0], $0xffff;
	[tilespmem:s14+$0x430] =	vst v7  }
0x203: {  	s22 =	simm.s32 $0xF0;
	v56 =	vadd.s32 s21, v1;
	v2 =	vld.idx.msk [tilespmem:v13+s2+$0x0], $0xffff;
	[tilespmem:s14+$0x440] =	vst v8  }
0x204: {  	s31 =	simm.s32 $0x80;
	v57 =	vadd.s32 s22, v1;
	v7 =	vld.idx.msk [tilespmem:v14+s2+$0x0], $0xffff;
	[tilespmem:s14+$0x450] =	vst v9  }
0x205: {  	s16 =	simm.s32 $0x90;
	v49 =	vadd.s32 s31, v1;
	v8 =	vld.idx.msk [tilespmem:v15+s2+$0x0], $0xffff;
	[tilespmem:s14+$0x470] =	vst v6  }
0x206: {  	v50 =	vadd.s32 s16, v1;
	s17 =	simm.s32 $0xA0;
	v6 =	vld.idx.msk [tilespmem:v48+s2+$0x0], $0xffff;
	[tilespmem:s14+$0x410] =	vst v3  }
0x207: {  	s19 =	simm.s32 $0xC0;
	v51 =	vadd.s32 s17, v1;
	v3 =	vld.idx.msk [tilespmem:v12+s2+$0x0], $0xffff;
	[tilespmem:s14+$0xFFFFF860] =	vst v53  }
0x208: {  	s20 =	simm.s32 $0xD0;
	v54 =	vadd.s32 s19, v1;
	v62 =	vld.idx.msk [tilespmem:v56+s2+$0x0], $0xffff;
	[tilespmem:s14+$0xFFFFF810] =	vst v5  }
0x209: {  	s18 =	simm.s32 $0xB0;
	v55 =	vadd.s32 s20, v1;
	v13 =	vld.idx.msk [tilespmem:v57+s2+$0x0], $0xffff;
	[tilespmem:s14+$0xFFFFF820] =	vst v4  }
0x20a: {  	s23 =	simm.s32 $0x100;
	v52 =	vadd.s32 s18, v1;
	v5 =	vld.idx.msk [tilespmem:v49+s2+$0x0], $0xffff;
	[tilespmem:s14+$0xFFFFF800] =	vst v2  }
0x20b: {  	s24 =	simm.s32 $0x110;
	v58 =	vadd.s32 s23, v1;
	v4 =	vld.idx.msk [tilespmem:v50+s2+$0x0], $0xffff;
	[tilespmem:s14+$0xFFFFF840] =	vst v7  }
0x20c: {  	s25 =	simm.s32 $0x120;
	v59 =	vadd.s32 s24, v1;
	v2 =	vld.idx.msk [tilespmem:v51+s2+$0x0], $0xffff;
	[tilespmem:s14+$0xFFFFF850] =	vst v8  }
0x20d: {  	s26 =	simm.s32 $0x130;
	v60 =	vadd.s32 s25, v1;
	v7 =	vld.idx.msk [tilespmem:v54+s2+$0x0], $0xffff;
	[tilespmem:s14+$0xFFFFF870] =	vst v6  }
0x20e: {  	s28 =	simm.s32 $0x140;
	v61 =	vadd.s32 s26, v1;
	v8 =	vld.idx.msk [tilespmem:v55+s2+$0x0], $0xffff;
	[tilespmem:s14+$0xFFFFF830] =	vst v3  }
0x20f: {  	s29 =	simm.s32 $0x150;
	v63 =	vadd.s32 s28, v1;
	v3 =	vld.idx.msk [tilespmem:v52+s2+$0x0], $0xffff;
	[tilespmem:s14+$0xFFFFFC60] =	vst v62  }
0x210: {  	v16 =	vadd.s32 s29, v1;
	s31 =	simm.s32 $0x170;
	v14 =	vld.idx.msk [tilespmem:v58+s2+$0x0], $0xffff;
	[tilespmem:s14+$0xFFFFFC70] =	vst v13  }
0x211: {  	s30 =	simm.s32 $0x160;
	v18 =	vadd.s32 s31, v1;
	v15 =	vld.idx.msk [tilespmem:v59+s2+$0x0], $0xffff;
	[tilespmem:s14+$0xFFFFFC00] =	vst v5  }
0x212: {  	v17 =	vadd.s32 s30, v1;
	v10 =	vld.idx.msk [tilespmem:v60+s2+$0x0], $0xffff;
	[tilespmem:s14+$0xFFFFFC10] =	vst v4  }
0x213: {  	v6 =	vld.idx.msk [tilespmem:v61+s2+$0x0], $0xffff;
	[tilespmem:s14+$0xFFFFFC20] =	vst v2  }
0x214: {  	[tilespmem:s14+$0xFFFFFC40] =	vst v7;
	v5 =	vld.idx.msk [tilespmem:v63+s2+$0x0], $0xffff  }
0x215: {  	[tilespmem:s14+$0xFFFFFC50] =	vst v8;
	v4 =	vld.idx.msk [tilespmem:v16+s2+$0x0], $0xffff  }
0x216: {  	v2 =	vld.idx.msk [tilespmem:v18+s2+$0x0], $0xffff;
	[tilespmem:s14+$0xFFFFFC30] =	vst v3  }
0x217: {  	v3 =	vld.idx.msk [tilespmem:v17+s2+$0x0], $0xffff;
	[tilespmem:s14+$0x0] =	vst v14  }
0x218: {  	[tilespmem:s14+$0x10] =	vst v15  }
0x219: {  	s15 =	simm.s32 $0x0;
	s16 =	simm.s32 $0x3F0;
	[tilespmem:s14+$0x20] =	vst v10  }
.LBB2_15:
0x21a: {  	s17 =	sadd.s32 $0xFFFFFE20, s16;
	s18 =	sadd.s32 $0xFFFFFFF0, s16;
	v7 =	vadd.s32 s16, v1;
	s15 =	sadd.s32 $0x4, s15;
	[tilespmem:s14+$0x30] =	vst v6  }
0x21b: {  	s19 =	sadd.s32 $0xFFFFFF90, s16;
	v6 =	vadd.s32 s17, v1;
	s17 =	sadd.s32 $0xFFFFFE30, s16;
	v8 =	vadd.s32 s18, v1;
	p1 =	slt.u32 s15, $0xC;
	[tilespmem:s14+$0x40] =	vst v5  }
0x21c: {  	s18 =	sadd.s32 $0xFFFFFE50, s16;
	v9 =	vadd.s32 s19, v1;
	s19 =	sadd.s32 $0xFFFFFFA0, s16;
	v5 =	vadd.s32 s17, v1;
	s17 =	sadd.s32 $0xFFFFFE40, s16;
	[tilespmem:s14+$0x50] =	vst v4  }
0x21d: {  	v10 =	vadd.s32 s18, v1;
	s18 =	sadd.s32 $0xFFFFFE70, s16;
	v11 =	vadd.s32 s19, v1;
	s19 =	sadd.s32 $0xFFFFFFB0, s16;
	v4 =	vadd.s32 s17, v1;
	s17 =	sadd.s32 $0xFFFFFE60, s16;
	[tilespmem:s14+$0x60] =	vst v3  }
0x21e: {  	v12 =	vadd.s32 s18, v1;
	s18 =	sadd.s32 $0xFFFFFE90, s16;
	v13 =	vadd.s32 s19, v1;
	s19 =	sadd.s32 $0xFFFFFFC0, s16;
	v3 =	vadd.s32 s17, v1;
	s17 =	sadd.s32 $0xFFFFFE80, s16;
	[tilespmem:s14+$0x70] =	vst v2  }
0x21f: {  	v14 =	vadd.s32 s18, v1;
	s18 =	sadd.s32 $0xFFFFFEB0, s16;
	v15 =	vadd.s32 s19, v1;
	s19 =	sadd.s32 $0xFFFFFFD0, s16;
	v2 =	vadd.s32 s17, v1;
	s17 =	sadd.s32 $0xFFFFFEA0, s16;
	v7 =	vld.idx.msk [tilespmem:v7+s2+$0x0], $0xffff  }
0x220: {  	v17 =	vadd.s32 s18, v1;
	s18 =	sadd.s32 $0xFFFFFED0, s16;
	v18 =	vadd.s32 s19, v1;
	s19 =	sadd.s32 $0xFFFFFFE0, s16;
	v16 =	vadd.s32 s17, v1;
	s17 =	sadd.s32 $0xFFFFFEC0, s16;
	v8 =	vld.idx.msk [tilespmem:v8+s2+$0x0], $0xffff  }
0x221: {  	s20 =	sadd.s32 $0xFFFFFF00, s16;
	v20 =	vadd.s32 s18, v1;
	s18 =	sadd.s32 $0xFFFFFEF0, s16;
	v21 =	vadd.s32 s19, v1;
	v19 =	vadd.s32 s17, v1;
	s17 =	sadd.s32 $0xFFFFFEE0, s16;
	v9 =	vld.idx.msk [tilespmem:v9+s2+$0x0], $0xffff  }
0x222: {  	v24 =	vadd.s32 s20, v1;
	s19 =	sadd.s32 $0xFFFFFF30, s16;
	v23 =	vadd.s32 s18, v1;
	s18 =	sadd.s32 $0xFFFFFF20, s16;
	v22 =	vadd.s32 s17, v1;
	s17 =	sadd.s32 $0xFFFFFF10, s16;
	v11 =	vld.idx.msk [tilespmem:v11+s2+$0x0], $0xffff  }
0x223: {  	v27 =	vadd.s32 s19, v1;
	s19 =	sadd.s32 $0xFFFFFF60, s16;
	v26 =	vadd.s32 s18, v1;
	s18 =	sadd.s32 $0xFFFFFF50, s16;
	v25 =	vadd.s32 s17, v1;
	s17 =	sadd.s32 $0xFFFFFF40, s16;
	v13 =	vld.idx.msk [tilespmem:v13+s2+$0x0], $0xffff  }
0x224: {  	s20 =	sadd.s32 $0xFFFFFE10, s16;
	v30 =	vadd.s32 s19, v1;
	v29 =	vadd.s32 s18, v1;
	s18 =	sadd.s32 $0xFFFFFF80, s16;
	v28 =	vadd.s32 s17, v1;
	s17 =	sadd.s32 $0xFFFFFF70, s16;
	v15 =	vld.idx.msk [tilespmem:v15+s2+$0x0], $0xffff  }
0x225: {  	v31 =	vadd.s32 s20, v1;
	s14 =	sadd.s32 $0x1000, s14;
	v33 =	vadd.s32 s18, v1;
	v32 =	vadd.s32 s17, v1;
	v18 =	vld.idx.msk [tilespmem:v18+s2+$0x0], $0xffff  }
0x226: {  	v21 =	vld.idx.msk [tilespmem:v21+s2+$0x0], $0xffff;
	[tilespmem:s14+$0x460] =	vst v8  }
0x227: {  	v6 =	vld.idx.msk [tilespmem:v6+s2+$0x0], $0xffff;
	[tilespmem:s14+$0x400] =	vst v9  }
0x228: {  	v5 =	vld.idx.msk [tilespmem:v5+s2+$0x0], $0xffff;
	[tilespmem:s14+$0x410] =	vst v11  }
0x229: {  	v4 =	vld.idx.msk [tilespmem:v4+s2+$0x0], $0xffff;
	[tilespmem:s14+$0x420] =	vst v13  }
0x22a: {  	v8 =	vld.idx.msk [tilespmem:v31+s2+$0x0], $0xffff;
	[tilespmem:s14+$0x430] =	vst v15  }
0x22b: {  	v9 =	vld.idx.msk [tilespmem:v10+s2+$0x0], $0xffff;
	[tilespmem:s14+$0x440] =	vst v18  }
0x22c: {  	v3 =	vld.idx.msk [tilespmem:v3+s2+$0x0], $0xffff;
	[tilespmem:s14+$0x450] =	vst v21  }
0x22d: {  	v10 =	vld.idx.msk [tilespmem:v12+s2+$0x0], $0xffff;
	[tilespmem:s14+$0x470] =	vst v7  }
0x22e: {  	v2 =	vld.idx.msk [tilespmem:v2+s2+$0x0], $0xffff;
	[tilespmem:s14+$0xFFFFF810] =	vst v6  }
0x22f: {  	[tilespmem:s14+$0xFFFFF820] =	vst v5;
	v5 =	vld.idx.msk [tilespmem:v14+s2+$0x0], $0xffff  }
0x230: {  	[tilespmem:s14+$0xFFFFF800] =	vst v8;
	v6 =	vld.idx.msk [tilespmem:v16+s2+$0x0], $0xffff  }
0x231: {  	[tilespmem:s14+$0xFFFFF830] =	vst v4;
	v4 =	vld.idx.msk [tilespmem:v17+s2+$0x0], $0xffff  }
0x232: {  	[tilespmem:s14+$0xFFFFF840] =	vst v9;
	v7 =	vld.idx.msk [tilespmem:v19+s2+$0x0], $0xffff  }
0x233: {  	[tilespmem:s14+$0xFFFFF850] =	vst v3;
	v3 =	vld.idx.msk [tilespmem:v20+s2+$0x0], $0xffff  }
0x234: {  	[tilespmem:s14+$0xFFFFF860] =	vst v10;
	v8 =	vld.idx.msk [tilespmem:v22+s2+$0x0], $0xffff  }
0x235: {  	[tilespmem:s14+$0xFFFFF870] =	vst v2;
	v2 =	vld.idx.msk [tilespmem:v23+s2+$0x0], $0xffff  }
0x236: {  	v9 =	vld.idx.msk [tilespmem:v24+s2+$0x0], $0xffff;
	[tilespmem:s14+$0xFFFFFC00] =	vst v5  }
0x237: {  	[tilespmem:s14+$0xFFFFFC10] =	vst v6;
	v10 =	vld.idx.msk [tilespmem:v25+s2+$0x0], $0xffff  }
0x238: {  	[tilespmem:s14+$0xFFFFFC20] =	vst v4;
	v11 =	vld.idx.msk [tilespmem:v26+s2+$0x0], $0xffff  }
0x239: {  	[tilespmem:s14+$0xFFFFFC30] =	vst v7;
	v7 =	vld.idx.msk [tilespmem:v27+s2+$0x0], $0xffff  }
0x23a: {  	[tilespmem:s14+$0xFFFFFC40] =	vst v3;
	v6 =	vld.idx.msk [tilespmem:v28+s2+$0x0], $0xffff  }
0x23b: {  	[tilespmem:s14+$0xFFFFFC50] =	vst v8;
	v5 =	vld.idx.msk [tilespmem:v29+s2+$0x0], $0xffff  }
.Ltmp6:
0x23c: {  	[tilespmem:s14+$0xFFFFFC60] =	vst v2;
	v4 =	vld.idx.msk [tilespmem:v30+s2+$0x0], $0xffff;
	(pc) =	sbr.rel @p1 .LBB2_15-.Ltmp6, $4  }
0x23d: {  	[tilespmem:s14+$0xFFFFFC70] =	vst v9;
	v3 =	vld.idx.msk [tilespmem:v32+s2+$0x0], $0xffff  }
0x23e: {  	v2 =	vld.idx.msk [tilespmem:v33+s2+$0x0], $0xffff;
	[tilespmem:s14+$0x0] =	vst v10  }
0x23f: {  	[tilespmem:s14+$0x10] =	vst v11  }
0x240: {  	s16 =	sadd.s32 $0x200, s16;
	[tilespmem:s14+$0x20] =	vst v7  }
0x241: {  	s15 =	ssub.s32 $0x7F8, s11  }
0x242: {  	s30 =	simm.s32 $0x1F0;
	v1 =	vadd.s32 s15, v0  }
0x243: {  	[tilespmem:s14+$0x30] =	vst v6;
	s16 =	simm.s32 $0x1E0;
	v6 =	vadd.s32 s30, v1  }
0x244: {  	[tilespmem:s14+$0x40] =	vst v5;
	s31 =	simm.s32 $0x180;
	v5 =	vadd.s32 s16, v1  }
0x245: {  	[tilespmem:s14+$0x50] =	vst v4;
	s17 =	simm.s32 $0x190;
	v4 =	vadd.s32 s31, v1  }
0x246: {  	s18 =	simm.s32 $0x1A0;
	[tilespmem:s14+$0x60] =	vst v3;
	v3 =	vadd.s32 s17, v1  }
0x247: {  	s19 =	simm.s32 $0x1B0;
	[tilespmem:s14+$0x70] =	vst v2;
	v2 =	vadd.s32 s18, v1  }
0x248: {  	s20 =	simm.s32 $0x1C0;
	v7 =	vadd.s32 s19, v1;
	v6 =	vld.idx.msk [tilespmem:v6+s2+$0x0], $0xffff  }
0x249: {  	s21 =	simm.s32 $0x1D0;
	v8 =	vadd.s32 s20, v1;
	v5 =	vld.idx.msk [tilespmem:v5+s2+$0x0], $0xffff  }
0x24a: {  	s29 =	simm.s32 $0x60;
	v9 =	vadd.s32 s21, v1;
	v4 =	vld.idx.msk [tilespmem:v4+s2+$0x0], $0xffff  }
0x24b: {  	s22 =	simm.s32 $0x10;
	v47 =	vadd.s32 s29, v1;
	v3 =	vld.idx.msk [tilespmem:v3+s2+$0x0], $0xffff  }
0x24c: {  	s23 =	simm.s32 $0x20;
	v10 =	vadd.s32 s22, v1;
	v2 =	vld.idx.msk [tilespmem:v2+s2+$0x0], $0xffff  }
0x24d: {  	s24 =	simm.s32 $0x30;
	v11 =	vadd.s32 s23, v1;
	v7 =	vld.idx.msk [tilespmem:v7+s2+$0x0], $0xffff  }
0x24e: {  	s25 =	simm.s32 $0x0;
	v12 =	vadd.s32 s24, v1;
	v8 =	vld.idx.msk [tilespmem:v8+s2+$0x0], $0xffff  }
0x24f: {  	s26 =	simm.s32 $0x40;
	v13 =	vadd.s32 s25, v1;
	v9 =	vld.idx.msk [tilespmem:v9+s2+$0x0], $0xffff;
	[tilespmem:s12+$0x460] =	vst v5  }
0x250: {  	s28 =	simm.s32 $0x50;
	v14 =	vadd.s32 s26, v1;
	v53 =	vld.idx.msk [tilespmem:v47+s2+$0x0], $0xffff;
	[tilespmem:s12+$0x400] =	vst v4  }
0x251: {  	v15 =	vadd.s32 s28, v1;
	s30 =	simm.s32 $0x70;
	v5 =	vld.idx.msk [tilespmem:v10+s2+$0x0], $0xffff;
	[tilespmem:s12+$0x410] =	vst v3  }
0x252: {  	s21 =	simm.s32 $0xE0;
	v48 =	vadd.s32 s30, v1;
	v4 =	vld.idx.msk [tilespmem:v11+s2+$0x0], $0xffff;
	[tilespmem:s12+$0x420] =	vst v2  }
0x253: {  	s22 =	simm.s32 $0xF0;
	v56 =	vadd.s32 s21, v1;
	v3 =	vld.idx.msk [tilespmem:v12+s2+$0x0], $0xffff;
	[tilespmem:s12+$0x430] =	vst v7  }
0x254: {  	s31 =	simm.s32 $0x80;
	v57 =	vadd.s32 s22, v1;
	v2 =	vld.idx.msk [tilespmem:v13+s2+$0x0], $0xffff;
	[tilespmem:s12+$0x440] =	vst v8  }
0x255: {  	s16 =	simm.s32 $0x90;
	v49 =	vadd.s32 s31, v1;
	v7 =	vld.idx.msk [tilespmem:v14+s2+$0x0], $0xffff;
	[tilespmem:s12+$0x450] =	vst v9  }
0x256: {  	s17 =	simm.s32 $0xA0;
	v50 =	vadd.s32 s16, v1;
	v8 =	vld.idx.msk [tilespmem:v15+s2+$0x0], $0xffff;
	[tilespmem:s12+$0x470] =	vst v6  }
0x257: {  	s18 =	simm.s32 $0xB0;
	v51 =	vadd.s32 s17, v1;
	v6 =	vld.idx.msk [tilespmem:v48+s2+$0x0], $0xffff;
	[tilespmem:s12+$0xFFFFF860] =	vst v53  }
0x258: {  	s19 =	simm.s32 $0xC0;
	v52 =	vadd.s32 s18, v1;
	v62 =	vld.idx.msk [tilespmem:v56+s2+$0x0], $0xffff;
	[tilespmem:s12+$0xFFFFF810] =	vst v5  }
0x259: {  	s20 =	simm.s32 $0xD0;
	v54 =	vadd.s32 s19, v1;
	v13 =	vld.idx.msk [tilespmem:v57+s2+$0x0], $0xffff;
	[tilespmem:s12+$0xFFFFF820] =	vst v4  }
0x25a: {  	s23 =	simm.s32 $0x100;
	v55 =	vadd.s32 s20, v1;
	v5 =	vld.idx.msk [tilespmem:v49+s2+$0x0], $0xffff;
	[tilespmem:s12+$0xFFFFF800] =	vst v2  }
0x25b: {  	s24 =	simm.s32 $0x110;
	v58 =	vadd.s32 s23, v1;
	v4 =	vld.idx.msk [tilespmem:v50+s2+$0x0], $0xffff;
	[tilespmem:s12+$0xFFFFF830] =	vst v3  }
0x25c: {  	s25 =	simm.s32 $0x120;
	v59 =	vadd.s32 s24, v1;
	v2 =	vld.idx.msk [tilespmem:v51+s2+$0x0], $0xffff;
	[tilespmem:s12+$0xFFFFF840] =	vst v7  }
0x25d: {  	s26 =	simm.s32 $0x130;
	v60 =	vadd.s32 s25, v1;
	v3 =	vld.idx.msk [tilespmem:v52+s2+$0x0], $0xffff;
	[tilespmem:s12+$0xFFFFF850] =	vst v8  }
0x25e: {  	s28 =	simm.s32 $0x140;
	v61 =	vadd.s32 s26, v1;
	v7 =	vld.idx.msk [tilespmem:v54+s2+$0x0], $0xffff;
	[tilespmem:s12+$0xFFFFF870] =	vst v6  }
0x25f: {  	s29 =	simm.s32 $0x150;
	v63 =	vadd.s32 s28, v1;
	v8 =	vld.idx.msk [tilespmem:v55+s2+$0x0], $0xffff;
	[tilespmem:s12+$0xFFFFFC60] =	vst v62  }
0x260: {  	v16 =	vadd.s32 s29, v1;
	s30 =	simm.s32 $0x160;
	v14 =	vld.idx.msk [tilespmem:v58+s2+$0x0], $0xffff;
	[tilespmem:s12+$0xFFFFFC70] =	vst v13  }
0x261: {  	s31 =	simm.s32 $0x170;
	v17 =	vadd.s32 s30, v1;
	v15 =	vld.idx.msk [tilespmem:v59+s2+$0x0], $0xffff;
	[tilespmem:s12+$0xFFFFFC00] =	vst v5  }
0x262: {  	v18 =	vadd.s32 s31, v1;
	v10 =	vld.idx.msk [tilespmem:v60+s2+$0x0], $0xffff;
	[tilespmem:s12+$0xFFFFFC10] =	vst v4  }
0x263: {  	v6 =	vld.idx.msk [tilespmem:v61+s2+$0x0], $0xffff;
	[tilespmem:s12+$0xFFFFFC20] =	vst v2  }
0x264: {  	[tilespmem:s12+$0xFFFFFC30] =	vst v3;
	v5 =	vld.idx.msk [tilespmem:v63+s2+$0x0], $0xffff  }
0x265: {  	[tilespmem:s12+$0xFFFFFC40] =	vst v7;
	v4 =	vld.idx.msk [tilespmem:v16+s2+$0x0], $0xffff  }
0x266: {  	[tilespmem:s12+$0xFFFFFC50] =	vst v8;
	v3 =	vld.idx.msk [tilespmem:v17+s2+$0x0], $0xffff  }
0x267: {  	v2 =	vld.idx.msk [tilespmem:v18+s2+$0x0], $0xffff;
	[tilespmem:s12+$0x0] =	vst v14  }
0x268: {  	[tilespmem:s12+$0x10] =	vst v15  }
0x269: {  	s15 =	simm.s32 $0x3F0;
	s14 =	simm.s32 $0x0;
	[tilespmem:s12+$0x20] =	vst v10  }
.LBB2_17:
0x26a: {  	s16 =	sadd.s32 $0xFFFFFE20, s15;
	s17 =	sadd.s32 $0xFFFFFFF0, s15;
	v7 =	vadd.s32 s15, v1;
	s14 =	sadd.s32 $0x4, s14;
	[tilespmem:s12+$0x30] =	vst v6  }
0x26b: {  	s18 =	sadd.s32 $0xFFFFFF90, s15;
	v6 =	vadd.s32 s16, v1;
	s16 =	sadd.s32 $0xFFFFFE30, s15;
	v8 =	vadd.s32 s17, v1;
	p1 =	slt.u32 s14, $0xC;
	[tilespmem:s12+$0x40] =	vst v5  }
0x26c: {  	s17 =	sadd.s32 $0xFFFFFE50, s15;
	v9 =	vadd.s32 s18, v1;
	s18 =	sadd.s32 $0xFFFFFFA0, s15;
	v5 =	vadd.s32 s16, v1;
	s16 =	sadd.s32 $0xFFFFFE40, s15;
	[tilespmem:s12+$0x50] =	vst v4  }
0x26d: {  	v10 =	vadd.s32 s17, v1;
	s17 =	sadd.s32 $0xFFFFFE70, s15;
	v11 =	vadd.s32 s18, v1;
	s18 =	sadd.s32 $0xFFFFFFB0, s15;
	v4 =	vadd.s32 s16, v1;
	s16 =	sadd.s32 $0xFFFFFE60, s15;
	[tilespmem:s12+$0x60] =	vst v3  }
0x26e: {  	v12 =	vadd.s32 s17, v1;
	s17 =	sadd.s32 $0xFFFFFE90, s15;
	v13 =	vadd.s32 s18, v1;
	s18 =	sadd.s32 $0xFFFFFFC0, s15;
	v3 =	vadd.s32 s16, v1;
	s16 =	sadd.s32 $0xFFFFFE80, s15;
	[tilespmem:s12+$0x70] =	vst v2  }
0x26f: {  	v14 =	vadd.s32 s17, v1;
	s17 =	sadd.s32 $0xFFFFFEB0, s15;
	v15 =	vadd.s32 s18, v1;
	s18 =	sadd.s32 $0xFFFFFFD0, s15;
	v2 =	vadd.s32 s16, v1;
	s16 =	sadd.s32 $0xFFFFFEA0, s15;
	v7 =	vld.idx.msk [tilespmem:v7+s2+$0x0], $0xffff  }
0x270: {  	v17 =	vadd.s32 s17, v1;
	s17 =	sadd.s32 $0xFFFFFED0, s15;
	v18 =	vadd.s32 s18, v1;
	s18 =	sadd.s32 $0xFFFFFFE0, s15;
	v16 =	vadd.s32 s16, v1;
	s16 =	sadd.s32 $0xFFFFFEC0, s15;
	v8 =	vld.idx.msk [tilespmem:v8+s2+$0x0], $0xffff  }
0x271: {  	s19 =	sadd.s32 $0xFFFFFF00, s15;
	v20 =	vadd.s32 s17, v1;
	s17 =	sadd.s32 $0xFFFFFEF0, s15;
	v21 =	vadd.s32 s18, v1;
	v19 =	vadd.s32 s16, v1;
	s16 =	sadd.s32 $0xFFFFFEE0, s15;
	v9 =	vld.idx.msk [tilespmem:v9+s2+$0x0], $0xffff  }
0x272: {  	v24 =	vadd.s32 s19, v1;
	s18 =	sadd.s32 $0xFFFFFF30, s15;
	v23 =	vadd.s32 s17, v1;
	s17 =	sadd.s32 $0xFFFFFF20, s15;
	v22 =	vadd.s32 s16, v1;
	s16 =	sadd.s32 $0xFFFFFF10, s15;
	v11 =	vld.idx.msk [tilespmem:v11+s2+$0x0], $0xffff  }
0x273: {  	v27 =	vadd.s32 s18, v1;
	s18 =	sadd.s32 $0xFFFFFF60, s15;
	v26 =	vadd.s32 s17, v1;
	s17 =	sadd.s32 $0xFFFFFF50, s15;
	v25 =	vadd.s32 s16, v1;
	s16 =	sadd.s32 $0xFFFFFF40, s15;
	v13 =	vld.idx.msk [tilespmem:v13+s2+$0x0], $0xffff  }
0x274: {  	s19 =	sadd.s32 $0xFFFFFE10, s15;
	v30 =	vadd.s32 s18, v1;
	v29 =	vadd.s32 s17, v1;
	s17 =	sadd.s32 $0xFFFFFF80, s15;
	v28 =	vadd.s32 s16, v1;
	s16 =	sadd.s32 $0xFFFFFF70, s15;
	v15 =	vld.idx.msk [tilespmem:v15+s2+$0x0], $0xffff  }
0x275: {  	v31 =	vadd.s32 s19, v1;
	s12 =	sadd.s32 $0x1000, s12;
	v33 =	vadd.s32 s17, v1;
	v32 =	vadd.s32 s16, v1;
	v18 =	vld.idx.msk [tilespmem:v18+s2+$0x0], $0xffff  }
0x276: {  	v21 =	vld.idx.msk [tilespmem:v21+s2+$0x0], $0xffff;
	[tilespmem:s12+$0x460] =	vst v8  }
0x277: {  	v6 =	vld.idx.msk [tilespmem:v6+s2+$0x0], $0xffff;
	[tilespmem:s12+$0x400] =	vst v9  }
0x278: {  	v5 =	vld.idx.msk [tilespmem:v5+s2+$0x0], $0xffff;
	[tilespmem:s12+$0x410] =	vst v11  }
0x279: {  	v4 =	vld.idx.msk [tilespmem:v4+s2+$0x0], $0xffff;
	[tilespmem:s12+$0x420] =	vst v13  }
0x27a: {  	v8 =	vld.idx.msk [tilespmem:v31+s2+$0x0], $0xffff;
	[tilespmem:s12+$0x430] =	vst v15  }
0x27b: {  	v9 =	vld.idx.msk [tilespmem:v10+s2+$0x0], $0xffff;
	[tilespmem:s12+$0x440] =	vst v18  }
0x27c: {  	v3 =	vld.idx.msk [tilespmem:v3+s2+$0x0], $0xffff;
	[tilespmem:s12+$0x450] =	vst v21  }
0x27d: {  	v10 =	vld.idx.msk [tilespmem:v12+s2+$0x0], $0xffff;
	[tilespmem:s12+$0x470] =	vst v7  }
0x27e: {  	v2 =	vld.idx.msk [tilespmem:v2+s2+$0x0], $0xffff;
	[tilespmem:s12+$0xFFFFF810] =	vst v6  }
0x27f: {  	[tilespmem:s12+$0xFFFFF820] =	vst v5;
	v5 =	vld.idx.msk [tilespmem:v14+s2+$0x0], $0xffff  }
0x280: {  	[tilespmem:s12+$0xFFFFF800] =	vst v8;
	v6 =	vld.idx.msk [tilespmem:v16+s2+$0x0], $0xffff  }
0x281: {  	[tilespmem:s12+$0xFFFFF830] =	vst v4;
	v4 =	vld.idx.msk [tilespmem:v17+s2+$0x0], $0xffff  }
0x282: {  	[tilespmem:s12+$0xFFFFF840] =	vst v9;
	v7 =	vld.idx.msk [tilespmem:v19+s2+$0x0], $0xffff  }
0x283: {  	[tilespmem:s12+$0xFFFFF850] =	vst v3;
	v3 =	vld.idx.msk [tilespmem:v20+s2+$0x0], $0xffff  }
0x284: {  	[tilespmem:s12+$0xFFFFF860] =	vst v10;
	v8 =	vld.idx.msk [tilespmem:v22+s2+$0x0], $0xffff  }
0x285: {  	[tilespmem:s12+$0xFFFFF870] =	vst v2;
	v2 =	vld.idx.msk [tilespmem:v23+s2+$0x0], $0xffff  }
0x286: {  	v9 =	vld.idx.msk [tilespmem:v24+s2+$0x0], $0xffff;
	[tilespmem:s12+$0xFFFFFC00] =	vst v5  }
0x287: {  	[tilespmem:s12+$0xFFFFFC10] =	vst v6;
	v10 =	vld.idx.msk [tilespmem:v25+s2+$0x0], $0xffff  }
0x288: {  	[tilespmem:s12+$0xFFFFFC20] =	vst v4;
	v11 =	vld.idx.msk [tilespmem:v26+s2+$0x0], $0xffff  }
0x289: {  	[tilespmem:s12+$0xFFFFFC30] =	vst v7;
	v7 =	vld.idx.msk [tilespmem:v27+s2+$0x0], $0xffff  }
0x28a: {  	[tilespmem:s12+$0xFFFFFC40] =	vst v3;
	v6 =	vld.idx.msk [tilespmem:v28+s2+$0x0], $0xffff  }
0x28b: {  	[tilespmem:s12+$0xFFFFFC50] =	vst v8;
	v5 =	vld.idx.msk [tilespmem:v29+s2+$0x0], $0xffff  }
.Ltmp7:
0x28c: {  	[tilespmem:s12+$0xFFFFFC60] =	vst v2;
	v4 =	vld.idx.msk [tilespmem:v30+s2+$0x0], $0xffff;
	(pc) =	sbr.rel @p1 .LBB2_17-.Ltmp7, $4  }
0x28d: {  	[tilespmem:s12+$0xFFFFFC70] =	vst v9;
	v3 =	vld.idx.msk [tilespmem:v32+s2+$0x0], $0xffff  }
0x28e: {  	v2 =	vld.idx.msk [tilespmem:v33+s2+$0x0], $0xffff;
	[tilespmem:s12+$0x0] =	vst v10  }
0x28f: {  	[tilespmem:s12+$0x10] =	vst v11  }
0x290: {  	s15 =	sadd.s32 $0x200, s15;
	[tilespmem:s12+$0x20] =	vst v7  }
0x291: {  	s10 =	sadd.s32 $0x1, s10  }
0x292: {  	[tilespmem:s12+$0x30] =	vst v6;
	p1 =	sne.s32 s10, $0x80  }
.Ltmp8:
0x293: {  	[tilespmem:s12+$0x40] =	vst v5;
	(pc) =	sbr.rel @p1 .LBB2_2-.Ltmp8, $4  }
0x294: {  	[tilespmem:s12+$0x50] =	vst v4  }
0x295: {  	s11 =	sshll.u32 s11, $0x8;
	[tilespmem:s12+$0x60] =	vst v3  }
0x296: {  	p0 =	por !p0, !p0;
	s11 =	sadd.s32 s11, s5;
	[tilespmem:s12+$0x70] =	vst v2  }
0x297: {  	[hbm4b:s11+s2] =	stream.linear.scatter [tilespmem:s13], [sflag:$0x1], $0x4000, $0x38;
	[tilespmem:$0x9000] =	vst v63  }
0x298: {  	s9 =	sadd.s32 $0x1, s9  }
0x299: {  	_ =	swait.ge [sflag:s8], $0x4000;
	p0 =	sne.s32 s9, s6  }
.Ltmp9:
0x29a: {  	[sflag:s8] =	ssyncset.done $0x0;
	(pc) =	sbr.rel @p0 .LBB2_1-.Ltmp9, $4  }
0x29b: {  	[sflag:s8] =	ssyncadd.s32 $0xFFFFC000  }
0x29c: {  	_ =	swait.ge [sflag:s8], $0x4000  }
0x29d: {  	[sflag:s8] =	ssyncset.done $0x0  }
0x29e: {  	[sflag:s8] =	ssyncadd.s32 $0xFFFFC000  }
0x29f: {  	_ =	sfence.sel $0x180000  }
0x2a0: {  	[bflag:$0x0] =	sbarrier.arrive $0xFFFF  }
0x2a1: {  	p0 =	sne.s32 s1, $0x0;
	_ =	strace $0x90000047  }
0x2a2: {  	s0 =	sadd.s32 @!p0 $0x100000, s0;
	[bflag:$0x2] =	sbarrier.arrive $0xFFFF  }
0x2a3: {  	[sflag:s0] =	ssyncadd.tile.s32 @!p0 $0x1;
	_ =	shalt  }
.Lfunc_end2:
_tile_overlayer_lowered:
.L_overlay_start_2:
0x2a4: {  	(tag) =	ssettag $0x2  }
0x2a5: {  	s0 =	rddreg [dreg:$0x0];
	s2 =	stileid.u32  }
0x2a6: {  	s1 =	rddreg [dreg:$0x1];
	p0 =	sne.s32 s2, $0x0  }
0x2a7: {  	s3 =	rddreg [dreg:$0x2];
	[bflag:$0x3] =	sbarrier.arrive $0xFFFF;
	s2 =	simm.s32 @!p0 $0x1C02  }
0x2a8: {  	[timem:s3], [sflag:s2] =	dma.local @!p0 [hbm:s0], s1  }
0x2a9: {  	s0 =	simm.s32 @!p0 $0x2  }
0x2aa: {  	_ =	swait.ge @!p0 [sflag:s0], s1  }
0x2ab: {  	s1 =	ssub.s32 @!p0 $0x0, s1;
	[sflag:s0] =	ssyncset.done @!p0 $0x0  }
0x2ac: {  	[sflag:s0] =	ssyncadd.s32 @!p0 s1  }
0x2ad: {  	[bflag:$0x3] =	sbarrier.arrive $0xFFFF  }
0x2ae: {  	_ =	shalt  }

</sc_bundles>
